<compile_context>
chip_gen: v7x
topology: tpu7x:2x2x1
jax: 0.10.2.dev20260603
libtpu: 0.0.44.dev20260713+nightly
codegen_flags: <defaults>
</compile_context>

<pallas_src>
import functools

import jax
import jax.numpy as jnp
from jax import lax
from jax.experimental import pallas as pl
from jax.experimental.pallas import tpu as pltpu
from jax.experimental.pallas import tpu_sc as plsc

N = 10000
H = 128
NPAD = 10240
E = 320000
K = 128
NTILES = 32
CHUNKS = 80
EP_TILE = K * CHUNKS
EPAD = EP_TILE * NTILES
RPT = NPAD // 16
PAIRC = 2 * CHUNKS
CH0 = 120
HB = 40
BLK = 512
GRID = NPAD // BLK

_MESH = dict(core_axis_name="c", subcore_axis_name="s")



def _sc_deg_body(col_hbm, ones_hbm, zeros_hbm, out_hbm, coli_v, ones_v, acc_sh):
    c = lax.axis_index("c")
    s = lax.axis_index("s")
    wid = s * 2 + c
    rbase = pl.multiple_of(s * RPT, RPT)

    pltpu.sync_copy(zeros_hbm.at[pl.ds(rbase, RPT)], acc_sh.at[pl.ds(rbase, RPT)])
    pltpu.sync_copy(ones_hbm, ones_v)
    plsc.subcore_barrier()

    ebase = pl.multiple_of(wid * EP_TILE, K)

    def body(j, carry):
        off = pl.multiple_of(ebase + j * K, K)
        pltpu.sync_copy(col_hbm.at[pl.ds(off, K)], coli_v)
        pltpu.sync_copy(ones_v, acc_sh.at[coli_v], add=True)
        return carry

    lax.fori_loop(0, CHUNKS, body, 0)
    plsc.subcore_barrier()
    pltpu.sync_copy(acc_sh.at[pl.ds(rbase, RPT)], out_hbm.at[c, pl.ds(rbase, RPT)])


_sc_deg = functools.partial(
    pl.kernel,
    mesh=plsc.VectorSubcoreMesh(**_MESH),
    out_type=jax.ShapeDtypeStruct((2, NPAD, H), jnp.float32),
    scratch_types=[
        pltpu.VMEM((K,), jnp.int32),
        pltpu.VMEM((K, H), jnp.float32),
        pltpu.VMEM_SHARED((NPAD, H), jnp.float32),
    ],
)(_sc_deg_body)


def _sc_scatter_body(u_hbm, row_hbm, col_hbm, zeros_hbm, out_hbm,
                     rslab, cslab, buf0, buf1, acc_sh, gsem0, gsem1):
    c = lax.axis_index("c")
    s = lax.axis_index("s")
    rbase = pl.multiple_of(s * RPT, RPT)

    pltpu.sync_copy(zeros_hbm.at[pl.ds(rbase, RPT)], acc_sh.at[pl.ds(rbase, RPT)])
    plsc.subcore_barrier()

    nh = 3 - 2 * c
    cbase = c * CH0

    def fire(jj, buf, sem):
        pltpu.async_copy(u_hbm.at[rslab.at[jj]], buf, sem)

    def drain(jj, buf, sem):
        pltpu.make_async_copy(u_hbm.at[rslab.at[jj]], buf, sem).wait()

    def step(jj, buf, sem):
        drain(jj, buf, sem)
        pltpu.sync_copy(buf, acc_sh.at[cslab.at[jj]], add=True)

        @pl.when(jj + 2 < HB)
        def _():
            fire(jj + 2, buf, sem)

    def body(i, carry):
        j0 = pl.multiple_of(i * 2, 2)
        step(j0, buf0, gsem0)
        step(j0 + 1, buf1, gsem1)
        return carry

    for h in range(3):
        @pl.when(h < nh)
        def _(h=h):
            hoff = pl.multiple_of(cbase + h * HB, HB)
            pltpu.sync_copy(row_hbm.at[s, pl.ds(hoff, HB)], rslab)
            pltpu.sync_copy(col_hbm.at[s, pl.ds(hoff, HB)], cslab)
            fire(0, buf0, gsem0)
            fire(1, buf1, gsem1)
            lax.fori_loop(0, HB // 2, body, 0)

    plsc.subcore_barrier()
    pltpu.sync_copy(acc_sh.at[pl.ds(rbase, RPT)], out_hbm.at[c, pl.ds(rbase, RPT)])


_sc_scatter = functools.partial(
    pl.kernel,
    mesh=plsc.VectorSubcoreMesh(**_MESH),
    out_type=jax.ShapeDtypeStruct((2, NPAD, H), jnp.float32),
    scratch_types=[
        pltpu.VMEM((HB, K), jnp.int32),
        pltpu.VMEM((HB, K), jnp.int32),
        pltpu.VMEM((K, H), jnp.float32),
        pltpu.VMEM((K, H), jnp.float32),
        pltpu.VMEM_SHARED((NPAD, H), jnp.float32),
        pltpu.SemaphoreType.DMA,
        pltpu.SemaphoreType.DMA,
    ],
)(_sc_scatter_body)



def _dis(degp_blk):
    d = jnp.sum(jnp.sum(degp_blk, axis=0), axis=1, keepdims=True) * (1.0 / H)
    return lax.rsqrt(1.0 + d)


def _tc_enc_body(x_ref, degp_ref, W1_ref, b1_ref, W2_ref, b2_ref, Wc_ref, u_ref):
    dis = _dis(degp_ref[...])
    h = jnp.dot(x_ref[...], W1_ref[...], preferred_element_type=jnp.float32)
    h = jax.nn.relu(h + b1_ref[...])
    h = jnp.dot(h, W2_ref[...], preferred_element_type=jnp.float32) + b2_ref[...]
    u_ref[...] = dis * jnp.dot(h, Wc_ref[...], preferred_element_type=jnp.float32)


def _tc_enc(xp, degp, W1, b1, W2, b2, Wc0):
    return pl.pallas_call(
        _tc_enc_body,
        grid=(GRID,),
        in_specs=[
            pl.BlockSpec((BLK, H), lambda i: (i, 0)),
            pl.BlockSpec((2, BLK, H), lambda i: (0, i, 0)),
            pl.BlockSpec((H, H), lambda i: (0, 0)),
            pl.BlockSpec((1, H), lambda i: (0, 0)),
            pl.BlockSpec((H, H), lambda i: (0, 0)),
            pl.BlockSpec((1, H), lambda i: (0, 0)),
            pl.BlockSpec((H, H), lambda i: (0, 0)),
        ],
        out_specs=pl.BlockSpec((BLK, H), lambda i: (i, 0)),
        out_shape=jax.ShapeDtypeStruct((NPAD, H), jnp.float32),
    )(xp, degp, W1, b1.reshape(1, H), W2, b2.reshape(1, H), Wc0)


def _tc_layer_body(p_ref, u_ref, degp_ref, b_ref, W_ref, o_ref):
    dis = _dis(degp_ref[...])
    agg = jnp.sum(p_ref[...], axis=0) + u_ref[...]
    h = jax.nn.relu(dis * agg + b_ref[...])
    o_ref[...] = dis * jnp.dot(h, W_ref[...], preferred_element_type=jnp.float32)


def _tc_layer(p, u, degp, b, W):
    return pl.pallas_call(
        _tc_layer_body,
        grid=(GRID,),
        in_specs=[
            pl.BlockSpec((2, BLK, H), lambda i: (0, i, 0)),
            pl.BlockSpec((BLK, H), lambda i: (i, 0)),
            pl.BlockSpec((2, BLK, H), lambda i: (0, i, 0)),
            pl.BlockSpec((1, H), lambda i: (0, 0)),
            pl.BlockSpec((H, H), lambda i: (0, 0)),
        ],
        out_specs=pl.BlockSpec((BLK, H), lambda i: (i, 0)),
        out_shape=jax.ShapeDtypeStruct((NPAD, H), jnp.float32),
    )(p, u, degp, b.reshape(1, H), W)


def _tc_final_body(p_ref, u_ref, degp_ref, b_ref, o_ref):
    dis = _dis(degp_ref[...])
    agg = jnp.sum(p_ref[...], axis=0) + u_ref[...]
    o_ref[...] = jax.nn.relu(dis * agg + b_ref[...])


def _tc_final(p, u, degp, b):
    return pl.pallas_call(
        _tc_final_body,
        grid=(GRID,),
        in_specs=[
            pl.BlockSpec((2, BLK, H), lambda i: (0, i, 0)),
            pl.BlockSpec((BLK, H), lambda i: (i, 0)),
            pl.BlockSpec((2, BLK, H), lambda i: (0, i, 0)),
            pl.BlockSpec((1, H), lambda i: (0, 0)),
        ],
        out_specs=pl.BlockSpec((BLK, H), lambda i: (i, 0)),
        out_shape=jax.ShapeDtypeStruct((NPAD, H), jnp.float32),
    )(p, u, degp, b.reshape(1, H))



def kernel(x, edge_index, W1, b1, W2, b2, Wc0, bc0, Wc1, bc1, Wc2, bc2):
    xp = jnp.zeros((NPAD, H), jnp.float32).at[:N].set(x)
    pad = EPAD - E
    padcol = N + (jnp.arange(pad, dtype=jnp.int32) % (NPAD - N))
    rowp = jnp.concatenate([edge_index[0], jnp.zeros((pad,), jnp.int32)])
    colp = jnp.concatenate([edge_index[1], padcol])
    rowsl = rowp.reshape(NTILES // 2, PAIRC, K)
    colsl = colp.reshape(NTILES // 2, PAIRC, K)
    zerosNP = jnp.zeros((NPAD, H), jnp.float32)

    onesK = jnp.ones((K, H), jnp.float32)
    degp = _sc_deg(colp, onesK, zerosNP)

    u = _tc_enc(xp, degp, W1, b1, W2, b2, Wc0)
    p = _sc_scatter(u, rowsl, colsl, zerosNP)
    u = _tc_layer(p, u, degp, bc0, Wc1)
    p = _sc_scatter(u, rowsl, colsl, zerosNP)
    u = _tc_layer(p, u, degp, bc1, Wc2)
    p = _sc_scatter(u, rowsl, colsl, zerosNP)
    out = _tc_final(p, u, degp, bc2)
    return out[:N]

# --- scband reference (transcript-rebuilt; emitter-appended) ---
"""Pipeline reference for scband-gaeencoder-58995670778277 (READ-ONLY COPY).

The authoritative reference and input builder live on the scoring server;
editing this copy changes nothing except your own understanding.
"""

import jax, jax.numpy as jnp
import numpy as np

N = 10000
E = 320000
D = 128
H = 128


def setup_inputs(seed: int = 0) -> dict:
    key = jax.random.key(seed)
    ks = jax.random.split(key, 12)
    scale = 0.05
    inp = {}
    inp["x"] = jax.random.normal(ks[0], (N, D), dtype=jnp.float32)
    inp["edge_index"] = jax.random.randint(ks[1], (2, E), 0, N, dtype=jnp.int32)
    inp["W1"] = jax.random.normal(ks[2], (D, H), dtype=jnp.float32) * scale
    inp["b1"] = jnp.zeros((H,), dtype=jnp.float32)
    inp["W2"] = jax.random.normal(ks[3], (H, H), dtype=jnp.float32) * scale
    inp["b2"] = jnp.zeros((H,), dtype=jnp.float32)
    inp["Wc0"] = jax.random.normal(ks[4], (H, H), dtype=jnp.float32) * scale
    inp["bc0"] = jnp.zeros((H,), dtype=jnp.float32)
    inp["Wc1"] = jax.random.normal(ks[5], (H, H), dtype=jnp.float32) * scale
    inp["bc1"] = jnp.zeros((H,), dtype=jnp.float32)
    inp["Wc2"] = jax.random.normal(ks[6], (H, H), dtype=jnp.float32) * scale
    inp["bc2"] = jnp.zeros((H,), dtype=jnp.float32)
    return inp


def _gcn_conv(h, row, col, W, b):
    # PyG GCNConv: x' = D^{-1/2} (A + I) D^{-1/2} (X W) + b, self-loops already in row/col
    hw = h @ W
    deg = jnp.zeros((N,), dtype=hw.dtype).at[col].add(1.0)
    dis = jnp.where(deg > 0, jax.lax.rsqrt(jnp.maximum(deg, 1e-12)), 0.0)
    norm = dis[row] * dis[col]
    msg = norm[:, None] * hw[row]
    agg = jnp.zeros((N, hw.shape[1]), dtype=hw.dtype).at[col].add(msg)
    return agg + b


def reference(x, edge_index, W1, b1, W2, b2, Wc0, bc0, Wc1, bc1, Wc2, bc2):
    # node_encoder: Linear -> ReLU -> Dropout(eval: identity) -> Linear
    h = jax.nn.relu(x @ W1 + b1) @ W2 + b2
    loop = jnp.arange(N, dtype=edge_index.dtype)
    row = jnp.concatenate([edge_index[0], loop])
    col = jnp.concatenate([edge_index[1], loop])
    for (W, b) in ((Wc0, bc0), (Wc1, bc1), (Wc2, bc2)):
        h = _gcn_conv(h, row, col, W, b)
        h = jax.nn.relu(h)
        # dropout: identity at inference (training=False)
    return h

if __name__ == "__main__":
    import jax
    _d = setup_inputs()
    print(jax.jit(kernel)(*tuple(_d.values())))

</pallas_src>

<mosaic_0001>
#map = affine_map<(d0, d1) -> (0, 0)>
#map1 = affine_map<(d0, d1) -> (0, 0, 0)>
module attributes {stable_mosaic.version = 14 : i64} {
  func.func @_sc_scatter_body(%arg0: i32, %arg1: i32, %arg2: memref<10240x128xf32, #tpu.memory_space<hbm>>, %arg3: memref<16x160x128xi32, #tpu.memory_space<hbm>>, %arg4: memref<16x160x128xi32, #tpu.memory_space<hbm>>, %arg5: memref<10240x128xf32, #tpu.memory_space<hbm>>, %arg6: memref<2x10240x128xf32, #tpu.memory_space<hbm>>, %arg7: memref<40x128xi32, #tpu.memory_space<vmem>>, %arg8: memref<40x128xi32, #tpu.memory_space<vmem>>, %arg9: memref<128x128xf32, #tpu.memory_space<vmem>>, %arg10: memref<128x128xf32, #tpu.memory_space<vmem>>, %arg11: memref<10240x128xf32, #tpu.memory_space<vmem_shared>>, %arg12: memref<!tpu.dma_semaphore, #tpu.memory_space<semaphore_mem>>, %arg13: memref<!tpu.dma_semaphore, #tpu.memory_space<semaphore_mem>>) attributes {dimension_semantics = [#tpu.dimension_semantics<core_parallel>, #tpu.dimension_semantics<subcore_parallel>], iteration_bounds = array<i64: 2, 16>, scalar_prefetch = 0 : i64, scratch_operands = 7 : i64, tpu.core_type = #tpu.core_type<sc_vector_subcore>, window_params = [{transform_indices = #map}, {transform_indices = #map1}, {transform_indices = #map1}, {transform_indices = #map}, {transform_indices = #map1}]} {
    %mul3A = arith.constant 640 : i32
    %mul3A_0 = arith.muli %arg1, %mul3A : i32
    %multiple_of3A = tpu.assume_multiple %mul3A_0, 640 : i32
    "tpu.region"() ({
      %run_scoped3A = tpu.sem_alloc : memref<!tpu.dma_semaphore, #tpu.memory_space<semaphore_mem>>
      %dma_start3A = arith.constant 0 : i32
      %dma_start3A_19 = tpu.memref_slice %arg11[%multiple_of3A, %dma_start3A] : memref<10240x128xf32, #tpu.memory_space<vmem_shared>> -> memref<640x128xf32, #tpu.memory_space<vmem_shared>>
      %dma_start3A_20 = arith.constant 0 : i32
      %dma_start3A_21 = tpu.memref_slice %arg5[%multiple_of3A, %dma_start3A_20] : memref<10240x128xf32, #tpu.memory_space<hbm>> -> memref<640x128xf32, #tpu.memory_space<hbm>>
      tpu.enqueue_dma source(%dma_start3A_21 : memref<640x128xf32, #tpu.memory_space<hbm>>) target(%dma_start3A_19 : memref<640x128xf32, #tpu.memory_space<vmem_shared>>) target_semaphore(%run_scoped3A : memref<!tpu.dma_semaphore, #tpu.memory_space<semaphore_mem>>)
      %dma_wait3A = arith.constant 0 : i32
      %dma_wait3A_22 = tpu.memref_slice %arg11[%multiple_of3A, %dma_wait3A] : memref<10240x128xf32, #tpu.memory_space<vmem_shared>> -> memref<640x128xf32, #tpu.memory_space<vmem_shared>>
      %dma_wait3A_23 = arith.constant 0 : i32
      %dma_wait3A_24 = tpu.memref_slice %arg5[%multiple_of3A, %dma_wait3A_23] : memref<10240x128xf32, #tpu.memory_space<hbm>> -> memref<640x128xf32, #tpu.memory_space<hbm>>
      tpu.wait_dma2 semaphore(%run_scoped3A : memref<!tpu.dma_semaphore, #tpu.memory_space<semaphore_mem>>) src(%dma_wait3A_24 : memref<640x128xf32, #tpu.memory_space<hbm>>) dst(%dma_wait3A_22 : memref<640x128xf32, #tpu.memory_space<vmem_shared>>)
      tpu.yield
    }) : () -> ()
    %barrier3A = arith.constant 0 : index
    tpu.barrier barrier_id(%barrier3A)
    %mul3A_1 = arith.constant 2 : i32
    %mul3A_2 = arith.muli %mul3A_1, %arg0 : i32
    %sub3A = arith.constant 3 : i32
    %sub3A_3 = arith.subi %sub3A, %mul3A_2 : i32
    %mul3A_4 = arith.constant 120 : i32
    %mul3A_5 = arith.muli %arg0, %mul3A_4 : i32
    %gt3A = arith.constant 0 : i32
    %gt3A_6 = arith.cmpi sgt, %sub3A_3, %gt3A : i32
    %convert_element_type3A = arith.extui %gt3A_6 : i1 to i32
    %cond3A = arith.constant 0 : i32
    %cond3A_7 = arith.cmpi ne, %convert_element_type3A, %cond3A : i32
    scf.if %cond3A_7 {
      %add3A = arith.constant 0 : i32
      %add3A_19 = arith.addi %mul3A_5, %add3A : i32
      %multiple_of3A_20 = tpu.assume_multiple %add3A_19, 40 : i32
      "tpu.region"() ({
        %run_scoped3A = tpu.sem_alloc : memref<!tpu.dma_semaphore, #tpu.memory_space<semaphore_mem>>
        %dma_start3A_39 = arith.constant 0 : i32
        %dma_start3A_40 = tpu.memref_slice %arg3[%arg1, %multiple_of3A_20, %dma_start3A_39] : memref<16x160x128xi32, #tpu.memory_space<hbm>> -> memref<1x40x128xi32, #tpu.memory_space<hbm>>
        %dma_start3A_41 = tpu.memref_squeeze %dma_start3A_40 : memref<1x40x128xi32, #tpu.memory_space<hbm>> -> memref<40x128xi32, #tpu.memory_space<hbm>>
        %dma_start3A_42 = arith.constant 0 : i32
        %dma_start3A_43 = tpu.memref_slice %arg3[%arg1, %multiple_of3A_20, %dma_start3A_42] : memref<16x160x128xi32, #tpu.memory_space<hbm>> -> memref<1x40x128xi32, #tpu.memory_space<hbm>>
        %dma_start3A_44 = tpu.memref_squeeze %dma_start3A_43 : memref<1x40x128xi32, #tpu.memory_space<hbm>> -> memref<40x128xi32, #tpu.memory_space<hbm>>
        tpu.enqueue_dma source(%dma_start3A_44 : memref<40x128xi32, #tpu.memory_space<hbm>>) target(%arg7 : memref<40x128xi32, #tpu.memory_space<vmem>>) target_semaphore(%run_scoped3A : memref<!tpu.dma_semaphore, #tpu.memory_space<semaphore_mem>>)
        %dma_wait3A = arith.constant 0 : i32
        %dma_wait3A_45 = tpu.memref_slice %arg3[%arg1, %multiple_of3A_20, %dma_wait3A] : memref<16x160x128xi32, #tpu.memory_space<hbm>> -> memref<1x40x128xi32, #tpu.memory_space<hbm>>
        %dma_wait3A_46 = tpu.memref_squeeze %dma_wait3A_45 : memref<1x40x128xi32, #tpu.memory_space<hbm>> -> memref<40x128xi32, #tpu.memory_space<hbm>>
        %dma_wait3A_47 = arith.constant 0 : i32
        %dma_wait3A_48 = tpu.memref_slice %arg3[%arg1, %multiple_of3A_20, %dma_wait3A_47] : memref<16x160x128xi32, #tpu.memory_space<hbm>> -> memref<1x40x128xi32, #tpu.memory_space<hbm>>
        %dma_wait3A_49 = tpu.memref_squeeze %dma_wait3A_48 : memref<1x40x128xi32, #tpu.memory_space<hbm>> -> memref<40x128xi32, #tpu.memory_space<hbm>>
        tpu.wait_dma2 semaphore(%run_scoped3A : memref<!tpu.dma_semaphore, #tpu.memory_space<semaphore_mem>>) src(%dma_wait3A_49 : memref<40x128xi32, #tpu.memory_space<hbm>>) dst(%arg7 : memref<40x128xi32, #tpu.memory_space<vmem>>)
        tpu.yield
      }) : () -> ()
      "tpu.region"() ({
        %run_scoped3A = tpu.sem_alloc : memref<!tpu.dma_semaphore, #tpu.memory_space<semaphore_mem>>
        %dma_start3A_39 = arith.constant 0 : i32
        %dma_start3A_40 = tpu.memref_slice %arg4[%arg1, %multiple_of3A_20, %dma_start3A_39] : memref<16x160x128xi32, #tpu.memory_space<hbm>> -> memref<1x40x128xi32, #tpu.memory_space<hbm>>
        %dma_start3A_41 = tpu.memref_squeeze %dma_start3A_40 : memref<1x40x128xi32, #tpu.memory_space<hbm>> -> memref<40x128xi32, #tpu.memory_space<hbm>>
        %dma_start3A_42 = arith.constant 0 : i32
        %dma_start3A_43 = tpu.memref_slice %arg4[%arg1, %multiple_of3A_20, %dma_start3A_42] : memref<16x160x128xi32, #tpu.memory_space<hbm>> -> memref<1x40x128xi32, #tpu.memory_space<hbm>>
        %dma_start3A_44 = tpu.memref_squeeze %dma_start3A_43 : memref<1x40x128xi32, #tpu.memory_space<hbm>> -> memref<40x128xi32, #tpu.memory_space<hbm>>
        tpu.enqueue_dma source(%dma_start3A_44 : memref<40x128xi32, #tpu.memory_space<hbm>>) target(%arg8 : memref<40x128xi32, #tpu.memory_space<vmem>>) target_semaphore(%run_scoped3A : memref<!tpu.dma_semaphore, #tpu.memory_space<semaphore_mem>>)
        %dma_wait3A = arith.constant 0 : i32
        %dma_wait3A_45 = tpu.memref_slice %arg4[%arg1, %multiple_of3A_20, %dma_wait3A] : memref<16x160x128xi32, #tpu.memory_space<hbm>> -> memref<1x40x128xi32, #tpu.memory_space<hbm>>
        %dma_wait3A_46 = tpu.memref_squeeze %dma_wait3A_45 : memref<1x40x128xi32, #tpu.memory_space<hbm>> -> memref<40x128xi32, #tpu.memory_space<hbm>>
        %dma_wait3A_47 = arith.constant 0 : i32
        %dma_wait3A_48 = tpu.memref_slice %arg4[%arg1, %multiple_of3A_20, %dma_wait3A_47] : memref<16x160x128xi32, #tpu.memory_space<hbm>> -> memref<1x40x128xi32, #tpu.memory_space<hbm>>
        %dma_wait3A_49 = tpu.memref_squeeze %dma_wait3A_48 : memref<1x40x128xi32, #tpu.memory_space<hbm>> -> memref<40x128xi32, #tpu.memory_space<hbm>>
        tpu.wait_dma2 semaphore(%run_scoped3A : memref<!tpu.dma_semaphore, #tpu.memory_space<semaphore_mem>>) src(%dma_wait3A_49 : memref<40x128xi32, #tpu.memory_space<hbm>>) dst(%arg8 : memref<40x128xi32, #tpu.memory_space<vmem>>)
        tpu.yield
      }) : () -> ()
      %dma_start3A = arith.constant 0 : i32
      %dma_start3A_21 = arith.constant 0 : i32
      %dma_start3A_22 = tpu.memref_slice %arg7[%dma_start3A, %dma_start3A_21] : memref<40x128xi32, #tpu.memory_space<vmem>> -> memref<1x128xi32, #tpu.memory_space<vmem>>
      %dma_start3A_23 = tpu.memref_squeeze %dma_start3A_22 : memref<1x128xi32, #tpu.memory_space<vmem>> -> memref<128xi32, #tpu.memory_space<vmem>>
      %dma_start3A_24 = arith.constant 0 : i32
      %dma_start3A_25 = arith.constant 0 : i32
      %dma_start3A_26 = tpu.memref_slice %arg2[%dma_start3A_24, %dma_start3A_25] : memref<10240x128xf32, #tpu.memory_space<hbm>> -> memref<10240x128xf32, #tpu.memory_space<hbm>>
      tpu.enqueue_indirect_dma source(%dma_start3A_26 : memref<10240x128xf32, #tpu.memory_space<hbm>>) target(%arg9 : memref<128x128xf32, #tpu.memory_space<vmem>>) offsets(%dma_start3A_23 : memref<128xi32, #tpu.memory_space<vmem>>) semaphore(%arg12 : memref<!tpu.dma_semaphore, #tpu.memory_space<semaphore_mem>>)
      %dma_start3A_27 = arith.constant 1 : i32
      %dma_start3A_28 = arith.constant 0 : i32
      %dma_start3A_29 = tpu.memref_slice %arg7[%dma_start3A_27, %dma_start3A_28] : memref<40x128xi32, #tpu.memory_space<vmem>> -> memref<1x128xi32, #tpu.memory_space<vmem>>
      %dma_start3A_30 = tpu.memref_squeeze %dma_start3A_29 : memref<1x128xi32, #tpu.memory_space<vmem>> -> memref<128xi32, #tpu.memory_space<vmem>>
      %dma_start3A_31 = arith.constant 0 : i32
      %dma_start3A_32 = arith.constant 0 : i32
      %dma_start3A_33 = tpu.memref_slice %arg2[%dma_start3A_31, %dma_start3A_32] : memref<10240x128xf32, #tpu.memory_space<hbm>> -> memref<10240x128xf32, #tpu.memory_space<hbm>>
      tpu.enqueue_indirect_dma source(%dma_start3A_33 : memref<10240x128xf32, #tpu.memory_space<hbm>>) target(%arg10 : memref<128x128xf32, #tpu.memory_space<vmem>>) offsets(%dma_start3A_30 : memref<128xi32, #tpu.memory_space<vmem>>) semaphore(%arg13 : memref<!tpu.dma_semaphore, #tpu.memory_space<semaphore_mem>>)
      %scan3A = arith.constant 0 : i32
      %scan3A_34 = arith.constant 0 : i32
      %scan3A_35 = arith.constant 20 : i32
      %scan3A_36 = arith.addi %scan3A_34, %scan3A_35 : i32
      %scan3A_37 = arith.constant 1 : i32
      scf.for %scan3A_39 = %scan3A_34 to %scan3A_36 step %scan3A_37  : i32 {
        %mul3A_40 = arith.constant 2 : i32
        %mul3A_41 = arith.muli %scan3A_39, %mul3A_40 : i32
        %multiple_of3A_42 = tpu.assume_multiple %mul3A_41, 2 : i32
        %dma_wait3A = arith.constant 0 : i32
        %dma_wait3A_43 = tpu.memref_slice %arg7[%multiple_of3A_42, %dma_wait3A] : memref<40x128xi32, #tpu.memory_space<vmem>> -> memref<1x128xi32, #tpu.memory_space<vmem>>
        %dma_wait3A_44 = tpu.memref_squeeze %dma_wait3A_43 : memref<1x128xi32, #tpu.memory_space<vmem>> -> memref<128xi32, #tpu.memory_space<vmem>>
        %dma_wait3A_45 = arith.constant 0 : i32
        %dma_wait3A_46 = arith.constant 0 : i32
        %dma_wait3A_47 = tpu.memref_slice %arg2[%dma_wait3A_45, %dma_wait3A_46] : memref<10240x128xf32, #tpu.memory_space<hbm>> -> memref<10240x128xf32, #tpu.memory_space<hbm>>
        tpu.wait_indirect_dma semaphore(%arg12 : memref<!tpu.dma_semaphore, #tpu.memory_space<semaphore_mem>>) src(%dma_wait3A_47 : memref<10240x128xf32, #tpu.memory_space<hbm>>) dst(%arg9 : memref<128x128xf32, #tpu.memory_space<vmem>>)
        "tpu.region"() ({
          %run_scoped3A = tpu.sem_alloc : memref<!tpu.dma_semaphore, #tpu.memory_space<semaphore_mem>>
          %dma_start3A_69 = arith.constant 0 : i32
          %dma_start3A_70 = tpu.memref_slice %arg8[%multiple_of3A_42, %dma_start3A_69] : memref<40x128xi32, #tpu.memory_space<vmem>> -> memref<1x128xi32, #tpu.memory_space<vmem>>
          %dma_start3A_71 = tpu.memref_squeeze %dma_start3A_70 : memref<1x128xi32, #tpu.memory_space<vmem>> -> memref<128xi32, #tpu.memory_space<vmem>>
          %dma_start3A_72 = arith.constant 0 : i32
          %dma_start3A_73 = arith.constant 0 : i32
          %dma_start3A_74 = tpu.memref_slice %arg11[%dma_start3A_72, %dma_start3A_73] : memref<10240x128xf32, #tpu.memory_space<vmem_shared>> -> memref<10240x128xf32, #tpu.memory_space<vmem_shared>>
          tpu.enqueue_indirect_dma source(%arg9 : memref<128x128xf32, #tpu.memory_space<vmem>>) target(%dma_start3A_74 : memref<10240x128xf32, #tpu.memory_space<vmem_shared>>) offsets(%dma_start3A_71 : memref<128xi32, #tpu.memory_space<vmem>>) semaphore(%run_scoped3A : memref<!tpu.dma_semaphore, #tpu.memory_space<semaphore_mem>>) {add = true}
          %dma_wait3A_75 = arith.constant 0 : i32
          %dma_wait3A_76 = tpu.memref_slice %arg8[%multiple_of3A_42, %dma_wait3A_75] : memref<40x128xi32, #tpu.memory_space<vmem>> -> memref<1x128xi32, #tpu.memory_space<vmem>>
          %dma_wait3A_77 = tpu.memref_squeeze %dma_wait3A_76 : memref<1x128xi32, #tpu.memory_space<vmem>> -> memref<128xi32, #tpu.memory_space<vmem>>
          %dma_wait3A_78 = arith.constant 0 : i32
          %dma_wait3A_79 = arith.constant 0 : i32
          %dma_wait3A_80 = tpu.memref_slice %arg11[%dma_wait3A_78, %dma_wait3A_79] : memref<10240x128xf32, #tpu.memory_space<vmem_shared>> -> memref<10240x128xf32, #tpu.memory_space<vmem_shared>>
          tpu.wait_indirect_dma semaphore(%run_scoped3A : memref<!tpu.dma_semaphore, #tpu.memory_space<semaphore_mem>>) src(%arg9 : memref<128x128xf32, #tpu.memory_space<vmem>>) dst(%dma_wait3A_80 : memref<10240x128xf32, #tpu.memory_space<vmem_shared>>)
          tpu.yield
        }) : () -> ()
        %add3A_48 = arith.constant 2 : i32
        %add3A_49 = arith.addi %multiple_of3A_42, %add3A_48 : i32
        %lt3A = arith.constant 40 : i32
        %lt3A_50 = arith.cmpi slt, %add3A_49, %lt3A : i32
        %convert_element_type3A_51 = arith.extui %lt3A_50 : i1 to i32
        %cond3A_52 = arith.constant 0 : i32
        %cond3A_53 = arith.cmpi ne, %convert_element_type3A_51, %cond3A_52 : i32
        scf.if %cond3A_53 {
          %add3A_69 = arith.constant 2 : i32
          %add3A_70 = arith.addi %multiple_of3A_42, %add3A_69 : i32
          %dma_start3A_71 = arith.constant 0 : i32
          %dma_start3A_72 = tpu.memref_slice %arg7[%add3A_70, %dma_start3A_71] : memref<40x128xi32, #tpu.memory_space<vmem>> -> memref<1x128xi32, #tpu.memory_space<vmem>>
          %dma_start3A_73 = tpu.memref_squeeze %dma_start3A_72 : memref<1x128xi32, #tpu.memory_space<vmem>> -> memref<128xi32, #tpu.memory_space<vmem>>
          %dma_start3A_74 = arith.constant 0 : i32
          %dma_start3A_75 = arith.constant 0 : i32
          %dma_start3A_76 = tpu.memref_slice %arg2[%dma_start3A_74, %dma_start3A_75] : memref<10240x128xf32, #tpu.memory_space<hbm>> -> memref<10240x128xf32, #tpu.memory_space<hbm>>
          tpu.enqueue_indirect_dma source(%dma_start3A_76 : memref<10240x128xf32, #tpu.memory_space<hbm>>) target(%arg9 : memref<128x128xf32, #tpu.memory_space<vmem>>) offsets(%dma_start3A_73 : memref<128xi32, #tpu.memory_space<vmem>>) semaphore(%arg12 : memref<!tpu.dma_semaphore, #tpu.memory_space<semaphore_mem>>)
        } else {
        }
        %add3A_54 = arith.constant 1 : i32
        %add3A_55 = arith.addi %multiple_of3A_42, %add3A_54 : i32
        %dma_wait3A_56 = arith.constant 0 : i32
        %dma_wait3A_57 = tpu.memref_slice %arg7[%add3A_55, %dma_wait3A_56] : memref<40x128xi32, #tpu.memory_space<vmem>> -> memref<1x128xi32, #tpu.memory_space<vmem>>
        %dma_wait3A_58 = tpu.memref_squeeze %dma_wait3A_57 : memref<1x128xi32, #tpu.memory_space<vmem>> -> memref<128xi32, #tpu.memory_space<vmem>>
        %dma_wait3A_59 = arith.constant 0 : i32
        %dma_wait3A_60 = arith.constant 0 : i32
        %dma_wait3A_61 = tpu.memref_slice %arg2[%dma_wait3A_59, %dma_wait3A_60] : memref<10240x128xf32, #tpu.memory_space<hbm>> -> memref<10240x128xf32, #tpu.memory_space<hbm>>
        tpu.wait_indirect_dma semaphore(%arg13 : memref<!tpu.dma_semaphore, #tpu.memory_space<semaphore_mem>>) src(%dma_wait3A_61 : memref<10240x128xf32, #tpu.memory_space<hbm>>) dst(%arg10 : memref<128x128xf32, #tpu.memory_space<vmem>>)
        "tpu.region"() ({
          %run_scoped3A = tpu.sem_alloc : memref<!tpu.dma_semaphore, #tpu.memory_space<semaphore_mem>>
          %dma_start3A_69 = arith.constant 0 : i32
          %dma_start3A_70 = tpu.memref_slice %arg8[%add3A_55, %dma_start3A_69] : memref<40x128xi32, #tpu.memory_space<vmem>> -> memref<1x128xi32, #tpu.memory_space<vmem>>
          %dma_start3A_71 = tpu.memref_squeeze %dma_start3A_70 : memref<1x128xi32, #tpu.memory_space<vmem>> -> memref<128xi32, #tpu.memory_space<vmem>>
          %dma_start3A_72 = arith.constant 0 : i32
          %dma_start3A_73 = arith.constant 0 : i32
          %dma_start3A_74 = tpu.memref_slice %arg11[%dma_start3A_72, %dma_start3A_73] : memref<10240x128xf32, #tpu.memory_space<vmem_shared>> -> memref<10240x128xf32, #tpu.memory_space<vmem_shared>>
          tpu.enqueue_indirect_dma source(%arg10 : memref<128x128xf32, #tpu.memory_space<vmem>>) target(%dma_start3A_74 : memref<10240x128xf32, #tpu.memory_space<vmem_shared>>) offsets(%dma_start3A_71 : memref<128xi32, #tpu.memory_space<vmem>>) semaphore(%run_scoped3A : memref<!tpu.dma_semaphore, #tpu.memory_space<semaphore_mem>>) {add = true}
          %dma_wait3A_75 = arith.constant 0 : i32
          %dma_wait3A_76 = tpu.memref_slice %arg8[%add3A_55, %dma_wait3A_75] : memref<40x128xi32, #tpu.memory_space<vmem>> -> memref<1x128xi32, #tpu.memory_space<vmem>>
          %dma_wait3A_77 = tpu.memref_squeeze %dma_wait3A_76 : memref<1x128xi32, #tpu.memory_space<vmem>> -> memref<128xi32, #tpu.memory_space<vmem>>
          %dma_wait3A_78 = arith.constant 0 : i32
          %dma_wait3A_79 = arith.constant 0 : i32
          %dma_wait3A_80 = tpu.memref_slice %arg11[%dma_wait3A_78, %dma_wait3A_79] : memref<10240x128xf32, #tpu.memory_space<vmem_shared>> -> memref<10240x128xf32, #tpu.memory_space<vmem_shared>>
          tpu.wait_indirect_dma semaphore(%run_scoped3A : memref<!tpu.dma_semaphore, #tpu.memory_space<semaphore_mem>>) src(%arg10 : memref<128x128xf32, #tpu.memory_space<vmem>>) dst(%dma_wait3A_80 : memref<10240x128xf32, #tpu.memory_space<vmem_shared>>)
          tpu.yield
        }) : () -> ()
        %add3A_62 = arith.constant 2 : i32
        %add3A_63 = arith.addi %add3A_55, %add3A_62 : i32
        %lt3A_64 = arith.constant 40 : i32
        %lt3A_65 = arith.cmpi slt, %add3A_63, %lt3A_64 : i32
        %convert_element_type3A_66 = arith.extui %lt3A_65 : i1 to i32
        %cond3A_67 = arith.constant 0 : i32
        %cond3A_68 = arith.cmpi ne, %convert_element_type3A_66, %cond3A_67 : i32
        scf.if %cond3A_68 {
          %add3A_69 = arith.constant 2 : i32
          %add3A_70 = arith.addi %add3A_55, %add3A_69 : i32
          %dma_start3A_71 = arith.constant 0 : i32
          %dma_start3A_72 = tpu.memref_slice %arg7[%add3A_70, %dma_start3A_71] : memref<40x128xi32, #tpu.memory_space<vmem>> -> memref<1x128xi32, #tpu.memory_space<vmem>>
          %dma_start3A_73 = tpu.memref_squeeze %dma_start3A_72 : memref<1x128xi32, #tpu.memory_space<vmem>> -> memref<128xi32, #tpu.memory_space<vmem>>
          %dma_start3A_74 = arith.constant 0 : i32
          %dma_start3A_75 = arith.constant 0 : i32
          %dma_start3A_76 = tpu.memref_slice %arg2[%dma_start3A_74, %dma_start3A_75] : memref<10240x128xf32, #tpu.memory_space<hbm>> -> memref<10240x128xf32, #tpu.memory_space<hbm>>
          tpu.enqueue_indirect_dma source(%dma_start3A_76 : memref<10240x128xf32, #tpu.memory_space<hbm>>) target(%arg10 : memref<128x128xf32, #tpu.memory_space<vmem>>) offsets(%dma_start3A_73 : memref<128xi32, #tpu.memory_space<vmem>>) semaphore(%arg13 : memref<!tpu.dma_semaphore, #tpu.memory_space<semaphore_mem>>)
        } else {
        }
      }
      %scan3A_38 = arith.constant 20 : i32
    } else {
    }
    %gt3A_8 = arith.constant 1 : i32
    %gt3A_9 = arith.cmpi sgt, %sub3A_3, %gt3A_8 : i32
    %convert_element_type3A_10 = arith.extui %gt3A_9 : i1 to i32
    %cond3A_11 = arith.constant 0 : i32
    %cond3A_12 = arith.cmpi ne, %convert_element_type3A_10, %cond3A_11 : i32
    scf.if %cond3A_12 {
      %add3A = arith.constant 40 : i32
      %add3A_19 = arith.addi %mul3A_5, %add3A : i32
      %multiple_of3A_20 = tpu.assume_multiple %add3A_19, 40 : i32
      "tpu.region"() ({
        %run_scoped3A = tpu.sem_alloc : memref<!tpu.dma_semaphore, #tpu.memory_space<semaphore_mem>>
        %dma_start3A_39 = arith.constant 0 : i32
        %dma_start3A_40 = tpu.memref_slice %arg3[%arg1, %multiple_of3A_20, %dma_start3A_39] : memref<16x160x128xi32, #tpu.memory_space<hbm>> -> memref<1x40x128xi32, #tpu.memory_space<hbm>>
        %dma_start3A_41 = tpu.memref_squeeze %dma_start3A_40 : memref<1x40x128xi32, #tpu.memory_space<hbm>> -> memref<40x128xi32, #tpu.memory_space<hbm>>
        %dma_start3A_42 = arith.constant 0 : i32
        %dma_start3A_43 = tpu.memref_slice %arg3[%arg1, %multiple_of3A_20, %dma_start3A_42] : memref<16x160x128xi32, #tpu.memory_space<hbm>> -> memref<1x40x128xi32, #tpu.memory_space<hbm>>
        %dma_start3A_44 = tpu.memref_squeeze %dma_start3A_43 : memref<1x40x128xi32, #tpu.memory_space<hbm>> -> memref<40x128xi32, #tpu.memory_space<hbm>>
        tpu.enqueue_dma source(%dma_start3A_44 : memref<40x128xi32, #tpu.memory_space<hbm>>) target(%arg7 : memref<40x128xi32, #tpu.memory_space<vmem>>) target_semaphore(%run_scoped3A : memref<!tpu.dma_semaphore, #tpu.memory_space<semaphore_mem>>)
        %dma_wait3A = arith.constant 0 : i32
        %dma_wait3A_45 = tpu.memref_slice %arg3[%arg1, %multiple_of3A_20, %dma_wait3A] : memref<16x160x128xi32, #tpu.memory_space<hbm>> -> memref<1x40x128xi32, #tpu.memory_space<hbm>>
        %dma_wait3A_46 = tpu.memref_squeeze %dma_wait3A_45 : memref<1x40x128xi32, #tpu.memory_space<hbm>> -> memref<40x128xi32, #tpu.memory_space<hbm>>
        %dma_wait3A_47 = arith.constant 0 : i32
        %dma_wait3A_48 = tpu.memref_slice %arg3[%arg1, %multiple_of3A_20, %dma_wait3A_47] : memref<16x160x128xi32, #tpu.memory_space<hbm>> -> memref<1x40x128xi32, #tpu.memory_space<hbm>>
        %dma_wait3A_49 = tpu.memref_squeeze %dma_wait3A_48 : memref<1x40x128xi32, #tpu.memory_space<hbm>> -> memref<40x128xi32, #tpu.memory_space<hbm>>
        tpu.wait_dma2 semaphore(%run_scoped3A : memref<!tpu.dma_semaphore, #tpu.memory_space<semaphore_mem>>) src(%dma_wait3A_49 : memref<40x128xi32, #tpu.memory_space<hbm>>) dst(%arg7 : memref<40x128xi32, #tpu.memory_space<vmem>>)
        tpu.yield
      }) : () -> ()
      "tpu.region"() ({
        %run_scoped3A = tpu.sem_alloc : memref<!tpu.dma_semaphore, #tpu.memory_space<semaphore_mem>>
        %dma_start3A_39 = arith.constant 0 : i32
        %dma_start3A_40 = tpu.memref_slice %arg4[%arg1, %multiple_of3A_20, %dma_start3A_39] : memref<16x160x128xi32, #tpu.memory_space<hbm>> -> memref<1x40x128xi32, #tpu.memory_space<hbm>>
        %dma_start3A_41 = tpu.memref_squeeze %dma_start3A_40 : memref<1x40x128xi32, #tpu.memory_space<hbm>> -> memref<40x128xi32, #tpu.memory_space<hbm>>
        %dma_start3A_42 = arith.constant 0 : i32
        %dma_start3A_43 = tpu.memref_slice %arg4[%arg1, %multiple_of3A_20, %dma_start3A_42] : memref<16x160x128xi32, #tpu.memory_space<hbm>> -> memref<1x40x128xi32, #tpu.memory_space<hbm>>
        %dma_start3A_44 = tpu.memref_squeeze %dma_start3A_43 : memref<1x40x128xi32, #tpu.memory_space<hbm>> -> memref<40x128xi32, #tpu.memory_space<hbm>>
        tpu.enqueue_dma source(%dma_start3A_44 : memref<40x128xi32, #tpu.memory_space<hbm>>) target(%arg8 : memref<40x128xi32, #tpu.memory_space<vmem>>) target_semaphore(%run_scoped3A : memref<!tpu.dma_semaphore, #tpu.memory_space<semaphore_mem>>)
        %dma_wait3A = arith.constant 0 : i32
        %dma_wait3A_45 = tpu.memref_slice %arg4[%arg1, %multiple_of3A_20, %dma_wait3A] : memref<16x160x128xi32, #tpu.memory_space<hbm>> -> memref<1x40x128xi32, #tpu.memory_space<hbm>>
        %dma_wait3A_46 = tpu.memref_squeeze %dma_wait3A_45 : memref<1x40x128xi32, #tpu.memory_space<hbm>> -> memref<40x128xi32, #tpu.memory_space<hbm>>
        %dma_wait3A_47 = arith.constant 0 : i32
        %dma_wait3A_48 = tpu.memref_slice %arg4[%arg1, %multiple_of3A_20, %dma_wait3A_47] : memref<16x160x128xi32, #tpu.memory_space<hbm>> -> memref<1x40x128xi32, #tpu.memory_space<hbm>>
        %dma_wait3A_49 = tpu.memref_squeeze %dma_wait3A_48 : memref<1x40x128xi32, #tpu.memory_space<hbm>> -> memref<40x128xi32, #tpu.memory_space<hbm>>
        tpu.wait_dma2 semaphore(%run_scoped3A : memref<!tpu.dma_semaphore, #tpu.memory_space<semaphore_mem>>) src(%dma_wait3A_49 : memref<40x128xi32, #tpu.memory_space<hbm>>) dst(%arg8 : memref<40x128xi32, #tpu.memory_space<vmem>>)
        tpu.yield
      }) : () -> ()
      %dma_start3A = arith.constant 0 : i32
      %dma_start3A_21 = arith.constant 0 : i32
      %dma_start3A_22 = tpu.memref_slice %arg7[%dma_start3A, %dma_start3A_21] : memref<40x128xi32, #tpu.memory_space<vmem>> -> memref<1x128xi32, #tpu.memory_space<vmem>>
      %dma_start3A_23 = tpu.memref_squeeze %dma_start3A_22 : memref<1x128xi32, #tpu.memory_space<vmem>> -> memref<128xi32, #tpu.memory_space<vmem>>
      %dma_start3A_24 = arith.constant 0 : i32
      %dma_start3A_25 = arith.constant 0 : i32
      %dma_start3A_26 = tpu.memref_slice %arg2[%dma_start3A_24, %dma_start3A_25] : memref<10240x128xf32, #tpu.memory_space<hbm>> -> memref<10240x128xf32, #tpu.memory_space<hbm>>
      tpu.enqueue_indirect_dma source(%dma_start3A_26 : memref<10240x128xf32, #tpu.memory_space<hbm>>) target(%arg9 : memref<128x128xf32, #tpu.memory_space<vmem>>) offsets(%dma_start3A_23 : memref<128xi32, #tpu.memory_space<vmem>>) semaphore(%arg12 : memref<!tpu.dma_semaphore, #tpu.memory_space<semaphore_mem>>)
      %dma_start3A_27 = arith.constant 1 : i32
      %dma_start3A_28 = arith.constant 0 : i32
      %dma_start3A_29 = tpu.memref_slice %arg7[%dma_start3A_27, %dma_start3A_28] : memref<40x128xi32, #tpu.memory_space<vmem>> -> memref<1x128xi32, #tpu.memory_space<vmem>>
      %dma_start3A_30 = tpu.memref_squeeze %dma_start3A_29 : memref<1x128xi32, #tpu.memory_space<vmem>> -> memref<128xi32, #tpu.memory_space<vmem>>
      %dma_start3A_31 = arith.constant 0 : i32
      %dma_start3A_32 = arith.constant 0 : i32
      %dma_start3A_33 = tpu.memref_slice %arg2[%dma_start3A_31, %dma_start3A_32] : memref<10240x128xf32, #tpu.memory_space<hbm>> -> memref<10240x128xf32, #tpu.memory_space<hbm>>
      tpu.enqueue_indirect_dma source(%dma_start3A_33 : memref<10240x128xf32, #tpu.memory_space<hbm>>) target(%arg10 : memref<128x128xf32, #tpu.memory_space<vmem>>) offsets(%dma_start3A_30 : memref<128xi32, #tpu.memory_space<vmem>>) semaphore(%arg13 : memref<!tpu.dma_semaphore, #tpu.memory_space<semaphore_mem>>)
      %scan3A = arith.constant 0 : i32
      %scan3A_34 = arith.constant 0 : i32
      %scan3A_35 = arith.constant 20 : i32
      %scan3A_36 = arith.addi %scan3A_34, %scan3A_35 : i32
      %scan3A_37 = arith.constant 1 : i32
      scf.for %scan3A_39 = %scan3A_34 to %scan3A_36 step %scan3A_37  : i32 {
        %mul3A_40 = arith.constant 2 : i32
        %mul3A_41 = arith.muli %scan3A_39, %mul3A_40 : i32
        %multiple_of3A_42 = tpu.assume_multiple %mul3A_41, 2 : i32
        %dma_wait3A = arith.constant 0 : i32
        %dma_wait3A_43 = tpu.memref_slice %arg7[%multiple_of3A_42, %dma_wait3A] : memref<40x128xi32, #tpu.memory_space<vmem>> -> memref<1x128xi32, #tpu.memory_space<vmem>>
        %dma_wait3A_44 = tpu.memref_squeeze %dma_wait3A_43 : memref<1x128xi32, #tpu.memory_space<vmem>> -> memref<128xi32, #tpu.memory_space<vmem>>
        %dma_wait3A_45 = arith.constant 0 : i32
        %dma_wait3A_46 = arith.constant 0 : i32
        %dma_wait3A_47 = tpu.memref_slice %arg2[%dma_wait3A_45, %dma_wait3A_46] : memref<10240x128xf32, #tpu.memory_space<hbm>> -> memref<10240x128xf32, #tpu.memory_space<hbm>>
        tpu.wait_indirect_dma semaphore(%arg12 : memref<!tpu.dma_semaphore, #tpu.memory_space<semaphore_mem>>) src(%dma_wait3A_47 : memref<10240x128xf32, #tpu.memory_space<hbm>>) dst(%arg9 : memref<128x128xf32, #tpu.memory_space<vmem>>)
        "tpu.region"() ({
          %run_scoped3A = tpu.sem_alloc : memref<!tpu.dma_semaphore, #tpu.memory_space<semaphore_mem>>
          %dma_start3A_69 = arith.constant 0 : i32
          %dma_start3A_70 = tpu.memref_slice %arg8[%multiple_of3A_42, %dma_start3A_69] : memref<40x128xi32, #tpu.memory_space<vmem>> -> memref<1x128xi32, #tpu.memory_space<vmem>>
          %dma_start3A_71 = tpu.memref_squeeze %dma_start3A_70 : memref<1x128xi32, #tpu.memory_space<vmem>> -> memref<128xi32, #tpu.memory_space<vmem>>
          %dma_start3A_72 = arith.constant 0 : i32
          %dma_start3A_73 = arith.constant 0 : i32
          %dma_start3A_74 = tpu.memref_slice %arg11[%dma_start3A_72, %dma_start3A_73] : memref<10240x128xf32, #tpu.memory_space<vmem_shared>> -> memref<10240x128xf32, #tpu.memory_space<vmem_shared>>
          tpu.enqueue_indirect_dma source(%arg9 : memref<128x128xf32, #tpu.memory_space<vmem>>) target(%dma_start3A_74 : memref<10240x128xf32, #tpu.memory_space<vmem_shared>>) offsets(%dma_start3A_71 : memref<128xi32, #tpu.memory_space<vmem>>) semaphore(%run_scoped3A : memref<!tpu.dma_semaphore, #tpu.memory_space<semaphore_mem>>) {add = true}
          %dma_wait3A_75 = arith.constant 0 : i32
          %dma_wait3A_76 = tpu.memref_slice %arg8[%multiple_of3A_42, %dma_wait3A_75] : memref<40x128xi32, #tpu.memory_space<vmem>> -> memref<1x128xi32, #tpu.memory_space<vmem>>
          %dma_wait3A_77 = tpu.memref_squeeze %dma_wait3A_76 : memref<1x128xi32, #tpu.memory_space<vmem>> -> memref<128xi32, #tpu.memory_space<vmem>>
          %dma_wait3A_78 = arith.constant 0 : i32
          %dma_wait3A_79 = arith.constant 0 : i32
          %dma_wait3A_80 = tpu.memref_slice %arg11[%dma_wait3A_78, %dma_wait3A_79] : memref<10240x128xf32, #tpu.memory_space<vmem_shared>> -> memref<10240x128xf32, #tpu.memory_space<vmem_shared>>
          tpu.wait_indirect_dma semaphore(%run_scoped3A : memref<!tpu.dma_semaphore, #tpu.memory_space<semaphore_mem>>) src(%arg9 : memref<128x128xf32, #tpu.memory_space<vmem>>) dst(%dma_wait3A_80 : memref<10240x128xf32, #tpu.memory_space<vmem_shared>>)
          tpu.yield
        }) : () -> ()
        %add3A_48 = arith.constant 2 : i32
        %add3A_49 = arith.addi %multiple_of3A_42, %add3A_48 : i32
        %lt3A = arith.constant 40 : i32
        %lt3A_50 = arith.cmpi slt, %add3A_49, %lt3A : i32
        %convert_element_type3A_51 = arith.extui %lt3A_50 : i1 to i32
        %cond3A_52 = arith.constant 0 : i32
        %cond3A_53 = arith.cmpi ne, %convert_element_type3A_51, %cond3A_52 : i32
        scf.if %cond3A_53 {
          %add3A_69 = arith.constant 2 : i32
          %add3A_70 = arith.addi %multiple_of3A_42, %add3A_69 : i32
          %dma_start3A_71 = arith.constant 0 : i32
          %dma_start3A_72 = tpu.memref_slice %arg7[%add3A_70, %dma_start3A_71] : memref<40x128xi32, #tpu.memory_space<vmem>> -> memref<1x128xi32, #tpu.memory_space<vmem>>
          %dma_start3A_73 = tpu.memref_squeeze %dma_start3A_72 : memref<1x128xi32, #tpu.memory_space<vmem>> -> memref<128xi32, #tpu.memory_space<vmem>>
          %dma_start3A_74 = arith.constant 0 : i32
          %dma_start3A_75 = arith.constant 0 : i32
          %dma_start3A_76 = tpu.memref_slice %arg2[%dma_start3A_74, %dma_start3A_75] : memref<10240x128xf32, #tpu.memory_space<hbm>> -> memref<10240x128xf32, #tpu.memory_space<hbm>>
          tpu.enqueue_indirect_dma source(%dma_start3A_76 : memref<10240x128xf32, #tpu.memory_space<hbm>>) target(%arg9 : memref<128x128xf32, #tpu.memory_space<vmem>>) offsets(%dma_start3A_73 : memref<128xi32, #tpu.memory_space<vmem>>) semaphore(%arg12 : memref<!tpu.dma_semaphore, #tpu.memory_space<semaphore_mem>>)
        } else {
        }
        %add3A_54 = arith.constant 1 : i32
        %add3A_55 = arith.addi %multiple_of3A_42, %add3A_54 : i32
        %dma_wait3A_56 = arith.constant 0 : i32
        %dma_wait3A_57 = tpu.memref_slice %arg7[%add3A_55, %dma_wait3A_56] : memref<40x128xi32, #tpu.memory_space<vmem>> -> memref<1x128xi32, #tpu.memory_space<vmem>>
        %dma_wait3A_58 = tpu.memref_squeeze %dma_wait3A_57 : memref<1x128xi32, #tpu.memory_space<vmem>> -> memref<128xi32, #tpu.memory_space<vmem>>
        %dma_wait3A_59 = arith.constant 0 : i32
        %dma_wait3A_60 = arith.constant 0 : i32
        %dma_wait3A_61 = tpu.memref_slice %arg2[%dma_wait3A_59, %dma_wait3A_60] : memref<10240x128xf32, #tpu.memory_space<hbm>> -> memref<10240x128xf32, #tpu.memory_space<hbm>>
        tpu.wait_indirect_dma semaphore(%arg13 : memref<!tpu.dma_semaphore, #tpu.memory_space<semaphore_mem>>) src(%dma_wait3A_61 : memref<10240x128xf32, #tpu.memory_space<hbm>>) dst(%arg10 : memref<128x128xf32, #tpu.memory_space<vmem>>)
        "tpu.region"() ({
          %run_scoped3A = tpu.sem_alloc : memref<!tpu.dma_semaphore, #tpu.memory_space<semaphore_mem>>
          %dma_start3A_69 = arith.constant 0 : i32
          %dma_start3A_70 = tpu.memref_slice %arg8[%add3A_55, %dma_start3A_69] : memref<40x128xi32, #tpu.memory_space<vmem>> -> memref<1x128xi32, #tpu.memory_space<vmem>>
          %dma_start3A_71 = tpu.memref_squeeze %dma_start3A_70 : memref<1x128xi32, #tpu.memory_space<vmem>> -> memref<128xi32, #tpu.memory_space<vmem>>
          %dma_start3A_72 = arith.constant 0 : i32
          %dma_start3A_73 = arith.constant 0 : i32
          %dma_start3A_74 = tpu.memref_slice %arg11[%dma_start3A_72, %dma_start3A_73] : memref<10240x128xf32, #tpu.memory_space<vmem_shared>> -> memref<10240x128xf32, #tpu.memory_space<vmem_shared>>
          tpu.enqueue_indirect_dma source(%arg10 : memref<128x128xf32, #tpu.memory_space<vmem>>) target(%dma_start3A_74 : memref<10240x128xf32, #tpu.memory_space<vmem_shared>>) offsets(%dma_start3A_71 : memref<128xi32, #tpu.memory_space<vmem>>) semaphore(%run_scoped3A : memref<!tpu.dma_semaphore, #tpu.memory_space<semaphore_mem>>) {add = true}
          %dma_wait3A_75 = arith.constant 0 : i32
          %dma_wait3A_76 = tpu.memref_slice %arg8[%add3A_55, %dma_wait3A_75] : memref<40x128xi32, #tpu.memory_space<vmem>> -> memref<1x128xi32, #tpu.memory_space<vmem>>
          %dma_wait3A_77 = tpu.memref_squeeze %dma_wait3A_76 : memref<1x128xi32, #tpu.memory_space<vmem>> -> memref<128xi32, #tpu.memory_space<vmem>>
          %dma_wait3A_78 = arith.constant 0 : i32
          %dma_wait3A_79 = arith.constant 0 : i32
          %dma_wait3A_80 = tpu.memref_slice %arg11[%dma_wait3A_78, %dma_wait3A_79] : memref<10240x128xf32, #tpu.memory_space<vmem_shared>> -> memref<10240x128xf32, #tpu.memory_space<vmem_shared>>
          tpu.wait_indirect_dma semaphore(%run_scoped3A : memref<!tpu.dma_semaphore, #tpu.memory_space<semaphore_mem>>) src(%arg10 : memref<128x128xf32, #tpu.memory_space<vmem>>) dst(%dma_wait3A_80 : memref<10240x128xf32, #tpu.memory_space<vmem_shared>>)
          tpu.yield
        }) : () -> ()
        %add3A_62 = arith.constant 2 : i32
        %add3A_63 = arith.addi %add3A_55, %add3A_62 : i32
        %lt3A_64 = arith.constant 40 : i32
        %lt3A_65 = arith.cmpi slt, %add3A_63, %lt3A_64 : i32
        %convert_element_type3A_66 = arith.extui %lt3A_65 : i1 to i32
        %cond3A_67 = arith.constant 0 : i32
        %cond3A_68 = arith.cmpi ne, %convert_element_type3A_66, %cond3A_67 : i32
        scf.if %cond3A_68 {
          %add3A_69 = arith.constant 2 : i32
          %add3A_70 = arith.addi %add3A_55, %add3A_69 : i32
          %dma_start3A_71 = arith.constant 0 : i32
          %dma_start3A_72 = tpu.memref_slice %arg7[%add3A_70, %dma_start3A_71] : memref<40x128xi32, #tpu.memory_space<vmem>> -> memref<1x128xi32, #tpu.memory_space<vmem>>
          %dma_start3A_73 = tpu.memref_squeeze %dma_start3A_72 : memref<1x128xi32, #tpu.memory_space<vmem>> -> memref<128xi32, #tpu.memory_space<vmem>>
          %dma_start3A_74 = arith.constant 0 : i32
          %dma_start3A_75 = arith.constant 0 : i32
          %dma_start3A_76 = tpu.memref_slice %arg2[%dma_start3A_74, %dma_start3A_75] : memref<10240x128xf32, #tpu.memory_space<hbm>> -> memref<10240x128xf32, #tpu.memory_space<hbm>>
          tpu.enqueue_indirect_dma source(%dma_start3A_76 : memref<10240x128xf32, #tpu.memory_space<hbm>>) target(%arg10 : memref<128x128xf32, #tpu.memory_space<vmem>>) offsets(%dma_start3A_73 : memref<128xi32, #tpu.memory_space<vmem>>) semaphore(%arg13 : memref<!tpu.dma_semaphore, #tpu.memory_space<semaphore_mem>>)
        } else {
        }
      }
      %scan3A_38 = arith.constant 20 : i32
    } else {
    }
    %gt3A_13 = arith.constant 2 : i32
    %gt3A_14 = arith.cmpi sgt, %sub3A_3, %gt3A_13 : i32
    %convert_element_type3A_15 = arith.extui %gt3A_14 : i1 to i32
    %cond3A_16 = arith.constant 0 : i32
    %cond3A_17 = arith.cmpi ne, %convert_element_type3A_15, %cond3A_16 : i32
    scf.if %cond3A_17 {
      %add3A = arith.constant 80 : i32
      %add3A_19 = arith.addi %mul3A_5, %add3A : i32
      %multiple_of3A_20 = tpu.assume_multiple %add3A_19, 40 : i32
      "tpu.region"() ({
        %run_scoped3A = tpu.sem_alloc : memref<!tpu.dma_semaphore, #tpu.memory_space<semaphore_mem>>
        %dma_start3A_39 = arith.constant 0 : i32
        %dma_start3A_40 = tpu.memref_slice %arg3[%arg1, %multiple_of3A_20, %dma_start3A_39] : memref<16x160x128xi32, #tpu.memory_space<hbm>> -> memref<1x40x128xi32, #tpu.memory_space<hbm>>
        %dma_start3A_41 = tpu.memref_squeeze %dma_start3A_40 : memref<1x40x128xi32, #tpu.memory_space<hbm>> -> memref<40x128xi32, #tpu.memory_space<hbm>>
        %dma_start3A_42 = arith.constant 0 : i32
        %dma_start3A_43 = tpu.memref_slice %arg3[%arg1, %multiple_of3A_20, %dma_start3A_42] : memref<16x160x128xi32, #tpu.memory_space<hbm>> -> memref<1x40x128xi32, #tpu.memory_space<hbm>>
        %dma_start3A_44 = tpu.memref_squeeze %dma_start3A_43 : memref<1x40x128xi32, #tpu.memory_space<hbm>> -> memref<40x128xi32, #tpu.memory_space<hbm>>
        tpu.enqueue_dma source(%dma_start3A_44 : memref<40x128xi32, #tpu.memory_space<hbm>>) target(%arg7 : memref<40x128xi32, #tpu.memory_space<vmem>>) target_semaphore(%run_scoped3A : memref<!tpu.dma_semaphore, #tpu.memory_space<semaphore_mem>>)
        %dma_wait3A = arith.constant 0 : i32
        %dma_wait3A_45 = tpu.memref_slice %arg3[%arg1, %multiple_of3A_20, %dma_wait3A] : memref<16x160x128xi32, #tpu.memory_space<hbm>> -> memref<1x40x128xi32, #tpu.memory_space<hbm>>
        %dma_wait3A_46 = tpu.memref_squeeze %dma_wait3A_45 : memref<1x40x128xi32, #tpu.memory_space<hbm>> -> memref<40x128xi32, #tpu.memory_space<hbm>>
        %dma_wait3A_47 = arith.constant 0 : i32
        %dma_wait3A_48 = tpu.memref_slice %arg3[%arg1, %multiple_of3A_20, %dma_wait3A_47] : memref<16x160x128xi32, #tpu.memory_space<hbm>> -> memref<1x40x128xi32, #tpu.memory_space<hbm>>
        %dma_wait3A_49 = tpu.memref_squeeze %dma_wait3A_48 : memref<1x40x128xi32, #tpu.memory_space<hbm>> -> memref<40x128xi32, #tpu.memory_space<hbm>>
        tpu.wait_dma2 semaphore(%run_scoped3A : memref<!tpu.dma_semaphore, #tpu.memory_space<semaphore_mem>>) src(%dma_wait3A_49 : memref<40x128xi32, #tpu.memory_space<hbm>>) dst(%arg7 : memref<40x128xi32, #tpu.memory_space<vmem>>)
        tpu.yield
      }) : () -> ()
      "tpu.region"() ({
        %run_scoped3A = tpu.sem_alloc : memref<!tpu.dma_semaphore, #tpu.memory_space<semaphore_mem>>
        %dma_start3A_39 = arith.constant 0 : i32
        %dma_start3A_40 = tpu.memref_slice %arg4[%arg1, %multiple_of3A_20, %dma_start3A_39] : memref<16x160x128xi32, #tpu.memory_space<hbm>> -> memref<1x40x128xi32, #tpu.memory_space<hbm>>
        %dma_start3A_41 = tpu.memref_squeeze %dma_start3A_40 : memref<1x40x128xi32, #tpu.memory_space<hbm>> -> memref<40x128xi32, #tpu.memory_space<hbm>>
        %dma_start3A_42 = arith.constant 0 : i32
        %dma_start3A_43 = tpu.memref_slice %arg4[%arg1, %multiple_of3A_20, %dma_start3A_42] : memref<16x160x128xi32, #tpu.memory_space<hbm>> -> memref<1x40x128xi32, #tpu.memory_space<hbm>>
        %dma_start3A_44 = tpu.memref_squeeze %dma_start3A_43 : memref<1x40x128xi32, #tpu.memory_space<hbm>> -> memref<40x128xi32, #tpu.memory_space<hbm>>
        tpu.enqueue_dma source(%dma_start3A_44 : memref<40x128xi32, #tpu.memory_space<hbm>>) target(%arg8 : memref<40x128xi32, #tpu.memory_space<vmem>>) target_semaphore(%run_scoped3A : memref<!tpu.dma_semaphore, #tpu.memory_space<semaphore_mem>>)
        %dma_wait3A = arith.constant 0 : i32
        %dma_wait3A_45 = tpu.memref_slice %arg4[%arg1, %multiple_of3A_20, %dma_wait3A] : memref<16x160x128xi32, #tpu.memory_space<hbm>> -> memref<1x40x128xi32, #tpu.memory_space<hbm>>
        %dma_wait3A_46 = tpu.memref_squeeze %dma_wait3A_45 : memref<1x40x128xi32, #tpu.memory_space<hbm>> -> memref<40x128xi32, #tpu.memory_space<hbm>>
        %dma_wait3A_47 = arith.constant 0 : i32
        %dma_wait3A_48 = tpu.memref_slice %arg4[%arg1, %multiple_of3A_20, %dma_wait3A_47] : memref<16x160x128xi32, #tpu.memory_space<hbm>> -> memref<1x40x128xi32, #tpu.memory_space<hbm>>
        %dma_wait3A_49 = tpu.memref_squeeze %dma_wait3A_48 : memref<1x40x128xi32, #tpu.memory_space<hbm>> -> memref<40x128xi32, #tpu.memory_space<hbm>>
        tpu.wait_dma2 semaphore(%run_scoped3A : memref<!tpu.dma_semaphore, #tpu.memory_space<semaphore_mem>>) src(%dma_wait3A_49 : memref<40x128xi32, #tpu.memory_space<hbm>>) dst(%arg8 : memref<40x128xi32, #tpu.memory_space<vmem>>)
        tpu.yield
      }) : () -> ()
      %dma_start3A = arith.constant 0 : i32
      %dma_start3A_21 = arith.constant 0 : i32
      %dma_start3A_22 = tpu.memref_slice %arg7[%dma_start3A, %dma_start3A_21] : memref<40x128xi32, #tpu.memory_space<vmem>> -> memref<1x128xi32, #tpu.memory_space<vmem>>
      %dma_start3A_23 = tpu.memref_squeeze %dma_start3A_22 : memref<1x128xi32, #tpu.memory_space<vmem>> -> memref<128xi32, #tpu.memory_space<vmem>>
      %dma_start3A_24 = arith.constant 0 : i32
      %dma_start3A_25 = arith.constant 0 : i32
      %dma_start3A_26 = tpu.memref_slice %arg2[%dma_start3A_24, %dma_start3A_25] : memref<10240x128xf32, #tpu.memory_space<hbm>> -> memref<10240x128xf32, #tpu.memory_space<hbm>>
      tpu.enqueue_indirect_dma source(%dma_start3A_26 : memref<10240x128xf32, #tpu.memory_space<hbm>>) target(%arg9 : memref<128x128xf32, #tpu.memory_space<vmem>>) offsets(%dma_start3A_23 : memref<128xi32, #tpu.memory_space<vmem>>) semaphore(%arg12 : memref<!tpu.dma_semaphore, #tpu.memory_space<semaphore_mem>>)
      %dma_start3A_27 = arith.constant 1 : i32
      %dma_start3A_28 = arith.constant 0 : i32
      %dma_start3A_29 = tpu.memref_slice %arg7[%dma_start3A_27, %dma_start3A_28] : memref<40x128xi32, #tpu.memory_space<vmem>> -> memref<1x128xi32, #tpu.memory_space<vmem>>
      %dma_start3A_30 = tpu.memref_squeeze %dma_start3A_29 : memref<1x128xi32, #tpu.memory_space<vmem>> -> memref<128xi32, #tpu.memory_space<vmem>>
      %dma_start3A_31 = arith.constant 0 : i32
      %dma_start3A_32 = arith.constant 0 : i32
      %dma_start3A_33 = tpu.memref_slice %arg2[%dma_start3A_31, %dma_start3A_32] : memref<10240x128xf32, #tpu.memory_space<hbm>> -> memref<10240x128xf32, #tpu.memory_space<hbm>>
      tpu.enqueue_indirect_dma source(%dma_start3A_33 : memref<10240x128xf32, #tpu.memory_space<hbm>>) target(%arg10 : memref<128x128xf32, #tpu.memory_space<vmem>>) offsets(%dma_start3A_30 : memref<128xi32, #tpu.memory_space<vmem>>) semaphore(%arg13 : memref<!tpu.dma_semaphore, #tpu.memory_space<semaphore_mem>>)
      %scan3A = arith.constant 0 : i32
      %scan3A_34 = arith.constant 0 : i32
      %scan3A_35 = arith.constant 20 : i32
      %scan3A_36 = arith.addi %scan3A_34, %scan3A_35 : i32
      %scan3A_37 = arith.constant 1 : i32
      scf.for %scan3A_39 = %scan3A_34 to %scan3A_36 step %scan3A_37  : i32 {
        %mul3A_40 = arith.constant 2 : i32
        %mul3A_41 = arith.muli %scan3A_39, %mul3A_40 : i32
        %multiple_of3A_42 = tpu.assume_multiple %mul3A_41, 2 : i32
        %dma_wait3A = arith.constant 0 : i32
        %dma_wait3A_43 = tpu.memref_slice %arg7[%multiple_of3A_42, %dma_wait3A] : memref<40x128xi32, #tpu.memory_space<vmem>> -> memref<1x128xi32, #tpu.memory_space<vmem>>
        %dma_wait3A_44 = tpu.memref_squeeze %dma_wait3A_43 : memref<1x128xi32, #tpu.memory_space<vmem>> -> memref<128xi32, #tpu.memory_space<vmem>>
        %dma_wait3A_45 = arith.constant 0 : i32
        %dma_wait3A_46 = arith.constant 0 : i32
        %dma_wait3A_47 = tpu.memref_slice %arg2[%dma_wait3A_45, %dma_wait3A_46] : memref<10240x128xf32, #tpu.memory_space<hbm>> -> memref<10240x128xf32, #tpu.memory_space<hbm>>
        tpu.wait_indirect_dma semaphore(%arg12 : memref<!tpu.dma_semaphore, #tpu.memory_space<semaphore_mem>>) src(%dma_wait3A_47 : memref<10240x128xf32, #tpu.memory_space<hbm>>) dst(%arg9 : memref<128x128xf32, #tpu.memory_space<vmem>>)
        "tpu.region"() ({
          %run_scoped3A = tpu.sem_alloc : memref<!tpu.dma_semaphore, #tpu.memory_space<semaphore_mem>>
          %dma_start3A_69 = arith.constant 0 : i32
          %dma_start3A_70 = tpu.memref_slice %arg8[%multiple_of3A_42, %dma_start3A_69] : memref<40x128xi32, #tpu.memory_space<vmem>> -> memref<1x128xi32, #tpu.memory_space<vmem>>
          %dma_start3A_71 = tpu.memref_squeeze %dma_start3A_70 : memref<1x128xi32, #tpu.memory_space<vmem>> -> memref<128xi32, #tpu.memory_space<vmem>>
          %dma_start3A_72 = arith.constant 0 : i32
          %dma_start3A_73 = arith.constant 0 : i32
          %dma_start3A_74 = tpu.memref_slice %arg11[%dma_start3A_72, %dma_start3A_73] : memref<10240x128xf32, #tpu.memory_space<vmem_shared>> -> memref<10240x128xf32, #tpu.memory_space<vmem_shared>>
          tpu.enqueue_indirect_dma source(%arg9 : memref<128x128xf32, #tpu.memory_space<vmem>>) target(%dma_start3A_74 : memref<10240x128xf32, #tpu.memory_space<vmem_shared>>) offsets(%dma_start3A_71 : memref<128xi32, #tpu.memory_space<vmem>>) semaphore(%run_scoped3A : memref<!tpu.dma_semaphore, #tpu.memory_space<semaphore_mem>>) {add = true}
          %dma_wait3A_75 = arith.constant 0 : i32
          %dma_wait3A_76 = tpu.memref_slice %arg8[%multiple_of3A_42, %dma_wait3A_75] : memref<40x128xi32, #tpu.memory_space<vmem>> -> memref<1x128xi32, #tpu.memory_space<vmem>>
          %dma_wait3A_77 = tpu.memref_squeeze %dma_wait3A_76 : memref<1x128xi32, #tpu.memory_space<vmem>> -> memref<128xi32, #tpu.memory_space<vmem>>
          %dma_wait3A_78 = arith.constant 0 : i32
          %dma_wait3A_79 = arith.constant 0 : i32
          %dma_wait3A_80 = tpu.memref_slice %arg11[%dma_wait3A_78, %dma_wait3A_79] : memref<10240x128xf32, #tpu.memory_space<vmem_shared>> -> memref<10240x128xf32, #tpu.memory_space<vmem_shared>>
          tpu.wait_indirect_dma semaphore(%run_scoped3A : memref<!tpu.dma_semaphore, #tpu.memory_space<semaphore_mem>>) src(%arg9 : memref<128x128xf32, #tpu.memory_space<vmem>>) dst(%dma_wait3A_80 : memref<10240x128xf32, #tpu.memory_space<vmem_shared>>)
          tpu.yield
        }) : () -> ()
        %add3A_48 = arith.constant 2 : i32
        %add3A_49 = arith.addi %multiple_of3A_42, %add3A_48 : i32
        %lt3A = arith.constant 40 : i32
        %lt3A_50 = arith.cmpi slt, %add3A_49, %lt3A : i32
        %convert_element_type3A_51 = arith.extui %lt3A_50 : i1 to i32
        %cond3A_52 = arith.constant 0 : i32
        %cond3A_53 = arith.cmpi ne, %convert_element_type3A_51, %cond3A_52 : i32
        scf.if %cond3A_53 {
          %add3A_69 = arith.constant 2 : i32
          %add3A_70 = arith.addi %multiple_of3A_42, %add3A_69 : i32
          %dma_start3A_71 = arith.constant 0 : i32
          %dma_start3A_72 = tpu.memref_slice %arg7[%add3A_70, %dma_start3A_71] : memref<40x128xi32, #tpu.memory_space<vmem>> -> memref<1x128xi32, #tpu.memory_space<vmem>>
          %dma_start3A_73 = tpu.memref_squeeze %dma_start3A_72 : memref<1x128xi32, #tpu.memory_space<vmem>> -> memref<128xi32, #tpu.memory_space<vmem>>
          %dma_start3A_74 = arith.constant 0 : i32
          %dma_start3A_75 = arith.constant 0 : i32
          %dma_start3A_76 = tpu.memref_slice %arg2[%dma_start3A_74, %dma_start3A_75] : memref<10240x128xf32, #tpu.memory_space<hbm>> -> memref<10240x128xf32, #tpu.memory_space<hbm>>
          tpu.enqueue_indirect_dma source(%dma_start3A_76 : memref<10240x128xf32, #tpu.memory_space<hbm>>) target(%arg9 : memref<128x128xf32, #tpu.memory_space<vmem>>) offsets(%dma_start3A_73 : memref<128xi32, #tpu.memory_space<vmem>>) semaphore(%arg12 : memref<!tpu.dma_semaphore, #tpu.memory_space<semaphore_mem>>)
        } else {
        }
        %add3A_54 = arith.constant 1 : i32
        %add3A_55 = arith.addi %multiple_of3A_42, %add3A_54 : i32
        %dma_wait3A_56 = arith.constant 0 : i32
        %dma_wait3A_57 = tpu.memref_slice %arg7[%add3A_55, %dma_wait3A_56] : memref<40x128xi32, #tpu.memory_space<vmem>> -> memref<1x128xi32, #tpu.memory_space<vmem>>
        %dma_wait3A_58 = tpu.memref_squeeze %dma_wait3A_57 : memref<1x128xi32, #tpu.memory_space<vmem>> -> memref<128xi32, #tpu.memory_space<vmem>>
        %dma_wait3A_59 = arith.constant 0 : i32
        %dma_wait3A_60 = arith.constant 0 : i32
        %dma_wait3A_61 = tpu.memref_slice %arg2[%dma_wait3A_59, %dma_wait3A_60] : memref<10240x128xf32, #tpu.memory_space<hbm>> -> memref<10240x128xf32, #tpu.memory_space<hbm>>
        tpu.wait_indirect_dma semaphore(%arg13 : memref<!tpu.dma_semaphore, #tpu.memory_space<semaphore_mem>>) src(%dma_wait3A_61 : memref<10240x128xf32, #tpu.memory_space<hbm>>) dst(%arg10 : memref<128x128xf32, #tpu.memory_space<vmem>>)
        "tpu.region"() ({
          %run_scoped3A = tpu.sem_alloc : memref<!tpu.dma_semaphore, #tpu.memory_space<semaphore_mem>>
          %dma_start3A_69 = arith.constant 0 : i32
          %dma_start3A_70 = tpu.memref_slice %arg8[%add3A_55, %dma_start3A_69] : memref<40x128xi32, #tpu.memory_space<vmem>> -> memref<1x128xi32, #tpu.memory_space<vmem>>
          %dma_start3A_71 = tpu.memref_squeeze %dma_start3A_70 : memref<1x128xi32, #tpu.memory_space<vmem>> -> memref<128xi32, #tpu.memory_space<vmem>>
          %dma_start3A_72 = arith.constant 0 : i32
          %dma_start3A_73 = arith.constant 0 : i32
          %dma_start3A_74 = tpu.memref_slice %arg11[%dma_start3A_72, %dma_start3A_73] : memref<10240x128xf32, #tpu.memory_space<vmem_shared>> -> memref<10240x128xf32, #tpu.memory_space<vmem_shared>>
          tpu.enqueue_indirect_dma source(%arg10 : memref<128x128xf32, #tpu.memory_space<vmem>>) target(%dma_start3A_74 : memref<10240x128xf32, #tpu.memory_space<vmem_shared>>) offsets(%dma_start3A_71 : memref<128xi32, #tpu.memory_space<vmem>>) semaphore(%run_scoped3A : memref<!tpu.dma_semaphore, #tpu.memory_space<semaphore_mem>>) {add = true}
          %dma_wait3A_75 = arith.constant 0 : i32
          %dma_wait3A_76 = tpu.memref_slice %arg8[%add3A_55, %dma_wait3A_75] : memref<40x128xi32, #tpu.memory_space<vmem>> -> memref<1x128xi32, #tpu.memory_space<vmem>>
          %dma_wait3A_77 = tpu.memref_squeeze %dma_wait3A_76 : memref<1x128xi32, #tpu.memory_space<vmem>> -> memref<128xi32, #tpu.memory_space<vmem>>
          %dma_wait3A_78 = arith.constant 0 : i32
          %dma_wait3A_79 = arith.constant 0 : i32
          %dma_wait3A_80 = tpu.memref_slice %arg11[%dma_wait3A_78, %dma_wait3A_79] : memref<10240x128xf32, #tpu.memory_space<vmem_shared>> -> memref<10240x128xf32, #tpu.memory_space<vmem_shared>>
          tpu.wait_indirect_dma semaphore(%run_scoped3A : memref<!tpu.dma_semaphore, #tpu.memory_space<semaphore_mem>>) src(%arg10 : memref<128x128xf32, #tpu.memory_space<vmem>>) dst(%dma_wait3A_80 : memref<10240x128xf32, #tpu.memory_space<vmem_shared>>)
          tpu.yield
        }) : () -> ()
        %add3A_62 = arith.constant 2 : i32
        %add3A_63 = arith.addi %add3A_55, %add3A_62 : i32
        %lt3A_64 = arith.constant 40 : i32
        %lt3A_65 = arith.cmpi slt, %add3A_63, %lt3A_64 : i32
        %convert_element_type3A_66 = arith.extui %lt3A_65 : i1 to i32
        %cond3A_67 = arith.constant 0 : i32
        %cond3A_68 = arith.cmpi ne, %convert_element_type3A_66, %cond3A_67 : i32
        scf.if %cond3A_68 {
          %add3A_69 = arith.constant 2 : i32
          %add3A_70 = arith.addi %add3A_55, %add3A_69 : i32
          %dma_start3A_71 = arith.constant 0 : i32
          %dma_start3A_72 = tpu.memref_slice %arg7[%add3A_70, %dma_start3A_71] : memref<40x128xi32, #tpu.memory_space<vmem>> -> memref<1x128xi32, #tpu.memory_space<vmem>>
          %dma_start3A_73 = tpu.memref_squeeze %dma_start3A_72 : memref<1x128xi32, #tpu.memory_space<vmem>> -> memref<128xi32, #tpu.memory_space<vmem>>
          %dma_start3A_74 = arith.constant 0 : i32
          %dma_start3A_75 = arith.constant 0 : i32
          %dma_start3A_76 = tpu.memref_slice %arg2[%dma_start3A_74, %dma_start3A_75] : memref<10240x128xf32, #tpu.memory_space<hbm>> -> memref<10240x128xf32, #tpu.memory_space<hbm>>
          tpu.enqueue_indirect_dma source(%dma_start3A_76 : memref<10240x128xf32, #tpu.memory_space<hbm>>) target(%arg10 : memref<128x128xf32, #tpu.memory_space<vmem>>) offsets(%dma_start3A_73 : memref<128xi32, #tpu.memory_space<vmem>>) semaphore(%arg13 : memref<!tpu.dma_semaphore, #tpu.memory_space<semaphore_mem>>)
        } else {
        }
      }
      %scan3A_38 = arith.constant 20 : i32
    } else {
    }
    %barrier3A_18 = arith.constant 0 : index
    tpu.barrier barrier_id(%barrier3A_18)
    "tpu.region"() ({
      %run_scoped3A = tpu.sem_alloc : memref<!tpu.dma_semaphore, #tpu.memory_space<semaphore_mem>>
      %dma_start3A = arith.constant 0 : i32
      %dma_start3A_19 = tpu.memref_slice %arg6[%arg0, %multiple_of3A, %dma_start3A] : memref<2x10240x128xf32, #tpu.memory_space<hbm>> -> memref<1x640x128xf32, #tpu.memory_space<hbm>>
      %dma_start3A_20 = tpu.memref_squeeze %dma_start3A_19 : memref<1x640x128xf32, #tpu.memory_space<hbm>> -> memref<640x128xf32, #tpu.memory_space<hbm>>
      %dma_start3A_21 = arith.constant 0 : i32
      %dma_start3A_22 = tpu.memref_slice %arg11[%multiple_of3A, %dma_start3A_21] : memref<10240x128xf32, #tpu.memory_space<vmem_shared>> -> memref<640x128xf32, #tpu.memory_space<vmem_shared>>
      tpu.enqueue_dma source(%dma_start3A_22 : memref<640x128xf32, #tpu.memory_space<vmem_shared>>) target(%dma_start3A_20 : memref<640x128xf32, #tpu.memory_space<hbm>>) target_semaphore(%run_scoped3A : memref<!tpu.dma_semaphore, #tpu.memory_space<semaphore_mem>>)
      %dma_wait3A = arith.constant 0 : i32
      %dma_wait3A_23 = tpu.memref_slice %arg6[%arg0, %multiple_of3A, %dma_wait3A] : memref<2x10240x128xf32, #tpu.memory_space<hbm>> -> memref<1x640x128xf32, #tpu.memory_space<hbm>>
      %dma_wait3A_24 = tpu.memref_squeeze %dma_wait3A_23 : memref<1x640x128xf32, #tpu.memory_space<hbm>> -> memref<640x128xf32, #tpu.memory_space<hbm>>
      %dma_wait3A_25 = arith.constant 0 : i32
      %dma_wait3A_26 = tpu.memref_slice %arg11[%multiple_of3A, %dma_wait3A_25] : memref<10240x128xf32, #tpu.memory_space<vmem_shared>> -> memref<640x128xf32, #tpu.memory_space<vmem_shared>>
      tpu.wait_dma2 semaphore(%run_scoped3A : memref<!tpu.dma_semaphore, #tpu.memory_space<semaphore_mem>>) src(%dma_wait3A_26 : memref<640x128xf32, #tpu.memory_space<vmem_shared>>) dst(%dma_wait3A_24 : memref<640x128xf32, #tpu.memory_space<hbm>>)
      tpu.yield
    }) : () -> ()
    return
  }
}

#map = affine_map<(d0, d1) -> (0, 0)>
#map1 = affine_map<(d0, d1) -> (0, 0, 0)>
module attributes {stable_mosaic.version = 14 : i64} {
  func.func @_sc_scatter_body(%arg0: i32, %arg1: i32, %arg2: memref<10240x128xf32, #tpu.memory_space<hbm>>, %arg3: memref<16x160x128xi32, #tpu.memory_space<hbm>>, %arg4: memref<16x160x128xi32, #tpu.memory_space<hbm>>, %arg5: memref<10240x128xf32, #tpu.memory_space<hbm>>, %arg6: memref<2x10240x128xf32, #tpu.memory_space<hbm>>, %arg7: memref<40x128xi32, #tpu.memory_space<vmem>>, %arg8: memref<40x128xi32, #tpu.memory_space<vmem>>, %arg9: memref<128x128xf32, #tpu.memory_space<vmem>>, %arg10: memref<128x128xf32, #tpu.memory_space<vmem>>, %arg11: memref<10240x128xf32, #tpu.memory_space<vmem_shared>>, %arg12: memref<!tpu.dma_semaphore, #tpu.memory_space<semaphore_mem>>, %arg13: memref<!tpu.dma_semaphore, #tpu.memory_space<semaphore_mem>>) attributes {dimension_semantics = [#tpu.dimension_semantics<core_parallel>, #tpu.dimension_semantics<subcore_parallel>], iteration_bounds = array<i64: 2, 16>, scalar_prefetch = 0 : i64, scratch_operands = 7 : i64, tpu.core_type = #tpu.core_type<sc_vector_subcore>, window_params = [{transform_indices = #map}, {transform_indices = #map1}, {transform_indices = #map1}, {transform_indices = #map}, {transform_indices = #map1}]} {
    %mul3A = arith.constant 640 : i32
    %mul3A_0 = arith.muli %arg1, %mul3A : i32
    %multiple_of3A = tpu.assume_multiple %mul3A_0, 640 : i32
    "tpu.region"() ({
      %run_scoped3A = tpu.sem_alloc : memref<!tpu.dma_semaphore, #tpu.memory_space<semaphore_mem>>
      %dma_start3A = arith.constant 0 : i32
      %dma_start3A_19 = tpu.memref_slice %arg11[%multiple_of3A, %dma_start3A] : memref<10240x128xf32, #tpu.memory_space<vmem_shared>> -> memref<640x128xf32, #tpu.memory_space<vmem_shared>>
      %dma_start3A_20 = arith.constant 0 : i32
      %dma_start3A_21 = tpu.memref_slice %arg5[%multiple_of3A, %dma_start3A_20] : memref<10240x128xf32, #tpu.memory_space<hbm>> -> memref<640x128xf32, #tpu.memory_space<hbm>>
      tpu.enqueue_dma source(%dma_start3A_21 : memref<640x128xf32, #tpu.memory_space<hbm>>) target(%dma_start3A_19 : memref<640x128xf32, #tpu.memory_space<vmem_shared>>) target_semaphore(%run_scoped3A : memref<!tpu.dma_semaphore, #tpu.memory_space<semaphore_mem>>)
      %dma_wait3A = arith.constant 0 : i32
      %dma_wait3A_22 = tpu.memref_slice %arg11[%multiple_of3A, %dma_wait3A] : memref<10240x128xf32, #tpu.memory_space<vmem_shared>> -> memref<640x128xf32, #tpu.memory_space<vmem_shared>>
      %dma_wait3A_23 = arith.constant 0 : i32
      %dma_wait3A_24 = tpu.memref_slice %arg5[%multiple_of3A, %dma_wait3A_23] : memref<10240x128xf32, #tpu.memory_space<hbm>> -> memref<640x128xf32, #tpu.memory_space<hbm>>
      tpu.wait_dma2 semaphore(%run_scoped3A : memref<!tpu.dma_semaphore, #tpu.memory_space<semaphore_mem>>) src(%dma_wait3A_24 : memref<640x128xf32, #tpu.memory_space<hbm>>) dst(%dma_wait3A_22 : memref<640x128xf32, #tpu.memory_space<vmem_shared>>)
      tpu.yield
    }) : () -> ()
    %barrier3A = arith.constant 0 : index
    tpu.barrier barrier_id(%barrier3A)
    %mul3A_1 = arith.constant 2 : i32
    %mul3A_2 = arith.muli %mul3A_1, %arg0 : i32
    %sub3A = arith.constant 3 : i32
    %sub3A_3 = arith.subi %sub3A, %mul3A_2 : i32
    %mul3A_4 = arith.constant 120 : i32
    %mul3A_5 = arith.muli %arg0, %mul3A_4 : i32
    %gt3A = arith.constant 0 : i32
    %gt3A_6 = arith.cmpi sgt, %sub3A_3, %gt3A : i32
    %convert_element_type3A = arith.extui %gt3A_6 : i1 to i32
    %cond3A = arith.constant 0 : i32
    %cond3A_7 = arith.cmpi ne, %convert_element_type3A, %cond3A : i32
    scf.if %cond3A_7 {
      %add3A = arith.constant 0 : i32
      %add3A_19 = arith.addi %mul3A_5, %add3A : i32
      %multiple_of3A_20 = tpu.assume_multiple %add3A_19, 40 : i32
      "tpu.region"() ({
        %run_scoped3A = tpu.sem_alloc : memref<!tpu.dma_semaphore, #tpu.memory_space<semaphore_mem>>
        %dma_start3A_39 = arith.constant 0 : i32
        %dma_start3A_40 = tpu.memref_slice %arg3[%arg1, %multiple_of3A_20, %dma_start3A_39] : memref<16x160x128xi32, #tpu.memory_space<hbm>> -> memref<1x40x128xi32, #tpu.memory_space<hbm>>
        %dma_start3A_41 = tpu.memref_squeeze %dma_start3A_40 : memref<1x40x128xi32, #tpu.memory_space<hbm>> -> memref<40x128xi32, #tpu.memory_space<hbm>>
        %dma_start3A_42 = arith.constant 0 : i32
        %dma_start3A_43 = tpu.memref_slice %arg3[%arg1, %multiple_of3A_20, %dma_start3A_42] : memref<16x160x128xi32, #tpu.memory_space<hbm>> -> memref<1x40x128xi32, #tpu.memory_space<hbm>>
        %dma_start3A_44 = tpu.memref_squeeze %dma_start3A_43 : memref<1x40x128xi32, #tpu.memory_space<hbm>> -> memref<40x128xi32, #tpu.memory_space<hbm>>
        tpu.enqueue_dma source(%dma_start3A_44 : memref<40x128xi32, #tpu.memory_space<hbm>>) target(%arg7 : memref<40x128xi32, #tpu.memory_space<vmem>>) target_semaphore(%run_scoped3A : memref<!tpu.dma_semaphore, #tpu.memory_space<semaphore_mem>>)
        %dma_wait3A = arith.constant 0 : i32
        %dma_wait3A_45 = tpu.memref_slice %arg3[%arg1, %multiple_of3A_20, %dma_wait3A] : memref<16x160x128xi32, #tpu.memory_space<hbm>> -> memref<1x40x128xi32, #tpu.memory_space<hbm>>
        %dma_wait3A_46 = tpu.memref_squeeze %dma_wait3A_45 : memref<1x40x128xi32, #tpu.memory_space<hbm>> -> memref<40x128xi32, #tpu.memory_space<hbm>>
        %dma_wait3A_47 = arith.constant 0 : i32
        %dma_wait3A_48 = tpu.memref_slice %arg3[%arg1, %multiple_of3A_20, %dma_wait3A_47] : memref<16x160x128xi32, #tpu.memory_space<hbm>> -> memref<1x40x128xi32, #tpu.memory_space<hbm>>
        %dma_wait3A_49 = tpu.memref_squeeze %dma_wait3A_48 : memref<1x40x128xi32, #tpu.memory_space<hbm>> -> memref<40x128xi32, #tpu.memory_space<hbm>>
        tpu.wait_dma2 semaphore(%run_scoped3A : memref<!tpu.dma_semaphore, #tpu.memory_space<semaphore_mem>>) src(%dma_wait3A_49 : memref<40x128xi32, #tpu.memory_space<hbm>>) dst(%arg7 : memref<40x128xi32, #tpu.memory_space<vmem>>)
        tpu.yield
      }) : () -> ()
      "tpu.region"() ({
        %run_scoped3A = tpu.sem_alloc : memref<!tpu.dma_semaphore, #tpu.memory_space<semaphore_mem>>
        %dma_start3A_39 = arith.constant 0 : i32
        %dma_start3A_40 = tpu.memref_slice %arg4[%arg1, %multiple_of3A_20, %dma_start3A_39] : memref<16x160x128xi32, #tpu.memory_space<hbm>> -> memref<1x40x128xi32, #tpu.memory_space<hbm>>
        %dma_start3A_41 = tpu.memref_squeeze %dma_start3A_40 : memref<1x40x128xi32, #tpu.memory_space<hbm>> -> memref<40x128xi32, #tpu.memory_space<hbm>>
        %dma_start3A_42 = arith.constant 0 : i32
        %dma_start3A_43 = tpu.memref_slice %arg4[%arg1, %multiple_of3A_20, %dma_start3A_42] : memref<16x160x128xi32, #tpu.memory_space<hbm>> -> memref<1x40x128xi32, #tpu.memory_space<hbm>>
        %dma_start3A_44 = tpu.memref_squeeze %dma_start3A_43 : memref<1x40x128xi32, #tpu.memory_space<hbm>> -> memref<40x128xi32, #tpu.memory_space<hbm>>
        tpu.enqueue_dma source(%dma_start3A_44 : memref<40x128xi32, #tpu.memory_space<hbm>>) target(%arg8 : memref<40x128xi32, #tpu.memory_space<vmem>>) target_semaphore(%run_scoped3A : memref<!tpu.dma_semaphore, #tpu.memory_space<semaphore_mem>>)
        %dma_wait3A = arith.constant 0 : i32
        %dma_wait3A_45 = tpu.memref_slice %arg4[%arg1, %multiple_of3A_20, %dma_wait3A] : memref<16x160x128xi32, #tpu.memory_space<hbm>> -> memref<1x40x128xi32, #tpu.memory_space<hbm>>
        %dma_wait3A_46 = tpu.memref_squeeze %dma_wait3A_45 : memref<1x40x128xi32, #tpu.memory_space<hbm>> -> memref<40x128xi32, #tpu.memory_space<hbm>>
        %dma_wait3A_47 = arith.constant 0 : i32
        %dma_wait3A_48 = tpu.memref_slice %arg4[%arg1, %multiple_of3A_20, %dma_wait3A_47] : memref<16x160x128xi32, #tpu.memory_space<hbm>> -> memref<1x40x128xi32, #tpu.memory_space<hbm>>
        %dma_wait3A_49 = tpu.memref_squeeze %dma_wait3A_48 : memref<1x40x128xi32, #tpu.memory_space<hbm>> -> memref<40x128xi32, #tpu.memory_space<hbm>>
        tpu.wait_dma2 semaphore(%run_scoped3A : memref<!tpu.dma_semaphore, #tpu.memory_space<semaphore_mem>>) src(%dma_wait3A_49 : memref<40x128xi32, #tpu.memory_space<hbm>>) dst(%arg8 : memref<40x128xi32, #tpu.memory_space<vmem>>)
        tpu.yield
      }) : () -> ()
      %dma_start3A = arith.constant 0 : i32
      %dma_start3A_21 = arith.constant 0 : i32
      %dma_start3A_22 = tpu.memref_slice %arg7[%dma_start3A, %dma_start3A_21] : memref<40x128xi32, #tpu.memory_space<vmem>> -> memref<1x128xi32, #tpu.memory_space<vmem>>
      %dma_start3A_23 = tpu.memref_squeeze %dma_start3A_22 : memref<1x128xi32, #tpu.memory_space<vmem>> -> memref<128xi32, #tpu.memory_space<vmem>>
      %dma_start3A_24 = arith.constant 0 : i32
      %dma_start3A_25 = arith.constant 0 : i32
      %dma_start3A_26 = tpu.memref_slice %arg2[%dma_start3A_24, %dma_start3A_25] : memref<10240x128xf32, #tpu.memory_space<hbm>> -> memref<10240x128xf32, #tpu.memory_space<hbm>>
      tpu.enqueue_indirect_dma source(%dma_start3A_26 : memref<10240x128xf32, #tpu.memory_space<hbm>>) target(%arg9 : memref<128x128xf32, #tpu.memory_space<vmem>>) offsets(%dma_start3A_23 : memref<128xi32, #tpu.memory_space<vmem>>) semaphore(%arg12 : memref<!tpu.dma_semaphore, #tpu.memory_space<semaphore_mem>>)
      %dma_start3A_27 = arith.constant 1 : i32
      %dma_start3A_28 = arith.constant 0 : i32
      %dma_start3A_29 = tpu.memref_slice %arg7[%dma_start3A_27, %dma_start3A_28] : memref<40x128xi32, #tpu.memory_space<vmem>> -> memref<1x128xi32, #tpu.memory_space<vmem>>
      %dma_start3A_30 = tpu.memref_squeeze %dma_start3A_29 : memref<1x128xi32, #tpu.memory_space<vmem>> -> memref<128xi32, #tpu.memory_space<vmem>>
      %dma_start3A_31 = arith.constant 0 : i32
      %dma_start3A_32 = arith.constant 0 : i32
      %dma_start3A_33 = tpu.memref_slice %arg2[%dma_start3A_31, %dma_start3A_32] : memref<10240x128xf32, #tpu.memory_space<hbm>> -> memref<10240x128xf32, #tpu.memory_space<hbm>>
      tpu.enqueue_indirect_dma source(%dma_start3A_33 : memref<10240x128xf32, #tpu.memory_space<hbm>>) target(%arg10 : memref<128x128xf32, #tpu.memory_space<vmem>>) offsets(%dma_start3A_30 : memref<128xi32, #tpu.memory_space<vmem>>) semaphore(%arg13 : memref<!tpu.dma_semaphore, #tpu.memory_space<semaphore_mem>>)
      %scan3A = arith.constant 0 : i32
      %scan3A_34 = arith.constant 0 : i32
      %scan3A_35 = arith.constant 20 : i32
      %scan3A_36 = arith.addi %scan3A_34, %scan3A_35 : i32
      %scan3A_37 = arith.constant 1 : i32
      scf.for %scan3A_39 = %scan3A_34 to %scan3A_36 step %scan3A_37  : i32 {
        %mul3A_40 = arith.constant 2 : i32
        %mul3A_41 = arith.muli %scan3A_39, %mul3A_40 : i32
        %multiple_of3A_42 = tpu.assume_multiple %mul3A_41, 2 : i32
        %dma_wait3A = arith.constant 0 : i32
        %dma_wait3A_43 = tpu.memref_slice %arg7[%multiple_of3A_42, %dma_wait3A] : memref<40x128xi32, #tpu.memory_space<vmem>> -> memref<1x128xi32, #tpu.memory_space<vmem>>
        %dma_wait3A_44 = tpu.memref_squeeze %dma_wait3A_43 : memref<1x128xi32, #tpu.memory_space<vmem>> -> memref<128xi32, #tpu.memory_space<vmem>>
        %dma_wait3A_45 = arith.constant 0 : i32
        %dma_wait3A_46 = arith.constant 0 : i32
        %dma_wait3A_47 = tpu.memref_slice %arg2[%dma_wait3A_45, %dma_wait3A_46] : memref<10240x128xf32, #tpu.memory_space<hbm>> -> memref<10240x128xf32, #tpu.memory_space<hbm>>
        tpu.wait_indirect_dma semaphore(%arg12 : memref<!tpu.dma_semaphore, #tpu.memory_space<semaphore_mem>>) src(%dma_wait3A_47 : memref<10240x128xf32, #tpu.memory_space<hbm>>) dst(%arg9 : memref<128x128xf32, #tpu.memory_space<vmem>>)
        "tpu.region"() ({
          %run_scoped3A = tpu.sem_alloc : memref<!tpu.dma_semaphore, #tpu.memory_space<semaphore_mem>>
          %dma_start3A_69 = arith.constant 0 : i32
          %dma_start3A_70 = tpu.memref_slice %arg8[%multiple_of3A_42, %dma_start3A_69] : memref<40x128xi32, #tpu.memory_space<vmem>> -> memref<1x128xi32, #tpu.memory_space<vmem>>
          %dma_start3A_71 = tpu.memref_squeeze %dma_start3A_70 : memref<1x128xi32, #tpu.memory_space<vmem>> -> memref<128xi32, #tpu.memory_space<vmem>>
          %dma_start3A_72 = arith.constant 0 : i32
          %dma_start3A_73 = arith.constant 0 : i32
          %dma_start3A_74 = tpu.memref_slice %arg11[%dma_start3A_72, %dma_start3A_73] : memref<10240x128xf32, #tpu.memory_space<vmem_shared>> -> memref<10240x128xf32, #tpu.memory_space<vmem_shared>>
          tpu.enqueue_indirect_dma source(%arg9 : memref<128x128xf32, #tpu.memory_space<vmem>>) target(%dma_start3A_74 : memref<10240x128xf32, #tpu.memory_space<vmem_shared>>) offsets(%dma_start3A_71 : memref<128xi32, #tpu.memory_space<vmem>>) semaphore(%run_scoped3A : memref<!tpu.dma_semaphore, #tpu.memory_space<semaphore_mem>>) {add = true}
          %dma_wait3A_75 = arith.constant 0 : i32
          %dma_wait3A_76 = tpu.memref_slice %arg8[%multiple_of3A_42, %dma_wait3A_75] : memref<40x128xi32, #tpu.memory_space<vmem>> -> memref<1x128xi32, #tpu.memory_space<vmem>>
          %dma_wait3A_77 = tpu.memref_squeeze %dma_wait3A_76 : memref<1x128xi32, #tpu.memory_space<vmem>> -> memref<128xi32, #tpu.memory_space<vmem>>
          %dma_wait3A_78 = arith.constant 0 : i32
          %dma_wait3A_79 = arith.constant 0 : i32
          %dma_wait3A_80 = tpu.memref_slice %arg11[%dma_wait3A_78, %dma_wait3A_79] : memref<10240x128xf32, #tpu.memory_space<vmem_shared>> -> memref<10240x128xf32, #tpu.memory_space<vmem_shared>>
          tpu.wait_indirect_dma semaphore(%run_scoped3A : memref<!tpu.dma_semaphore, #tpu.memory_space<semaphore_mem>>) src(%arg9 : memref<128x128xf32, #tpu.memory_space<vmem>>) dst(%dma_wait3A_80 : memref<10240x128xf32, #tpu.memory_space<vmem_shared>>)
          tpu.yield
        }) : () -> ()
        %add3A_48 = arith.constant 2 : i32
        %add3A_49 = arith.addi %multiple_of3A_42, %add3A_48 : i32
        %lt3A = arith.constant 40 : i32
        %lt3A_50 = arith.cmpi slt, %add3A_49, %lt3A : i32
        %convert_element_type3A_51 = arith.extui %lt3A_50 : i1 to i32
        %cond3A_52 = arith.constant 0 : i32
        %cond3A_53 = arith.cmpi ne, %convert_element_type3A_51, %cond3A_52 : i32
        scf.if %cond3A_53 {
          %add3A_69 = arith.constant 2 : i32
          %add3A_70 = arith.addi %multiple_of3A_42, %add3A_69 : i32
          %dma_start3A_71 = arith.constant 0 : i32
          %dma_start3A_72 = tpu.memref_slice %arg7[%add3A_70, %dma_start3A_71] : memref<40x128xi32, #tpu.memory_space<vmem>> -> memref<1x128xi32, #tpu.memory_space<vmem>>
          %dma_start3A_73 = tpu.memref_squeeze %dma_start3A_72 : memref<1x128xi32, #tpu.memory_space<vmem>> -> memref<128xi32, #tpu.memory_space<vmem>>
          %dma_start3A_74 = arith.constant 0 : i32
          %dma_start3A_75 = arith.constant 0 : i32
          %dma_start3A_76 = tpu.memref_slice %arg2[%dma_start3A_74, %dma_start3A_75] : memref<10240x128xf32, #tpu.memory_space<hbm>> -> memref<10240x128xf32, #tpu.memory_space<hbm>>
          tpu.enqueue_indirect_dma source(%dma_start3A_76 : memref<10240x128xf32, #tpu.memory_space<hbm>>) target(%arg9 : memref<128x128xf32, #tpu.memory_space<vmem>>) offsets(%dma_start3A_73 : memref<128xi32, #tpu.memory_space<vmem>>) semaphore(%arg12 : memref<!tpu.dma_semaphore, #tpu.memory_space<semaphore_mem>>)
        } else {
        }
        %add3A_54 = arith.constant 1 : i32
        %add3A_55 = arith.addi %multiple_of3A_42, %add3A_54 : i32
        %dma_wait3A_56 = arith.constant 0 : i32
        %dma_wait3A_57 = tpu.memref_slice %arg7[%add3A_55, %dma_wait3A_56] : memref<40x128xi32, #tpu.memory_space<vmem>> -> memref<1x128xi32, #tpu.memory_space<vmem>>
        %dma_wait3A_58 = tpu.memref_squeeze %dma_wait3A_57 : memref<1x128xi32, #tpu.memory_space<vmem>> -> memref<128xi32, #tpu.memory_space<vmem>>
        %dma_wait3A_59 = arith.constant 0 : i32
        %dma_wait3A_60 = arith.constant 0 : i32
        %dma_wait3A_61 = tpu.memref_slice %arg2[%dma_wait3A_59, %dma_wait3A_60] : memref<10240x128xf32, #tpu.memory_space<hbm>> -> memref<10240x128xf32, #tpu.memory_space<hbm>>
        tpu.wait_indirect_dma semaphore(%arg13 : memref<!tpu.dma_semaphore, #tpu.memory_space<semaphore_mem>>) src(%dma_wait3A_61 : memref<10240x128xf32, #tpu.memory_space<hbm>>) dst(%arg10 : memref<128x128xf32, #tpu.memory_space<vmem>>)
        "tpu.region"() ({
          %run_scoped3A = tpu.sem_alloc : memref<!tpu.dma_semaphore, #tpu.memory_space<semaphore_mem>>
          %dma_start3A_69 = arith.constant 0 : i32
          %dma_start3A_70 = tpu.memref_slice %arg8[%add3A_55, %dma_start3A_69] : memref<40x128xi32, #tpu.memory_space<vmem>> -> memref<1x128xi32, #tpu.memory_space<vmem>>
          %dma_start3A_71 = tpu.memref_squeeze %dma_start3A_70 : memref<1x128xi32, #tpu.memory_space<vmem>> -> memref<128xi32, #tpu.memory_space<vmem>>
          %dma_start3A_72 = arith.constant 0 : i32
          %dma_start3A_73 = arith.constant 0 : i32
          %dma_start3A_74 = tpu.memref_slice %arg11[%dma_start3A_72, %dma_start3A_73] : memref<10240x128xf32, #tpu.memory_space<vmem_shared>> -> memref<10240x128xf32, #tpu.memory_space<vmem_shared>>
          tpu.enqueue_indirect_dma source(%arg10 : memref<128x128xf32, #tpu.memory_space<vmem>>) target(%dma_start3A_74 : memref<10240x128xf32, #tpu.memory_space<vmem_shared>>) offsets(%dma_start3A_71 : memref<128xi32, #tpu.memory_space<vmem>>) semaphore(%run_scoped3A : memref<!tpu.dma_semaphore, #tpu.memory_space<semaphore_mem>>) {add = true}
          %dma_wait3A_75 = arith.constant 0 : i32
          %dma_wait3A_76 = tpu.memref_slice %arg8[%add3A_55, %dma_wait3A_75] : memref<40x128xi32, #tpu.memory_space<vmem>> -> memref<1x128xi32, #tpu.memory_space<vmem>>
          %dma_wait3A_77 = tpu.memref_squeeze %dma_wait3A_76 : memref<1x128xi32, #tpu.memory_space<vmem>> -> memref<128xi32, #tpu.memory_space<vmem>>
          %dma_wait3A_78 = arith.constant 0 : i32
          %dma_wait3A_79 = arith.constant 0 : i32
          %dma_wait3A_80 = tpu.memref_slice %arg11[%dma_wait3A_78, %dma_wait3A_79] : memref<10240x128xf32, #tpu.memory_space<vmem_shared>> -> memref<10240x128xf32, #tpu.memory_space<vmem_shared>>
          tpu.wait_indirect_dma semaphore(%run_scoped3A : memref<!tpu.dma_semaphore, #tpu.memory_space<semaphore_mem>>) src(%arg10 : memref<128x128xf32, #tpu.memory_space<vmem>>) dst(%dma_wait3A_80 : memref<10240x128xf32, #tpu.memory_space<vmem_shared>>)
          tpu.yield
        }) : () -> ()
        %add3A_62 = arith.constant 2 : i32
        %add3A_63 = arith.addi %add3A_55, %add3A_62 : i32
        %lt3A_64 = arith.constant 40 : i32
        %lt3A_65 = arith.cmpi slt, %add3A_63, %lt3A_64 : i32
        %convert_element_type3A_66 = arith.extui %lt3A_65 : i1 to i32
        %cond3A_67 = arith.constant 0 : i32
        %cond3A_68 = arith.cmpi ne, %convert_element_type3A_66, %cond3A_67 : i32
        scf.if %cond3A_68 {
          %add3A_69 = arith.constant 2 : i32
          %add3A_70 = arith.addi %add3A_55, %add3A_69 : i32
          %dma_start3A_71 = arith.constant 0 : i32
          %dma_start3A_72 = tpu.memref_slice %arg7[%add3A_70, %dma_start3A_71] : memref<40x128xi32, #tpu.memory_space<vmem>> -> memref<1x128xi32, #tpu.memory_space<vmem>>
          %dma_start3A_73 = tpu.memref_squeeze %dma_start3A_72 : memref<1x128xi32, #tpu.memory_space<vmem>> -> memref<128xi32, #tpu.memory_space<vmem>>
          %dma_start3A_74 = arith.constant 0 : i32
          %dma_start3A_75 = arith.constant 0 : i32
          %dma_start3A_76 = tpu.memref_slice %arg2[%dma_start3A_74, %dma_start3A_75] : memref<10240x128xf32, #tpu.memory_space<hbm>> -> memref<10240x128xf32, #tpu.memory_space<hbm>>
          tpu.enqueue_indirect_dma source(%dma_start3A_76 : memref<10240x128xf32, #tpu.memory_space<hbm>>) target(%arg10 : memref<128x128xf32, #tpu.memory_space<vmem>>) offsets(%dma_start3A_73 : memref<128xi32, #tpu.memory_space<vmem>>) semaphore(%arg13 : memref<!tpu.dma_semaphore, #tpu.memory_space<semaphore_mem>>)
        } else {
        }
      }
      %scan3A_38 = arith.constant 20 : i32
    } else {
    }
    %gt3A_8 = arith.constant 1 : i32
    %gt3A_9 = arith.cmpi sgt, %sub3A_3, %gt3A_8 : i32
    %convert_element_type3A_10 = arith.extui %gt3A_9 : i1 to i32
    %cond3A_11 = arith.constant 0 : i32
    %cond3A_12 = arith.cmpi ne, %convert_element_type3A_10, %cond3A_11 : i32
    scf.if %cond3A_12 {
      %add3A = arith.constant 40 : i32
      %add3A_19 = arith.addi %mul3A_5, %add3A : i32
      %multiple_of3A_20 = tpu.assume_multiple %add3A_19, 40 : i32
      "tpu.region"() ({
        %run_scoped3A = tpu.sem_alloc : memref<!tpu.dma_semaphore, #tpu.memory_space<semaphore_mem>>
        %dma_start3A_39 = arith.constant 0 : i32
        %dma_start3A_40 = tpu.memref_slice %arg3[%arg1, %multiple_of3A_20, %dma_start3A_39] : memref<16x160x128xi32, #tpu.memory_space<hbm>> -> memref<1x40x128xi32, #tpu.memory_space<hbm>>
        %dma_start3A_41 = tpu.memref_squeeze %dma_start3A_40 : memref<1x40x128xi32, #tpu.memory_space<hbm>> -> memref<40x128xi32, #tpu.memory_space<hbm>>
        %dma_start3A_42 = arith.constant 0 : i32
        %dma_start3A_43 = tpu.memref_slice %arg3[%arg1, %multiple_of3A_20, %dma_start3A_42] : memref<16x160x128xi32, #tpu.memory_space<hbm>> -> memref<1x40x128xi32, #tpu.memory_space<hbm>>
        %dma_start3A_44 = tpu.memref_squeeze %dma_start3A_43 : memref<1x40x128xi32, #tpu.memory_space<hbm>> -> memref<40x128xi32, #tpu.memory_space<hbm>>
        tpu.enqueue_dma source(%dma_start3A_44 : memref<40x128xi32, #tpu.memory_space<hbm>>) target(%arg7 : memref<40x128xi32, #tpu.memory_space<vmem>>) target_semaphore(%run_scoped3A : memref<!tpu.dma_semaphore, #tpu.memory_space<semaphore_mem>>)
        %dma_wait3A = arith.constant 0 : i32
        %dma_wait3A_45 = tpu.memref_slice %arg3[%arg1, %multiple_of3A_20, %dma_wait3A] : memref<16x160x128xi32, #tpu.memory_space<hbm>> -> memref<1x40x128xi32, #tpu.memory_space<hbm>>
        %dma_wait3A_46 = tpu.memref_squeeze %dma_wait3A_45 : memref<1x40x128xi32, #tpu.memory_space<hbm>> -> memref<40x128xi32, #tpu.memory_space<hbm>>
        %dma_wait3A_47 = arith.constant 0 : i32
        %dma_wait3A_48 = tpu.memref_slice %arg3[%arg1, %multiple_of3A_20, %dma_wait3A_47] : memref<16x160x128xi32, #tpu.memory_space<hbm>> -> memref<1x40x128xi32, #tpu.memory_space<hbm>>
        %dma_wait3A_49 = tpu.memref_squeeze %dma_wait3A_48 : memref<1x40x128xi32, #tpu.memory_space<hbm>> -> memref<40x128xi32, #tpu.memory_space<hbm>>
        tpu.wait_dma2 semaphore(%run_scoped3A : memref<!tpu.dma_semaphore, #tpu.memory_space<semaphore_mem>>) src(%dma_wait3A_49 : memref<40x128xi32, #tpu.memory_space<hbm>>) dst(%arg7 : memref<40x128xi32, #tpu.memory_space<vmem>>)
        tpu.yield
      }) : () -> ()
      "tpu.region"() ({
        %run_scoped3A = tpu.sem_alloc : memref<!tpu.dma_semaphore, #tpu.memory_space<semaphore_mem>>
        %dma_start3A_39 = arith.constant 0 : i32
        %dma_start3A_40 = tpu.memref_slice %arg4[%arg1, %multiple_of3A_20, %dma_start3A_39] : memref<16x160x128xi32, #tpu.memory_space<hbm>> -> memref<1x40x128xi32, #tpu.memory_space<hbm>>
        %dma_start3A_41 = tpu.memref_squeeze %dma_start3A_40 : memref<1x40x128xi32, #tpu.memory_space<hbm>> -> memref<40x128xi32, #tpu.memory_space<hbm>>
        %dma_start3A_42 = arith.constant 0 : i32
        %dma_start3A_43 = tpu.memref_slice %arg4[%arg1, %multiple_of3A_20, %dma_start3A_42] : memref<16x160x128xi32, #tpu.memory_space<hbm>> -> memref<1x40x128xi32, #tpu.memory_space<hbm>>
        %dma_start3A_44 = tpu.memref_squeeze %dma_start3A_43 : memref<1x40x128xi32, #tpu.memory_space<hbm>> -> memref<40x128xi32, #tpu.memory_space<hbm>>
        tpu.enqueue_dma source(%dma_start3A_44 : memref<40x128xi32, #tpu.memory_space<hbm>>) target(%arg8 : memref<40x128xi32, #tpu.memory_space<vmem>>) target_semaphore(%run_scoped3A : memref<!tpu.dma_semaphore, #tpu.memory_space<semaphore_mem>>)
        %dma_wait3A = arith.constant 0 : i32
        %dma_wait3A_45 = tpu.memref_slice %arg4[%arg1, %multiple_of3A_20, %dma_wait3A] : memref<16x160x128xi32, #tpu.memory_space<hbm>> -> memref<1x40x128xi32, #tpu.memory_space<hbm>>
        %dma_wait3A_46 = tpu.memref_squeeze %dma_wait3A_45 : memref<1x40x128xi32, #tpu.memory_space<hbm>> -> memref<40x128xi32, #tpu.memory_space<hbm>>
        %dma_wait3A_47 = arith.constant 0 : i32
        %dma_wait3A_48 = tpu.memref_slice %arg4[%arg1, %multiple_of3A_20, %dma_wait3A_47] : memref<16x160x128xi32, #tpu.memory_space<hbm>> -> memref<1x40x128xi32, #tpu.memory_space<hbm>>
        %dma_wait3A_49 = tpu.memref_squeeze %dma_wait3A_48 : memref<1x40x128xi32, #tpu.memory_space<hbm>> -> memref<40x128xi32, #tpu.memory_space<hbm>>
        tpu.wait_dma2 semaphore(%run_scoped3A : memref<!tpu.dma_semaphore, #tpu.memory_space<semaphore_mem>>) src(%dma_wait3A_49 : memref<40x128xi32, #tpu.memory_space<hbm>>) dst(%arg8 : memref<40x128xi32, #tpu.memory_space<vmem>>)
        tpu.yield
      }) : () -> ()
      %dma_start3A = arith.constant 0 : i32
      %dma_start3A_21 = arith.constant 0 : i32
      %dma_start3A_22 = tpu.memref_slice %arg7[%dma_start3A, %dma_start3A_21] : memref<40x128xi32, #tpu.memory_space<vmem>> -> memref<1x128xi32, #tpu.memory_space<vmem>>
      %dma_start3A_23 = tpu.memref_squeeze %dma_start3A_22 : memref<1x128xi32, #tpu.memory_space<vmem>> -> memref<128xi32, #tpu.memory_space<vmem>>
      %dma_start3A_24 = arith.constant 0 : i32
      %dma_start3A_25 = arith.constant 0 : i32
      %dma_start3A_26 = tpu.memref_slice %arg2[%dma_start3A_24, %dma_start3A_25] : memref<10240x128xf32, #tpu.memory_space<hbm>> -> memref<10240x128xf32, #tpu.memory_space<hbm>>
      tpu.enqueue_indirect_dma source(%dma_start3A_26 : memref<10240x128xf32, #tpu.memory_space<hbm>>) target(%arg9 : memref<128x128xf32, #tpu.memory_space<vmem>>) offsets(%dma_start3A_23 : memref<128xi32, #tpu.memory_space<vmem>>) semaphore(%arg12 : memref<!tpu.dma_semaphore, #tpu.memory_space<semaphore_mem>>)
      %dma_start3A_27 = arith.constant 1 : i32
      %dma_start3A_28 = arith.constant 0 : i32
      %dma_start3A_29 = tpu.memref_slice %arg7[%dma_start3A_27, %dma_start3A_28] : memref<40x128xi32, #tpu.memory_space<vmem>> -> memref<1x128xi32, #tpu.memory_space<vmem>>
      %dma_start3A_30 = tpu.memref_squeeze %dma_start3A_29 : memref<1x128xi32, #tpu.memory_space<vmem>> -> memref<128xi32, #tpu.memory_space<vmem>>
      %dma_start3A_31 = arith.constant 0 : i32
      %dma_start3A_32 = arith.constant 0 : i32
      %dma_start3A_33 = tpu.memref_slice %arg2[%dma_start3A_31, %dma_start3A_32] : memref<10240x128xf32, #tpu.memory_space<hbm>> -> memref<10240x128xf32, #tpu.memory_space<hbm>>
      tpu.enqueue_indirect_dma source(%dma_start3A_33 : memref<10240x128xf32, #tpu.memory_space<hbm>>) target(%arg10 : memref<128x128xf32, #tpu.memory_space<vmem>>) offsets(%dma_start3A_30 : memref<128xi32, #tpu.memory_space<vmem>>) semaphore(%arg13 : memref<!tpu.dma_semaphore, #tpu.memory_space<semaphore_mem>>)
      %scan3A = arith.constant 0 : i32
      %scan3A_34 = arith.constant 0 : i32
      %scan3A_35 = arith.constant 20 : i32
      %scan3A_36 = arith.addi %scan3A_34, %scan3A_35 : i32
      %scan3A_37 = arith.constant 1 : i32
      scf.for %scan3A_39 = %scan3A_34 to %scan3A_36 step %scan3A_37  : i32 {
        %mul3A_40 = arith.constant 2 : i32
        %mul3A_41 = arith.muli %scan3A_39, %mul3A_40 : i32
        %multiple_of3A_42 = tpu.assume_multiple %mul3A_41, 2 : i32
        %dma_wait3A = arith.constant 0 : i32
        %dma_wait3A_43 = tpu.memref_slice %arg7[%multiple_of3A_42, %dma_wait3A] : memref<40x128xi32, #tpu.memory_space<vmem>> -> memref<1x128xi32, #tpu.memory_space<vmem>>
        %dma_wait3A_44 = tpu.memref_squeeze %dma_wait3A_43 : memref<1x128xi32, #tpu.memory_space<vmem>> -> memref<128xi32, #tpu.memory_space<vmem>>
        %dma_wait3A_45 = arith.constant 0 : i32
        %dma_wait3A_46 = arith.constant 0 : i32
        %dma_wait3A_47 = tpu.memref_slice %arg2[%dma_wait3A_45, %dma_wait3A_46] : memref<10240x128xf32, #tpu.memory_space<hbm>> -> memref<10240x128xf32, #tpu.memory_space<hbm>>
        tpu.wait_indirect_dma semaphore(%arg12 : memref<!tpu.dma_semaphore, #tpu.memory_space<semaphore_mem>>) src(%dma_wait3A_47 : memref<10240x128xf32, #tpu.memory_space<hbm>>) dst(%arg9 : memref<128x128xf32, #tpu.memory_space<vmem>>)
        "tpu.region"() ({
          %run_scoped3A = tpu.sem_alloc : memref<!tpu.dma_semaphore, #tpu.memory_space<semaphore_mem>>
          %dma_start3A_69 = arith.constant 0 : i32
          %dma_start3A_70 = tpu.memref_slice %arg8[%multiple_of3A_42, %dma_start3A_69] : memref<40x128xi32, #tpu.memory_space<vmem>> -> memref<1x128xi32, #tpu.memory_space<vmem>>
          %dma_start3A_71 = tpu.memref_squeeze %dma_start3A_70 : memref<1x128xi32, #tpu.memory_space<vmem>> -> memref<128xi32, #tpu.memory_space<vmem>>
          %dma_start3A_72 = arith.constant 0 : i32
          %dma_start3A_73 = arith.constant 0 : i32
          %dma_start3A_74 = tpu.memref_slice %arg11[%dma_start3A_72, %dma_start3A_73] : memref<10240x128xf32, #tpu.memory_space<vmem_shared>> -> memref<10240x128xf32, #tpu.memory_space<vmem_shared>>
          tpu.enqueue_indirect_dma source(%arg9 : memref<128x128xf32, #tpu.memory_space<vmem>>) target(%dma_start3A_74 : memref<10240x128xf32, #tpu.memory_space<vmem_shared>>) offsets(%dma_start3A_71 : memref<128xi32, #tpu.memory_space<vmem>>) semaphore(%run_scoped3A : memref<!tpu.dma_semaphore, #tpu.memory_space<semaphore_mem>>) {add = true}
          %dma_wait3A_75 = arith.constant 0 : i32
          %dma_wait3A_76 = tpu.memref_slice %arg8[%multiple_of3A_42, %dma_wait3A_75] : memref<40x128xi32, #tpu.memory_space<vmem>> -> memref<1x128xi32, #tpu.memory_space<vmem>>
          %dma_wait3A_77 = tpu.memref_squeeze %dma_wait3A_76 : memref<1x128xi32, #tpu.memory_space<vmem>> -> memref<128xi32, #tpu.memory_space<vmem>>
          %dma_wait3A_78 = arith.constant 0 : i32
          %dma_wait3A_79 = arith.constant 0 : i32
          %dma_wait3A_80 = tpu.memref_slice %arg11[%dma_wait3A_78, %dma_wait3A_79] : memref<10240x128xf32, #tpu.memory_space<vmem_shared>> -> memref<10240x128xf32, #tpu.memory_space<vmem_shared>>
          tpu.wait_indirect_dma semaphore(%run_scoped3A : memref<!tpu.dma_semaphore, #tpu.memory_space<semaphore_mem>>) src(%arg9 : memref<128x128xf32, #tpu.memory_space<vmem>>) dst(%dma_wait3A_80 : memref<10240x128xf32, #tpu.memory_space<vmem_shared>>)
          tpu.yield
        }) : () -> ()
        %add3A_48 = arith.constant 2 : i32
        %add3A_49 = arith.addi %multiple_of3A_42, %add3A_48 : i32
        %lt3A = arith.constant 40 : i32
        %lt3A_50 = arith.cmpi slt, %add3A_49, %lt3A : i32
        %convert_element_type3A_51 = arith.extui %lt3A_50 : i1 to i32
        %cond3A_52 = arith.constant 0 : i32
        %cond3A_53 = arith.cmpi ne, %convert_element_type3A_51, %cond3A_52 : i32
        scf.if %cond3A_53 {
          %add3A_69 = arith.constant 2 : i32
          %add3A_70 = arith.addi %multiple_of3A_42, %add3A_69 : i32
          %dma_start3A_71 = arith.constant 0 : i32
          %dma_start3A_72 = tpu.memref_slice %arg7[%add3A_70, %dma_start3A_71] : memref<40x128xi32, #tpu.memory_space<vmem>> -> memref<1x128xi32, #tpu.memory_space<vmem>>
          %dma_start3A_73 = tpu.memref_squeeze %dma_start3A_72 : memref<1x128xi32, #tpu.memory_space<vmem>> -> memref<128xi32, #tpu.memory_space<vmem>>
          %dma_start3A_74 = arith.constant 0 : i32
          %dma_start3A_75 = arith.constant 0 : i32
          %dma_start3A_76 = tpu.memref_slice %arg2[%dma_start3A_74, %dma_start3A_75] : memref<10240x128xf32, #tpu.memory_space<hbm>> -> memref<10240x128xf32, #tpu.memory_space<hbm>>
          tpu.enqueue_indirect_dma source(%dma_start3A_76 : memref<10240x128xf32, #tpu.memory_space<hbm>>) target(%arg9 : memref<128x128xf32, #tpu.memory_space<vmem>>) offsets(%dma_start3A_73 : memref<128xi32, #tpu.memory_space<vmem>>) semaphore(%arg12 : memref<!tpu.dma_semaphore, #tpu.memory_space<semaphore_mem>>)
        } else {
        }
        %add3A_54 = arith.constant 1 : i32
        %add3A_55 = arith.addi %multiple_of3A_42, %add3A_54 : i32
        %dma_wait3A_56 = arith.constant 0 : i32
        %dma_wait3A_57 = tpu.memref_slice %arg7[%add3A_55, %dma_wait3A_56] : memref<40x128xi32, #tpu.memory_space<vmem>> -> memref<1x128xi32, #tpu.memory_space<vmem>>
        %dma_wait3A_58 = tpu.memref_squeeze %dma_wait3A_57 : memref<1x128xi32, #tpu.memory_space<vmem>> -> memref<128xi32, #tpu.memory_space<vmem>>
        %dma_wait3A_59 = arith.constant 0 : i32
        %dma_wait3A_60 = arith.constant 0 : i32
        %dma_wait3A_61 = tpu.memref_slice %arg2[%dma_wait3A_59, %dma_wait3A_60] : memref<10240x128xf32, #tpu.memory_space<hbm>> -> memref<10240x128xf32, #tpu.memory_space<hbm>>
        tpu.wait_indirect_dma semaphore(%arg13 : memref<!tpu.dma_semaphore, #tpu.memory_space<semaphore_mem>>) src(%dma_wait3A_61 : memref<10240x128xf32, #tpu.memory_space<hbm>>) dst(%arg10 : memref<128x128xf32, #tpu.memory_space<vmem>>)
        "tpu.region"() ({
          %run_scoped3A = tpu.sem_alloc : memref<!tpu.dma_semaphore, #tpu.memory_space<semaphore_mem>>
          %dma_start3A_69 = arith.constant 0 : i32
          %dma_start3A_70 = tpu.memref_slice %arg8[%add3A_55, %dma_start3A_69] : memref<40x128xi32, #tpu.memory_space<vmem>> -> memref<1x128xi32, #tpu.memory_space<vmem>>
          %dma_start3A_71 = tpu.memref_squeeze %dma_start3A_70 : memref<1x128xi32, #tpu.memory_space<vmem>> -> memref<128xi32, #tpu.memory_space<vmem>>
          %dma_start3A_72 = arith.constant 0 : i32
          %dma_start3A_73 = arith.constant 0 : i32
          %dma_start3A_74 = tpu.memref_slice %arg11[%dma_start3A_72, %dma_start3A_73] : memref<10240x128xf32, #tpu.memory_space<vmem_shared>> -> memref<10240x128xf32, #tpu.memory_space<vmem_shared>>
          tpu.enqueue_indirect_dma source(%arg10 : memref<128x128xf32, #tpu.memory_space<vmem>>) target(%dma_start3A_74 : memref<10240x128xf32, #tpu.memory_space<vmem_shared>>) offsets(%dma_start3A_71 : memref<128xi32, #tpu.memory_space<vmem>>) semaphore(%run_scoped3A : memref<!tpu.dma_semaphore, #tpu.memory_space<semaphore_mem>>) {add = true}
          %dma_wait3A_75 = arith.constant 0 : i32
          %dma_wait3A_76 = tpu.memref_slice %arg8[%add3A_55, %dma_wait3A_75] : memref<40x128xi32, #tpu.memory_space<vmem>> -> memref<1x128xi32, #tpu.memory_space<vmem>>
          %dma_wait3A_77 = tpu.memref_squeeze %dma_wait3A_76 : memref<1x128xi32, #tpu.memory_space<vmem>> -> memref<128xi32, #tpu.memory_space<vmem>>
          %dma_wait3A_78 = arith.constant 0 : i32
          %dma_wait3A_79 = arith.constant 0 : i32
          %dma_wait3A_80 = tpu.memref_slice %arg11[%dma_wait3A_78, %dma_wait3A_79] : memref<10240x128xf32, #tpu.memory_space<vmem_shared>> -> memref<10240x128xf32, #tpu.memory_space<vmem_shared>>
          tpu.wait_indirect_dma semaphore(%run_scoped3A : memref<!tpu.dma_semaphore, #tpu.memory_space<semaphore_mem>>) src(%arg10 : memref<128x128xf32, #tpu.memory_space<vmem>>) dst(%dma_wait3A_80 : memref<10240x128xf32, #tpu.memory_space<vmem_shared>>)
          tpu.yield
        }) : () -> ()
        %add3A_62 = arith.constant 2 : i32
        %add3A_63 = arith.addi %add3A_55, %add3A_62 : i32
        %lt3A_64 = arith.constant 40 : i32
        %lt3A_65 = arith.cmpi slt, %add3A_63, %lt3A_64 : i32
        %convert_element_type3A_66 = arith.extui %lt3A_65 : i1 to i32
        %cond3A_67 = arith.constant 0 : i32
        %cond3A_68 = arith.cmpi ne, %convert_element_type3A_66, %cond3A_67 : i32
        scf.if %cond3A_68 {
          %add3A_69 = arith.constant 2 : i32
          %add3A_70 = arith.addi %add3A_55, %add3A_69 : i32
          %dma_start3A_71 = arith.constant 0 : i32
          %dma_start3A_72 = tpu.memref_slice %arg7[%add3A_70, %dma_start3A_71] : memref<40x128xi32, #tpu.memory_space<vmem>> -> memref<1x128xi32, #tpu.memory_space<vmem>>
          %dma_start3A_73 = tpu.memref_squeeze %dma_start3A_72 : memref<1x128xi32, #tpu.memory_space<vmem>> -> memref<128xi32, #tpu.memory_space<vmem>>
          %dma_start3A_74 = arith.constant 0 : i32
          %dma_start3A_75 = arith.constant 0 : i32
          %dma_start3A_76 = tpu.memref_slice %arg2[%dma_start3A_74, %dma_start3A_75] : memref<10240x128xf32, #tpu.memory_space<hbm>> -> memref<10240x128xf32, #tpu.memory_space<hbm>>
          tpu.enqueue_indirect_dma source(%dma_start3A_76 : memref<10240x128xf32, #tpu.memory_space<hbm>>) target(%arg10 : memref<128x128xf32, #tpu.memory_space<vmem>>) offsets(%dma_start3A_73 : memref<128xi32, #tpu.memory_space<vmem>>) semaphore(%arg13 : memref<!tpu.dma_semaphore, #tpu.memory_space<semaphore_mem>>)
        } else {
        }
      }
      %scan3A_38 = arith.constant 20 : i32
    } else {
    }
    %gt3A_13 = arith.constant 2 : i32
    %gt3A_14 = arith.cmpi sgt, %sub3A_3, %gt3A_13 : i32
    %convert_element_type3A_15 = arith.extui %gt3A_14 : i1 to i32
    %cond3A_16 = arith.constant 0 : i32
    %cond3A_17 = arith.cmpi ne, %convert_element_type3A_15, %cond3A_16 : i32
    scf.if %cond3A_17 {
      %add3A = arith.constant 80 : i32
      %add3A_19 = arith.addi %mul3A_5, %add3A : i32
      %multiple_of3A_20 = tpu.assume_multiple %add3A_19, 40 : i32
      "tpu.region"() ({
        %run_scoped3A = tpu.sem_alloc : memref<!tpu.dma_semaphore, #tpu.memory_space<semaphore_mem>>
        %dma_start3A_39 = arith.constant 0 : i32
        %dma_start3A_40 = tpu.memref_slice %arg3[%arg1, %multiple_of3A_20, %dma_start3A_39] : memref<16x160x128xi32, #tpu.memory_space<hbm>> -> memref<1x40x128xi32, #tpu.memory_space<hbm>>
        %dma_start3A_41 = tpu.memref_squeeze %dma_start3A_40 : memref<1x40x128xi32, #tpu.memory_space<hbm>> -> memref<40x128xi32, #tpu.memory_space<hbm>>
        %dma_start3A_42 = arith.constant 0 : i32
        %dma_start3A_43 = tpu.memref_slice %arg3[%arg1, %multiple_of3A_20, %dma_start3A_42] : memref<16x160x128xi32, #tpu.memory_space<hbm>> -> memref<1x40x128xi32, #tpu.memory_space<hbm>>
        %dma_start3A_44 = tpu.memref_squeeze %dma_start3A_43 : memref<1x40x128xi32, #tpu.memory_space<hbm>> -> memref<40x128xi32, #tpu.memory_space<hbm>>
        tpu.enqueue_dma source(%dma_start3A_44 : memref<40x128xi32, #tpu.memory_space<hbm>>) target(%arg7 : memref<40x128xi32, #tpu.memory_space<vmem>>) target_semaphore(%run_scoped3A : memref<!tpu.dma_semaphore, #tpu.memory_space<semaphore_mem>>)
        %dma_wait3A = arith.constant 0 : i32
        %dma_wait3A_45 = tpu.memref_slice %arg3[%arg1, %multiple_of3A_20, %dma_wait3A] : memref<16x160x128xi32, #tpu.memory_space<hbm>> -> memref<1x40x128xi32, #tpu.memory_space<hbm>>
        %dma_wait3A_46 = tpu.memref_squeeze %dma_wait3A_45 : memref<1x40x128xi32, #tpu.memory_space<hbm>> -> memref<40x128xi32, #tpu.memory_space<hbm>>
        %dma_wait3A_47 = arith.constant 0 : i32
        %dma_wait3A_48 = tpu.memref_slice %arg3[%arg1, %multiple_of3A_20, %dma_wait3A_47] : memref<16x160x128xi32, #tpu.memory_space<hbm>> -> memref<1x40x128xi32, #tpu.memory_space<hbm>>
        %dma_wait3A_49 = tpu.memref_squeeze %dma_wait3A_48 : memref<1x40x128xi32, #tpu.memory_space<hbm>> -> memref<40x128xi32, #tpu.memory_space<hbm>>
        tpu.wait_dma2 semaphore(%run_scoped3A : memref<!tpu.dma_semaphore, #tpu.memory_space<semaphore_mem>>) src(%dma_wait3A_49 : memref<40x128xi32, #tpu.memory_space<hbm>>) dst(%arg7 : memref<40x128xi32, #tpu.memory_space<vmem>>)
        tpu.yield
      }) : () -> ()
      "tpu.region"() ({
        %run_scoped3A = tpu.sem_alloc : memref<!tpu.dma_semaphore, #tpu.memory_space<semaphore_mem>>
        %dma_start3A_39 = arith.constant 0 : i32
        %dma_start3A_40 = tpu.memref_slice %arg4[%arg1, %multiple_of3A_20, %dma_start3A_39] : memref<16x160x128xi32, #tpu.memory_space<hbm>> -> memref<1x40x128xi32, #tpu.memory_space<hbm>>
        %dma_start3A_41 = tpu.memref_squeeze %dma_start3A_40 : memref<1x40x128xi32, #tpu.memory_space<hbm>> -> memref<40x128xi32, #tpu.memory_space<hbm>>
        %dma_start3A_42 = arith.constant 0 : i32
        %dma_start3A_43 = tpu.memref_slice %arg4[%arg1, %multiple_of3A_20, %dma_start3A_42] : memref<16x160x128xi32, #tpu.memory_space<hbm>> -> memref<1x40x128xi32, #tpu.memory_space<hbm>>
        %dma_start3A_44 = tpu.memref_squeeze %dma_start3A_43 : memref<1x40x128xi32, #tpu.memory_space<hbm>> -> memref<40x128xi32, #tpu.memory_space<hbm>>
        tpu.enqueue_dma source(%dma_start3A_44 : memref<40x128xi32, #tpu.memory_space<hbm>>) target(%arg8 : memref<40x128xi32, #tpu.memory_space<vmem>>) target_semaphore(%run_scoped3A : memref<!tpu.dma_semaphore, #tpu.memory_space<semaphore_mem>>)
        %dma_wait3A = arith.constant 0 : i32
        %dma_wait3A_45 = tpu.memref_slice %arg4[%arg1, %multiple_of3A_20, %dma_wait3A] : memref<16x160x128xi32, #tpu.memory_space<hbm>> -> memref<1x40x128xi32, #tpu.memory_space<hbm>>
        %dma_wait3A_46 = tpu.memref_squeeze %dma_wait3A_45 : memref<1x40x128xi32, #tpu.memory_space<hbm>> -> memref<40x128xi32, #tpu.memory_space<hbm>>
        %dma_wait3A_47 = arith.constant 0 : i32
        %dma_wait3A_48 = tpu.memref_slice %arg4[%arg1, %multiple_of3A_20, %dma_wait3A_47] : memref<16x160x128xi32, #tpu.memory_space<hbm>> -> memref<1x40x128xi32, #tpu.memory_space<hbm>>
        %dma_wait3A_49 = tpu.memref_squeeze %dma_wait3A_48 : memref<1x40x128xi32, #tpu.memory_space<hbm>> -> memref<40x128xi32, #tpu.memory_space<hbm>>
        tpu.wait_dma2 semaphore(%run_scoped3A : memref<!tpu.dma_semaphore, #tpu.memory_space<semaphore_mem>>) src(%dma_wait3A_49 : memref<40x128xi32, #tpu.memory_space<hbm>>) dst(%arg8 : memref<40x128xi32, #tpu.memory_space<vmem>>)
        tpu.yield
      }) : () -> ()
      %dma_start3A = arith.constant 0 : i32
      %dma_start3A_21 = arith.constant 0 : i32
      %dma_start3A_22 = tpu.memref_slice %arg7[%dma_start3A, %dma_start3A_21] : memref<40x128xi32, #tpu.memory_space<vmem>> -> memref<1x128xi32, #tpu.memory_space<vmem>>
      %dma_start3A_23 = tpu.memref_squeeze %dma_start3A_22 : memref<1x128xi32, #tpu.memory_space<vmem>> -> memref<128xi32, #tpu.memory_space<vmem>>
      %dma_start3A_24 = arith.constant 0 : i32
      %dma_start3A_25 = arith.constant 0 : i32
      %dma_start3A_26 = tpu.memref_slice %arg2[%dma_start3A_24, %dma_start3A_25] : memref<10240x128xf32, #tpu.memory_space<hbm>> -> memref<10240x128xf32, #tpu.memory_space<hbm>>
      tpu.enqueue_indirect_dma source(%dma_start3A_26 : memref<10240x128xf32, #tpu.memory_space<hbm>>) target(%arg9 : memref<128x128xf32, #tpu.memory_space<vmem>>) offsets(%dma_start3A_23 : memref<128xi32, #tpu.memory_space<vmem>>) semaphore(%arg12 : memref<!tpu.dma_semaphore, #tpu.memory_space<semaphore_mem>>)
      %dma_start3A_27 = arith.constant 1 : i32
      %dma_start3A_28 = arith.constant 0 : i32
      %dma_start3A_29 = tpu.memref_slice %arg7[%dma_start3A_27, %dma_start3A_28] : memref<40x128xi32, #tpu.memory_space<vmem>> -> memref<1x128xi32, #tpu.memory_space<vmem>>
      %dma_start3A_30 = tpu.memref_squeeze %dma_start3A_29 : memref<1x128xi32, #tpu.memory_space<vmem>> -> memref<128xi32, #tpu.memory_space<vmem>>
      %dma_start3A_31 = arith.constant 0 : i32
      %dma_start3A_32 = arith.constant 0 : i32
      %dma_start3A_33 = tpu.memref_slice %arg2[%dma_start3A_31, %dma_start3A_32] : memref<10240x128xf32, #tpu.memory_space<hbm>> -> memref<10240x128xf32, #tpu.memory_space<hbm>>
      tpu.enqueue_indirect_dma source(%dma_start3A_33 : memref<10240x128xf32, #tpu.memory_space<hbm>>) target(%arg10 : memref<128x128xf32, #tpu.memory_space<vmem>>) offsets(%dma_start3A_30 : memref<128xi32, #tpu.memory_space<vmem>>) semaphore(%arg13 : memref<!tpu.dma_semaphore, #tpu.memory_space<semaphore_mem>>)
      %scan3A = arith.constant 0 : i32
      %scan3A_34 = arith.constant 0 : i32
      %scan3A_35 = arith.constant 20 : i32
      %scan3A_36 = arith.addi %scan3A_34, %scan3A_35 : i32
      %scan3A_37 = arith.constant 1 : i32
      scf.for %scan3A_39 = %scan3A_34 to %scan3A_36 step %scan3A_37  : i32 {
        %mul3A_40 = arith.constant 2 : i32
        %mul3A_41 = arith.muli %scan3A_39, %mul3A_40 : i32
        %multiple_of3A_42 = tpu.assume_multiple %mul3A_41, 2 : i32
        %dma_wait3A = arith.constant 0 : i32
        %dma_wait3A_43 = tpu.memref_slice %arg7[%multiple_of3A_42, %dma_wait3A] : memref<40x128xi32, #tpu.memory_space<vmem>> -> memref<1x128xi32, #tpu.memory_space<vmem>>
        %dma_wait3A_44 = tpu.memref_squeeze %dma_wait3A_43 : memref<1x128xi32, #tpu.memory_space<vmem>> -> memref<128xi32, #tpu.memory_space<vmem>>
        %dma_wait3A_45 = arith.constant 0 : i32
        %dma_wait3A_46 = arith.constant 0 : i32
        %dma_wait3A_47 = tpu.memref_slice %arg2[%dma_wait3A_45, %dma_wait3A_46] : memref<10240x128xf32, #tpu.memory_space<hbm>> -> memref<10240x128xf32, #tpu.memory_space<hbm>>
        tpu.wait_indirect_dma semaphore(%arg12 : memref<!tpu.dma_semaphore, #tpu.memory_space<semaphore_mem>>) src(%dma_wait3A_47 : memref<10240x128xf32, #tpu.memory_space<hbm>>) dst(%arg9 : memref<128x128xf32, #tpu.memory_space<vmem>>)
        "tpu.region"() ({
          %run_scoped3A = tpu.sem_alloc : memref<!tpu.dma_semaphore, #tpu.memory_space<semaphore_mem>>
          %dma_start3A_69 = arith.constant 0 : i32
          %dma_start3A_70 = tpu.memref_slice %arg8[%multiple_of3A_42, %dma_start3A_69] : memref<40x128xi32, #tpu.memory_space<vmem>> -> memref<1x128xi32, #tpu.memory_space<vmem>>
          %dma_start3A_71 = tpu.memref_squeeze %dma_start3A_70 : memref<1x128xi32, #tpu.memory_space<vmem>> -> memref<128xi32, #tpu.memory_space<vmem>>
          %dma_start3A_72 = arith.constant 0 : i32
          %dma_start3A_73 = arith.constant 0 : i32
          %dma_start3A_74 = tpu.memref_slice %arg11[%dma_start3A_72, %dma_start3A_73] : memref<10240x128xf32, #tpu.memory_space<vmem_shared>> -> memref<10240x128xf32, #tpu.memory_space<vmem_shared>>
          tpu.enqueue_indirect_dma source(%arg9 : memref<128x128xf32, #tpu.memory_space<vmem>>) target(%dma_start3A_74 : memref<10240x128xf32, #tpu.memory_space<vmem_shared>>) offsets(%dma_start3A_71 : memref<128xi32, #tpu.memory_space<vmem>>) semaphore(%run_scoped3A : memref<!tpu.dma_semaphore, #tpu.memory_space<semaphore_mem>>) {add = true}
          %dma_wait3A_75 = arith.constant 0 : i32
          %dma_wait3A_76 = tpu.memref_slice %arg8[%multiple_of3A_42, %dma_wait3A_75] : memref<40x128xi32, #tpu.memory_space<vmem>> -> memref<1x128xi32, #tpu.memory_space<vmem>>
          %dma_wait3A_77 = tpu.memref_squeeze %dma_wait3A_76 : memref<1x128xi32, #tpu.memory_space<vmem>> -> memref<128xi32, #tpu.memory_space<vmem>>
          %dma_wait3A_78 = arith.constant 0 : i32
          %dma_wait3A_79 = arith.constant 0 : i32
          %dma_wait3A_80 = tpu.memref_slice %arg11[%dma_wait3A_78, %dma_wait3A_79] : memref<10240x128xf32, #tpu.memory_space<vmem_shared>> -> memref<10240x128xf32, #tpu.memory_space<vmem_shared>>
          tpu.wait_indirect_dma semaphore(%run_scoped3A : memref<!tpu.dma_semaphore, #tpu.memory_space<semaphore_mem>>) src(%arg9 : memref<128x128xf32, #tpu.memory_space<vmem>>) dst(%dma_wait3A_80 : memref<10240x128xf32, #tpu.memory_space<vmem_shared>>)
          tpu.yield
        }) : () -> ()
        %add3A_48 = arith.constant 2 : i32
        %add3A_49 = arith.addi %multiple_of3A_42, %add3A_48 : i32
        %lt3A = arith.constant 40 : i32
        %lt3A_50 = arith.cmpi slt, %add3A_49, %lt3A : i32
        %convert_element_type3A_51 = arith.extui %lt3A_50 : i1 to i32
        %cond3A_52 = arith.constant 0 : i32
        %cond3A_53 = arith.cmpi ne, %convert_element_type3A_51, %cond3A_52 : i32
        scf.if %cond3A_53 {
          %add3A_69 = arith.constant 2 : i32
          %add3A_70 = arith.addi %multiple_of3A_42, %add3A_69 : i32
          %dma_start3A_71 = arith.constant 0 : i32
          %dma_start3A_72 = tpu.memref_slice %arg7[%add3A_70, %dma_start3A_71] : memref<40x128xi32, #tpu.memory_space<vmem>> -> memref<1x128xi32, #tpu.memory_space<vmem>>
          %dma_start3A_73 = tpu.memref_squeeze %dma_start3A_72 : memref<1x128xi32, #tpu.memory_space<vmem>> -> memref<128xi32, #tpu.memory_space<vmem>>
          %dma_start3A_74 = arith.constant 0 : i32
          %dma_start3A_75 = arith.constant 0 : i32
          %dma_start3A_76 = tpu.memref_slice %arg2[%dma_start3A_74, %dma_start3A_75] : memref<10240x128xf32, #tpu.memory_space<hbm>> -> memref<10240x128xf32, #tpu.memory_space<hbm>>
          tpu.enqueue_indirect_dma source(%dma_start3A_76 : memref<10240x128xf32, #tpu.memory_space<hbm>>) target(%arg9 : memref<128x128xf32, #tpu.memory_space<vmem>>) offsets(%dma_start3A_73 : memref<128xi32, #tpu.memory_space<vmem>>) semaphore(%arg12 : memref<!tpu.dma_semaphore, #tpu.memory_space<semaphore_mem>>)
        } else {
        }
        %add3A_54 = arith.constant 1 : i32
        %add3A_55 = arith.addi %multiple_of3A_42, %add3A_54 : i32
        %dma_wait3A_56 = arith.constant 0 : i32
        %dma_wait3A_57 = tpu.memref_slice %arg7[%add3A_55, %dma_wait3A_56] : memref<40x128xi32, #tpu.memory_space<vmem>> -> memref<1x128xi32, #tpu.memory_space<vmem>>
        %dma_wait3A_58 = tpu.memref_squeeze %dma_wait3A_57 : memref<1x128xi32, #tpu.memory_space<vmem>> -> memref<128xi32, #tpu.memory_space<vmem>>
        %dma_wait3A_59 = arith.constant 0 : i32
        %dma_wait3A_60 = arith.constant 0 : i32
        %dma_wait3A_61 = tpu.memref_slice %arg2[%dma_wait3A_59, %dma_wait3A_60] : memref<10240x128xf32, #tpu.memory_space<hbm>> -> memref<10240x128xf32, #tpu.memory_space<hbm>>
        tpu.wait_indirect_dma semaphore(%arg13 : memref<!tpu.dma_semaphore, #tpu.memory_space<semaphore_mem>>) src(%dma_wait3A_61 : memref<10240x128xf32, #tpu.memory_space<hbm>>) dst(%arg10 : memref<128x128xf32, #tpu.memory_space<vmem>>)
        "tpu.region"() ({
          %run_scoped3A = tpu.sem_alloc : memref<!tpu.dma_semaphore, #tpu.memory_space<semaphore_mem>>
          %dma_start3A_69 = arith.constant 0 : i32
          %dma_start3A_70 = tpu.memref_slice %arg8[%add3A_55, %dma_start3A_69] : memref<40x128xi32, #tpu.memory_space<vmem>> -> memref<1x128xi32, #tpu.memory_space<vmem>>
          %dma_start3A_71 = tpu.memref_squeeze %dma_start3A_70 : memref<1x128xi32, #tpu.memory_space<vmem>> -> memref<128xi32, #tpu.memory_space<vmem>>
          %dma_start3A_72 = arith.constant 0 : i32
          %dma_start3A_73 = arith.constant 0 : i32
          %dma_start3A_74 = tpu.memref_slice %arg11[%dma_start3A_72, %dma_start3A_73] : memref<10240x128xf32, #tpu.memory_space<vmem_shared>> -> memref<10240x128xf32, #tpu.memory_space<vmem_shared>>
          tpu.enqueue_indirect_dma source(%arg10 : memref<128x128xf32, #tpu.memory_space<vmem>>) target(%dma_start3A_74 : memref<10240x128xf32, #tpu.memory_space<vmem_shared>>) offsets(%dma_start3A_71 : memref<128xi32, #tpu.memory_space<vmem>>) semaphore(%run_scoped3A : memref<!tpu.dma_semaphore, #tpu.memory_space<semaphore_mem>>) {add = true}
          %dma_wait3A_75 = arith.constant 0 : i32
          %dma_wait3A_76 = tpu.memref_slice %arg8[%add3A_55, %dma_wait3A_75] : memref<40x128xi32, #tpu.memory_space<vmem>> -> memref<1x128xi32, #tpu.memory_space<vmem>>
          %dma_wait3A_77 = tpu.memref_squeeze %dma_wait3A_76 : memref<1x128xi32, #tpu.memory_space<vmem>> -> memref<128xi32, #tpu.memory_space<vmem>>
          %dma_wait3A_78 = arith.constant 0 : i32
          %dma_wait3A_79 = arith.constant 0 : i32
          %dma_wait3A_80 = tpu.memref_slice %arg11[%dma_wait3A_78, %dma_wait3A_79] : memref<10240x128xf32, #tpu.memory_space<vmem_shared>> -> memref<10240x128xf32, #tpu.memory_space<vmem_shared>>
          tpu.wait_indirect_dma semaphore(%run_scoped3A : memref<!tpu.dma_semaphore, #tpu.memory_space<semaphore_mem>>) src(%arg10 : memref<128x128xf32, #tpu.memory_space<vmem>>) dst(%dma_wait3A_80 : memref<10240x128xf32, #tpu.memory_space<vmem_shared>>)
          tpu.yield
        }) : () -> ()
        %add3A_62 = arith.constant 2 : i32
        %add3A_63 = arith.addi %add3A_55, %add3A_62 : i32
        %lt3A_64 = arith.constant 40 : i32
        %lt3A_65 = arith.cmpi slt, %add3A_63, %lt3A_64 : i32
        %convert_element_type3A_66 = arith.extui %lt3A_65 : i1 to i32
        %cond3A_67 = arith.constant 0 : i32
        %cond3A_68 = arith.cmpi ne, %convert_element_type3A_66, %cond3A_67 : i32
        scf.if %cond3A_68 {
          %add3A_69 = arith.constant 2 : i32
          %add3A_70 = arith.addi %add3A_55, %add3A_69 : i32
          %dma_start3A_71 = arith.constant 0 : i32
          %dma_start3A_72 = tpu.memref_slice %arg7[%add3A_70, %dma_start3A_71] : memref<40x128xi32, #tpu.memory_space<vmem>> -> memref<1x128xi32, #tpu.memory_space<vmem>>
          %dma_start3A_73 = tpu.memref_squeeze %dma_start3A_72 : memref<1x128xi32, #tpu.memory_space<vmem>> -> memref<128xi32, #tpu.memory_space<vmem>>
          %dma_start3A_74 = arith.constant 0 : i32
          %dma_start3A_75 = arith.constant 0 : i32
          %dma_start3A_76 = tpu.memref_slice %arg2[%dma_start3A_74, %dma_start3A_75] : memref<10240x128xf32, #tpu.memory_space<hbm>> -> memref<10240x128xf32, #tpu.memory_space<hbm>>
          tpu.enqueue_indirect_dma source(%dma_start3A_76 : memref<10240x128xf32, #tpu.memory_space<hbm>>) target(%arg10 : memref<128x128xf32, #tpu.memory_space<vmem>>) offsets(%dma_start3A_73 : memref<128xi32, #tpu.memory_space<vmem>>) semaphore(%arg13 : memref<!tpu.dma_semaphore, #tpu.memory_space<semaphore_mem>>)
        } else {
        }
      }
      %scan3A_38 = arith.constant 20 : i32
    } else {
    }
    %barrier3A_18 = arith.constant 0 : index
    tpu.barrier barrier_id(%barrier3A_18)
    "tpu.region"() ({
      %run_scoped3A = tpu.sem_alloc : memref<!tpu.dma_semaphore, #tpu.memory_space<semaphore_mem>>
      %dma_start3A = arith.constant 0 : i32
      %dma_start3A_19 = tpu.memref_slice %arg6[%arg0, %multiple_of3A, %dma_start3A] : memref<2x10240x128xf32, #tpu.memory_space<hbm>> -> memref<1x640x128xf32, #tpu.memory_space<hbm>>
      %dma_start3A_20 = tpu.memref_squeeze %dma_start3A_19 : memref<1x640x128xf32, #tpu.memory_space<hbm>> -> memref<640x128xf32, #tpu.memory_space<hbm>>
      %dma_start3A_21 = arith.constant 0 : i32
      %dma_start3A_22 = tpu.memref_slice %arg11[%multiple_of3A, %dma_start3A_21] : memref<10240x128xf32, #tpu.memory_space<vmem_shared>> -> memref<640x128xf32, #tpu.memory_space<vmem_shared>>
      tpu.enqueue_dma source(%dma_start3A_22 : memref<640x128xf32, #tpu.memory_space<vmem_shared>>) target(%dma_start3A_20 : memref<640x128xf32, #tpu.memory_space<hbm>>) target_semaphore(%run_scoped3A : memref<!tpu.dma_semaphore, #tpu.memory_space<semaphore_mem>>)
      %dma_wait3A = arith.constant 0 : i32
      %dma_wait3A_23 = tpu.memref_slice %arg6[%arg0, %multiple_of3A, %dma_wait3A] : memref<2x10240x128xf32, #tpu.memory_space<hbm>> -> memref<1x640x128xf32, #tpu.memory_space<hbm>>
      %dma_wait3A_24 = tpu.memref_squeeze %dma_wait3A_23 : memref<1x640x128xf32, #tpu.memory_space<hbm>> -> memref<640x128xf32, #tpu.memory_space<hbm>>
      %dma_wait3A_25 = arith.constant 0 : i32
      %dma_wait3A_26 = tpu.memref_slice %arg11[%multiple_of3A, %dma_wait3A_25] : memref<10240x128xf32, #tpu.memory_space<vmem_shared>> -> memref<640x128xf32, #tpu.memory_space<vmem_shared>>
      tpu.wait_dma2 semaphore(%run_scoped3A : memref<!tpu.dma_semaphore, #tpu.memory_space<semaphore_mem>>) src(%dma_wait3A_26 : memref<640x128xf32, #tpu.memory_space<vmem_shared>>) dst(%dma_wait3A_24 : memref<640x128xf32, #tpu.memory_space<hbm>>)
      tpu.yield
    }) : () -> ()
    return
  }
}

#map = affine_map<(d0, d1) -> (0)>
#map1 = affine_map<(d0, d1) -> (0, 0)>
#map2 = affine_map<(d0, d1) -> (0, 0, 0)>
module attributes {stable_mosaic.version = 14 : i64} {
  func.func @_sc_deg_body(%arg0: i32, %arg1: i32, %arg2: memref<327680xi32, #tpu.memory_space<hbm>>, %arg3: memref<128x128xf32, #tpu.memory_space<hbm>>, %arg4: memref<10240x128xf32, #tpu.memory_space<hbm>>, %arg5: memref<2x10240x128xf32, #tpu.memory_space<hbm>>, %arg6: memref<128xi32, #tpu.memory_space<vmem>>, %arg7: memref<128x128xf32, #tpu.memory_space<vmem>>, %arg8: memref<10240x128xf32, #tpu.memory_space<vmem_shared>>) attributes {dimension_semantics = [#tpu.dimension_semantics<core_parallel>, #tpu.dimension_semantics<subcore_parallel>], iteration_bounds = array<i64: 2, 16>, scalar_prefetch = 0 : i64, scratch_operands = 3 : i64, tpu.core_type = #tpu.core_type<sc_vector_subcore>, window_params = [{transform_indices = #map}, {transform_indices = #map1}, {transform_indices = #map1}, {transform_indices = #map2}]} {
    %mul3A = arith.constant 2 : i32
    %mul3A_0 = arith.muli %arg1, %mul3A : i32
    %add3A = arith.addi %mul3A_0, %arg0 : i32
    %mul3A_1 = arith.constant 640 : i32
    %mul3A_2 = arith.muli %arg1, %mul3A_1 : i32
    %multiple_of3A = tpu.assume_multiple %mul3A_2, 640 : i32
    "tpu.region"() ({
      %run_scoped3A = tpu.sem_alloc : memref<!tpu.dma_semaphore, #tpu.memory_space<semaphore_mem>>
      %dma_start3A = arith.constant 0 : i32
      %dma_start3A_12 = tpu.memref_slice %arg8[%multiple_of3A, %dma_start3A] : memref<10240x128xf32, #tpu.memory_space<vmem_shared>> -> memref<640x128xf32, #tpu.memory_space<vmem_shared>>
      %dma_start3A_13 = arith.constant 0 : i32
      %dma_start3A_14 = tpu.memref_slice %arg4[%multiple_of3A, %dma_start3A_13] : memref<10240x128xf32, #tpu.memory_space<hbm>> -> memref<640x128xf32, #tpu.memory_space<hbm>>
      tpu.enqueue_dma source(%dma_start3A_14 : memref<640x128xf32, #tpu.memory_space<hbm>>) target(%dma_start3A_12 : memref<640x128xf32, #tpu.memory_space<vmem_shared>>) target_semaphore(%run_scoped3A : memref<!tpu.dma_semaphore, #tpu.memory_space<semaphore_mem>>)
      %dma_wait3A = arith.constant 0 : i32
      %dma_wait3A_15 = tpu.memref_slice %arg8[%multiple_of3A, %dma_wait3A] : memref<10240x128xf32, #tpu.memory_space<vmem_shared>> -> memref<640x128xf32, #tpu.memory_space<vmem_shared>>
      %dma_wait3A_16 = arith.constant 0 : i32
      %dma_wait3A_17 = tpu.memref_slice %arg4[%multiple_of3A, %dma_wait3A_16] : memref<10240x128xf32, #tpu.memory_space<hbm>> -> memref<640x128xf32, #tpu.memory_space<hbm>>
      tpu.wait_dma2 semaphore(%run_scoped3A : memref<!tpu.dma_semaphore, #tpu.memory_space<semaphore_mem>>) src(%dma_wait3A_17 : memref<640x128xf32, #tpu.memory_space<hbm>>) dst(%dma_wait3A_15 : memref<640x128xf32, #tpu.memory_space<vmem_shared>>)
      tpu.yield
    }) : () -> ()
    "tpu.region"() ({
      %run_scoped3A = tpu.sem_alloc : memref<!tpu.dma_semaphore, #tpu.memory_space<semaphore_mem>>
      tpu.enqueue_dma source(%arg3 : memref<128x128xf32, #tpu.memory_space<hbm>>) target(%arg7 : memref<128x128xf32, #tpu.memory_space<vmem>>) target_semaphore(%run_scoped3A : memref<!tpu.dma_semaphore, #tpu.memory_space<semaphore_mem>>)
      tpu.wait_dma2 semaphore(%run_scoped3A : memref<!tpu.dma_semaphore, #tpu.memory_space<semaphore_mem>>) src(%arg3 : memref<128x128xf32, #tpu.memory_space<hbm>>) dst(%arg7 : memref<128x128xf32, #tpu.memory_space<vmem>>)
      tpu.yield
    }) : () -> ()
    %barrier3A = arith.constant 0 : index
    tpu.barrier barrier_id(%barrier3A)
    %mul3A_3 = arith.constant 10240 : i32
    %mul3A_4 = arith.muli %add3A, %mul3A_3 : i32
    %multiple_of3A_5 = tpu.assume_multiple %mul3A_4, 128 : i32
    %scan3A = arith.constant 0 : i32
    %scan3A_6 = arith.constant 0 : i32
    %scan3A_7 = arith.constant 80 : i32
    %scan3A_8 = arith.addi %scan3A_6, %scan3A_7 : i32
    %scan3A_9 = arith.constant 1 : i32
    scf.for %scan3A_12 = %scan3A_6 to %scan3A_8 step %scan3A_9  : i32 {
      %mul3A_13 = arith.constant 128 : i32
      %mul3A_14 = arith.muli %scan3A_12, %mul3A_13 : i32
      %add3A_15 = arith.addi %multiple_of3A_5, %mul3A_14 : i32
      %multiple_of3A_16 = tpu.assume_multiple %add3A_15, 128 : i32
      "tpu.region"() ({
        %run_scoped3A = tpu.sem_alloc : memref<!tpu.dma_semaphore, #tpu.memory_space<semaphore_mem>>
        %dma_start3A = tpu.memref_slice %arg2[%multiple_of3A_16] : memref<327680xi32, #tpu.memory_space<hbm>> -> memref<128xi32, #tpu.memory_space<hbm>>
        %dma_start3A_17 = tpu.memref_slice %arg2[%multiple_of3A_16] : memref<327680xi32, #tpu.memory_space<hbm>> -> memref<128xi32, #tpu.memory_space<hbm>>
        tpu.enqueue_dma source(%dma_start3A_17 : memref<128xi32, #tpu.memory_space<hbm>>) target(%arg6 : memref<128xi32, #tpu.memory_space<vmem>>) target_semaphore(%run_scoped3A : memref<!tpu.dma_semaphore, #tpu.memory_space<semaphore_mem>>)
        %dma_wait3A = tpu.memref_slice %arg2[%multiple_of3A_16] : memref<327680xi32, #tpu.memory_space<hbm>> -> memref<128xi32, #tpu.memory_space<hbm>>
        %dma_wait3A_18 = tpu.memref_slice %arg2[%multiple_of3A_16] : memref<327680xi32, #tpu.memory_space<hbm>> -> memref<128xi32, #tpu.memory_space<hbm>>
        tpu.wait_dma2 semaphore(%run_scoped3A : memref<!tpu.dma_semaphore, #tpu.memory_space<semaphore_mem>>) src(%dma_wait3A_18 : memref<128xi32, #tpu.memory_space<hbm>>) dst(%arg6 : memref<128xi32, #tpu.memory_space<vmem>>)
        tpu.yield
      }) : () -> ()
      "tpu.region"() ({
        %run_scoped3A = tpu.sem_alloc : memref<!tpu.dma_semaphore, #tpu.memory_space<semaphore_mem>>
        %dma_start3A = arith.constant 0 : i32
        %dma_start3A_17 = arith.constant 0 : i32
        %dma_start3A_18 = tpu.memref_slice %arg8[%dma_start3A, %dma_start3A_17] : memref<10240x128xf32, #tpu.memory_space<vmem_shared>> -> memref<10240x128xf32, #tpu.memory_space<vmem_shared>>
        tpu.enqueue_indirect_dma source(%arg7 : memref<128x128xf32, #tpu.memory_space<vmem>>) target(%dma_start3A_18 : memref<10240x128xf32, #tpu.memory_space<vmem_shared>>) offsets(%arg6 : memref<128xi32, #tpu.memory_space<vmem>>) semaphore(%run_scoped3A : memref<!tpu.dma_semaphore, #tpu.memory_space<semaphore_mem>>) {add = true}
        %dma_wait3A = arith.constant 0 : i32
        %dma_wait3A_19 = arith.constant 0 : i32
        %dma_wait3A_20 = tpu.memref_slice %arg8[%dma_wait3A, %dma_wait3A_19] : memref<10240x128xf32, #tpu.memory_space<vmem_shared>> -> memref<10240x128xf32, #tpu.memory_space<vmem_shared>>
        tpu.wait_indirect_dma semaphore(%run_scoped3A : memref<!tpu.dma_semaphore, #tpu.memory_space<semaphore_mem>>) src(%arg7 : memref<128x128xf32, #tpu.memory_space<vmem>>) dst(%dma_wait3A_20 : memref<10240x128xf32, #tpu.memory_space<vmem_shared>>)
        tpu.yield
      }) : () -> ()
    }
    %scan3A_10 = arith.constant 80 : i32
    %barrier3A_11 = arith.constant 0 : index
    tpu.barrier barrier_id(%barrier3A_11)
    "tpu.region"() ({
      %run_scoped3A = tpu.sem_alloc : memref<!tpu.dma_semaphore, #tpu.memory_space<semaphore_mem>>
      %dma_start3A = arith.constant 0 : i32
      %dma_start3A_12 = tpu.memref_slice %arg5[%arg0, %multiple_of3A, %dma_start3A] : memref<2x10240x128xf32, #tpu.memory_space<hbm>> -> memref<1x640x128xf32, #tpu.memory_space<hbm>>
      %dma_start3A_13 = tpu.memref_squeeze %dma_start3A_12 : memref<1x640x128xf32, #tpu.memory_space<hbm>> -> memref<640x128xf32, #tpu.memory_space<hbm>>
      %dma_start3A_14 = arith.constant 0 : i32
      %dma_start3A_15 = tpu.memref_slice %arg8[%multiple_of3A, %dma_start3A_14] : memref<10240x128xf32, #tpu.memory_space<vmem_shared>> -> memref<640x128xf32, #tpu.memory_space<vmem_shared>>
      tpu.enqueue_dma source(%dma_start3A_15 : memref<640x128xf32, #tpu.memory_space<vmem_shared>>) target(%dma_start3A_13 : memref<640x128xf32, #tpu.memory_space<hbm>>) target_semaphore(%run_scoped3A : memref<!tpu.dma_semaphore, #tpu.memory_space<semaphore_mem>>)
      %dma_wait3A = arith.constant 0 : i32
      %dma_wait3A_16 = tpu.memref_slice %arg5[%arg0, %multiple_of3A, %dma_wait3A] : memref<2x10240x128xf32, #tpu.memory_space<hbm>> -> memref<1x640x128xf32, #tpu.memory_space<hbm>>
      %dma_wait3A_17 = tpu.memref_squeeze %dma_wait3A_16 : memref<1x640x128xf32, #tpu.memory_space<hbm>> -> memref<640x128xf32, #tpu.memory_space<hbm>>
      %dma_wait3A_18 = arith.constant 0 : i32
      %dma_wait3A_19 = tpu.memref_slice %arg8[%multiple_of3A, %dma_wait3A_18] : memref<10240x128xf32, #tpu.memory_space<vmem_shared>> -> memref<640x128xf32, #tpu.memory_space<vmem_shared>>
      tpu.wait_dma2 semaphore(%run_scoped3A : memref<!tpu.dma_semaphore, #tpu.memory_space<semaphore_mem>>) src(%dma_wait3A_19 : memref<640x128xf32, #tpu.memory_space<vmem_shared>>) dst(%dma_wait3A_17 : memref<640x128xf32, #tpu.memory_space<hbm>>)
      tpu.yield
    }) : () -> ()
    return
  }
}

#map = affine_map<(d0, d1) -> (0, 0)>
#map1 = affine_map<(d0, d1) -> (0, 0, 0)>
module attributes {stable_mosaic.version = 14 : i64} {
  func.func @_sc_scatter_body(%arg0: i32, %arg1: i32, %arg2: memref<10240x128xf32, #tpu.memory_space<hbm>>, %arg3: memref<16x160x128xi32, #tpu.memory_space<hbm>>, %arg4: memref<16x160x128xi32, #tpu.memory_space<hbm>>, %arg5: memref<10240x128xf32, #tpu.memory_space<hbm>>, %arg6: memref<2x10240x128xf32, #tpu.memory_space<hbm>>, %arg7: memref<40x128xi32, #tpu.memory_space<vmem>>, %arg8: memref<40x128xi32, #tpu.memory_space<vmem>>, %arg9: memref<128x128xf32, #tpu.memory_space<vmem>>, %arg10: memref<128x128xf32, #tpu.memory_space<vmem>>, %arg11: memref<10240x128xf32, #tpu.memory_space<vmem_shared>>, %arg12: memref<!tpu.dma_semaphore, #tpu.memory_space<semaphore_mem>>, %arg13: memref<!tpu.dma_semaphore, #tpu.memory_space<semaphore_mem>>) attributes {dimension_semantics = [#tpu.dimension_semantics<core_parallel>, #tpu.dimension_semantics<subcore_parallel>], iteration_bounds = array<i64: 2, 16>, scalar_prefetch = 0 : i64, scratch_operands = 7 : i64, tpu.core_type = #tpu.core_type<sc_vector_subcore>, window_params = [{transform_indices = #map}, {transform_indices = #map1}, {transform_indices = #map1}, {transform_indices = #map}, {transform_indices = #map1}]} {
    %mul3A = arith.constant 640 : i32
    %mul3A_0 = arith.muli %arg1, %mul3A : i32
    %multiple_of3A = tpu.assume_multiple %mul3A_0, 640 : i32
    "tpu.region"() ({
      %run_scoped3A = tpu.sem_alloc : memref<!tpu.dma_semaphore, #tpu.memory_space<semaphore_mem>>
      %dma_start3A = arith.constant 0 : i32
      %dma_start3A_19 = tpu.memref_slice %arg11[%multiple_of3A, %dma_start3A] : memref<10240x128xf32, #tpu.memory_space<vmem_shared>> -> memref<640x128xf32, #tpu.memory_space<vmem_shared>>
      %dma_start3A_20 = arith.constant 0 : i32
      %dma_start3A_21 = tpu.memref_slice %arg5[%multiple_of3A, %dma_start3A_20] : memref<10240x128xf32, #tpu.memory_space<hbm>> -> memref<640x128xf32, #tpu.memory_space<hbm>>
      tpu.enqueue_dma source(%dma_start3A_21 : memref<640x128xf32, #tpu.memory_space<hbm>>) target(%dma_start3A_19 : memref<640x128xf32, #tpu.memory_space<vmem_shared>>) target_semaphore(%run_scoped3A : memref<!tpu.dma_semaphore, #tpu.memory_space<semaphore_mem>>)
      %dma_wait3A = arith.constant 0 : i32
      %dma_wait3A_22 = tpu.memref_slice %arg11[%multiple_of3A, %dma_wait3A] : memref<10240x128xf32, #tpu.memory_space<vmem_shared>> -> memref<640x128xf32, #tpu.memory_space<vmem_shared>>
      %dma_wait3A_23 = arith.constant 0 : i32
      %dma_wait3A_24 = tpu.memref_slice %arg5[%multiple_of3A, %dma_wait3A_23] : memref<10240x128xf32, #tpu.memory_space<hbm>> -> memref<640x128xf32, #tpu.memory_space<hbm>>
      tpu.wait_dma2 semaphore(%run_scoped3A : memref<!tpu.dma_semaphore, #tpu.memory_space<semaphore_mem>>) src(%dma_wait3A_24 : memref<640x128xf32, #tpu.memory_space<hbm>>) dst(%dma_wait3A_22 : memref<640x128xf32, #tpu.memory_space<vmem_shared>>)
      tpu.yield
    }) : () -> ()
    %barrier3A = arith.constant 0 : index
    tpu.barrier barrier_id(%barrier3A)
    %mul3A_1 = arith.constant 2 : i32
    %mul3A_2 = arith.muli %mul3A_1, %arg0 : i32
    %sub3A = arith.constant 3 : i32
    %sub3A_3 = arith.subi %sub3A, %mul3A_2 : i32
    %mul3A_4 = arith.constant 120 : i32
    %mul3A_5 = arith.muli %arg0, %mul3A_4 : i32
    %gt3A = arith.constant 0 : i32
    %gt3A_6 = arith.cmpi sgt, %sub3A_3, %gt3A : i32
    %convert_element_type3A = arith.extui %gt3A_6 : i1 to i32
    %cond3A = arith.constant 0 : i32
    %cond3A_7 = arith.cmpi ne, %convert_element_type3A, %cond3A : i32
    scf.if %cond3A_7 {
      %add3A = arith.constant 0 : i32
      %add3A_19 = arith.addi %mul3A_5, %add3A : i32
      %multiple_of3A_20 = tpu.assume_multiple %add3A_19, 40 : i32
      "tpu.region"() ({
        %run_scoped3A = tpu.sem_alloc : memref<!tpu.dma_semaphore, #tpu.memory_space<semaphore_mem>>
        %dma_start3A_39 = arith.constant 0 : i32
        %dma_start3A_40 = tpu.memref_slice %arg3[%arg1, %multiple_of3A_20, %dma_start3A_39] : memref<16x160x128xi32, #tpu.memory_space<hbm>> -> memref<1x40x128xi32, #tpu.memory_space<hbm>>
        %dma_start3A_41 = tpu.memref_squeeze %dma_start3A_40 : memref<1x40x128xi32, #tpu.memory_space<hbm>> -> memref<40x128xi32, #tpu.memory_space<hbm>>
        %dma_start3A_42 = arith.constant 0 : i32
        %dma_start3A_43 = tpu.memref_slice %arg3[%arg1, %multiple_of3A_20, %dma_start3A_42] : memref<16x160x128xi32, #tpu.memory_space<hbm>> -> memref<1x40x128xi32, #tpu.memory_space<hbm>>
        %dma_start3A_44 = tpu.memref_squeeze %dma_start3A_43 : memref<1x40x128xi32, #tpu.memory_space<hbm>> -> memref<40x128xi32, #tpu.memory_space<hbm>>
        tpu.enqueue_dma source(%dma_start3A_44 : memref<40x128xi32, #tpu.memory_space<hbm>>) target(%arg7 : memref<40x128xi32, #tpu.memory_space<vmem>>) target_semaphore(%run_scoped3A : memref<!tpu.dma_semaphore, #tpu.memory_space<semaphore_mem>>)
        %dma_wait3A = arith.constant 0 : i32
        %dma_wait3A_45 = tpu.memref_slice %arg3[%arg1, %multiple_of3A_20, %dma_wait3A] : memref<16x160x128xi32, #tpu.memory_space<hbm>> -> memref<1x40x128xi32, #tpu.memory_space<hbm>>
        %dma_wait3A_46 = tpu.memref_squeeze %dma_wait3A_45 : memref<1x40x128xi32, #tpu.memory_space<hbm>> -> memref<40x128xi32, #tpu.memory_space<hbm>>
        %dma_wait3A_47 = arith.constant 0 : i32
        %dma_wait3A_48 = tpu.memref_slice %arg3[%arg1, %multiple_of3A_20, %dma_wait3A_47] : memref<16x160x128xi32, #tpu.memory_space<hbm>> -> memref<1x40x128xi32, #tpu.memory_space<hbm>>
        %dma_wait3A_49 = tpu.memref_squeeze %dma_wait3A_48 : memref<1x40x128xi32, #tpu.memory_space<hbm>> -> memref<40x128xi32, #tpu.memory_space<hbm>>
        tpu.wait_dma2 semaphore(%run_scoped3A : memref<!tpu.dma_semaphore, #tpu.memory_space<semaphore_mem>>) src(%dma_wait3A_49 : memref<40x128xi32, #tpu.memory_space<hbm>>) dst(%arg7 : memref<40x128xi32, #tpu.memory_space<vmem>>)
        tpu.yield
      }) : () -> ()
      "tpu.region"() ({
        %run_scoped3A = tpu.sem_alloc : memref<!tpu.dma_semaphore, #tpu.memory_space<semaphore_mem>>
        %dma_start3A_39 = arith.constant 0 : i32
        %dma_start3A_40 = tpu.memref_slice %arg4[%arg1, %multiple_of3A_20, %dma_start3A_39] : memref<16x160x128xi32, #tpu.memory_space<hbm>> -> memref<1x40x128xi32, #tpu.memory_space<hbm>>
        %dma_start3A_41 = tpu.memref_squeeze %dma_start3A_40 : memref<1x40x128xi32, #tpu.memory_space<hbm>> -> memref<40x128xi32, #tpu.memory_space<hbm>>
        %dma_start3A_42 = arith.constant 0 : i32
        %dma_start3A_43 = tpu.memref_slice %arg4[%arg1, %multiple_of3A_20, %dma_start3A_42] : memref<16x160x128xi32, #tpu.memory_space<hbm>> -> memref<1x40x128xi32, #tpu.memory_space<hbm>>
        %dma_start3A_44 = tpu.memref_squeeze %dma_start3A_43 : memref<1x40x128xi32, #tpu.memory_space<hbm>> -> memref<40x128xi32, #tpu.memory_space<hbm>>
        tpu.enqueue_dma source(%dma_start3A_44 : memref<40x128xi32, #tpu.memory_space<hbm>>) target(%arg8 : memref<40x128xi32, #tpu.memory_space<vmem>>) target_semaphore(%run_scoped3A : memref<!tpu.dma_semaphore, #tpu.memory_space<semaphore_mem>>)
        %dma_wait3A = arith.constant 0 : i32
        %dma_wait3A_45 = tpu.memref_slice %arg4[%arg1, %multiple_of3A_20, %dma_wait3A] : memref<16x160x128xi32, #tpu.memory_space<hbm>> -> memref<1x40x128xi32, #tpu.memory_space<hbm>>
        %dma_wait3A_46 = tpu.memref_squeeze %dma_wait3A_45 : memref<1x40x128xi32, #tpu.memory_space<hbm>> -> memref<40x128xi32, #tpu.memory_space<hbm>>
        %dma_wait3A_47 = arith.constant 0 : i32
        %dma_wait3A_48 = tpu.memref_slice %arg4[%arg1, %multiple_of3A_20, %dma_wait3A_47] : memref<16x160x128xi32, #tpu.memory_space<hbm>> -> memref<1x40x128xi32, #tpu.memory_space<hbm>>
        %dma_wait3A_49 = tpu.memref_squeeze %dma_wait3A_48 : memref<1x40x128xi32, #tpu.memory_space<hbm>> -> memref<40x128xi32, #tpu.memory_space<hbm>>
        tpu.wait_dma2 semaphore(%run_scoped3A : memref<!tpu.dma_semaphore, #tpu.memory_space<semaphore_mem>>) src(%dma_wait3A_49 : memref<40x128xi32, #tpu.memory_space<hbm>>) dst(%arg8 : memref<40x128xi32, #tpu.memory_space<vmem>>)
        tpu.yield
      }) : () -> ()
      %dma_start3A = arith.constant 0 : i32
      %dma_start3A_21 = arith.constant 0 : i32
      %dma_start3A_22 = tpu.memref_slice %arg7[%dma_start3A, %dma_start3A_21] : memref<40x128xi32, #tpu.memory_space<vmem>> -> memref<1x128xi32, #tpu.memory_space<vmem>>
      %dma_start3A_23 = tpu.memref_squeeze %dma_start3A_22 : memref<1x128xi32, #tpu.memory_space<vmem>> -> memref<128xi32, #tpu.memory_space<vmem>>
      %dma_start3A_24 = arith.constant 0 : i32
      %dma_start3A_25 = arith.constant 0 : i32
      %dma_start3A_26 = tpu.memref_slice %arg2[%dma_start3A_24, %dma_start3A_25] : memref<10240x128xf32, #tpu.memory_space<hbm>> -> memref<10240x128xf32, #tpu.memory_space<hbm>>
      tpu.enqueue_indirect_dma source(%dma_start3A_26 : memref<10240x128xf32, #tpu.memory_space<hbm>>) target(%arg9 : memref<128x128xf32, #tpu.memory_space<vmem>>) offsets(%dma_start3A_23 : memref<128xi32, #tpu.memory_space<vmem>>) semaphore(%arg12 : memref<!tpu.dma_semaphore, #tpu.memory_space<semaphore_mem>>)
      %dma_start3A_27 = arith.constant 1 : i32
      %dma_start3A_28 = arith.constant 0 : i32
      %dma_start3A_29 = tpu.memref_slice %arg7[%dma_start3A_27, %dma_start3A_28] : memref<40x128xi32, #tpu.memory_space<vmem>> -> memref<1x128xi32, #tpu.memory_space<vmem>>
      %dma_start3A_30 = tpu.memref_squeeze %dma_start3A_29 : memref<1x128xi32, #tpu.memory_space<vmem>> -> memref<128xi32, #tpu.memory_space<vmem>>
      %dma_start3A_31 = arith.constant 0 : i32
      %dma_start3A_32 = arith.constant 0 : i32
      %dma_start3A_33 = tpu.memref_slice %arg2[%dma_start3A_31, %dma_start3A_32] : memref<10240x128xf32, #tpu.memory_space<hbm>> -> memref<10240x128xf32, #tpu.memory_space<hbm>>
      tpu.enqueue_indirect_dma source(%dma_start3A_33 : memref<10240x128xf32, #tpu.memory_space<hbm>>) target(%arg10 : memref<128x128xf32, #tpu.memory_space<vmem>>) offsets(%dma_start3A_30 : memref<128xi32, #tpu.memory_space<vmem>>) semaphore(%arg13 : memref<!tpu.dma_semaphore, #tpu.memory_space<semaphore_mem>>)
      %scan3A = arith.constant 0 : i32
      %scan3A_34 = arith.constant 0 : i32
      %scan3A_35 = arith.constant 20 : i32
      %scan3A_36 = arith.addi %scan3A_34, %scan3A_35 : i32
      %scan3A_37 = arith.constant 1 : i32
      scf.for %scan3A_39 = %scan3A_34 to %scan3A_36 step %scan3A_37  : i32 {
        %mul3A_40 = arith.constant 2 : i32
        %mul3A_41 = arith.muli %scan3A_39, %mul3A_40 : i32
        %multiple_of3A_42 = tpu.assume_multiple %mul3A_41, 2 : i32
        %dma_wait3A = arith.constant 0 : i32
        %dma_wait3A_43 = tpu.memref_slice %arg7[%multiple_of3A_42, %dma_wait3A] : memref<40x128xi32, #tpu.memory_space<vmem>> -> memref<1x128xi32, #tpu.memory_space<vmem>>
        %dma_wait3A_44 = tpu.memref_squeeze %dma_wait3A_43 : memref<1x128xi32, #tpu.memory_space<vmem>> -> memref<128xi32, #tpu.memory_space<vmem>>
        %dma_wait3A_45 = arith.constant 0 : i32
        %dma_wait3A_46 = arith.constant 0 : i32
        %dma_wait3A_47 = tpu.memref_slice %arg2[%dma_wait3A_45, %dma_wait3A_46] : memref<10240x128xf32, #tpu.memory_space<hbm>> -> memref<10240x128xf32, #tpu.memory_space<hbm>>
        tpu.wait_indirect_dma semaphore(%arg12 : memref<!tpu.dma_semaphore, #tpu.memory_space<semaphore_mem>>) src(%dma_wait3A_47 : memref<10240x128xf32, #tpu.memory_space<hbm>>) dst(%arg9 : memref<128x128xf32, #tpu.memory_space<vmem>>)
        "tpu.region"() ({
          %run_scoped3A = tpu.sem_alloc : memref<!tpu.dma_semaphore, #tpu.memory_space<semaphore_mem>>
          %dma_start3A_69 = arith.constant 0 : i32
          %dma_start3A_70 = tpu.memref_slice %arg8[%multiple_of3A_42, %dma_start3A_69] : memref<40x128xi32, #tpu.memory_space<vmem>> -> memref<1x128xi32, #tpu.memory_space<vmem>>
          %dma_start3A_71 = tpu.memref_squeeze %dma_start3A_70 : memref<1x128xi32, #tpu.memory_space<vmem>> -> memref<128xi32, #tpu.memory_space<vmem>>
          %dma_start3A_72 = arith.constant 0 : i32
          %dma_start3A_73 = arith.constant 0 : i32
          %dma_start3A_74 = tpu.memref_slice %arg11[%dma_start3A_72, %dma_start3A_73] : memref<10240x128xf32, #tpu.memory_space<vmem_shared>> -> memref<10240x128xf32, #tpu.memory_space<vmem_shared>>
          tpu.enqueue_indirect_dma source(%arg9 : memref<128x128xf32, #tpu.memory_space<vmem>>) target(%dma_start3A_74 : memref<10240x128xf32, #tpu.memory_space<vmem_shared>>) offsets(%dma_start3A_71 : memref<128xi32, #tpu.memory_space<vmem>>) semaphore(%run_scoped3A : memref<!tpu.dma_semaphore, #tpu.memory_space<semaphore_mem>>) {add = true}
          %dma_wait3A_75 = arith.constant 0 : i32
          %dma_wait3A_76 = tpu.memref_slice %arg8[%multiple_of3A_42, %dma_wait3A_75] : memref<40x128xi32, #tpu.memory_space<vmem>> -> memref<1x128xi32, #tpu.memory_space<vmem>>
          %dma_wait3A_77 = tpu.memref_squeeze %dma_wait3A_76 : memref<1x128xi32, #tpu.memory_space<vmem>> -> memref<128xi32, #tpu.memory_space<vmem>>
          %dma_wait3A_78 = arith.constant 0 : i32
          %dma_wait3A_79 = arith.constant 0 : i32
          %dma_wait3A_80 = tpu.memref_slice %arg11[%dma_wait3A_78, %dma_wait3A_79] : memref<10240x128xf32, #tpu.memory_space<vmem_shared>> -> memref<10240x128xf32, #tpu.memory_space<vmem_shared>>
          tpu.wait_indirect_dma semaphore(%run_scoped3A : memref<!tpu.dma_semaphore, #tpu.memory_space<semaphore_mem>>) src(%arg9 : memref<128x128xf32, #tpu.memory_space<vmem>>) dst(%dma_wait3A_80 : memref<10240x128xf32, #tpu.memory_space<vmem_shared>>)
          tpu.yield
        }) : () -> ()
        %add3A_48 = arith.constant 2 : i32
        %add3A_49 = arith.addi %multiple_of3A_42, %add3A_48 : i32
        %lt3A = arith.constant 40 : i32
        %lt3A_50 = arith.cmpi slt, %add3A_49, %lt3A : i32
        %convert_element_type3A_51 = arith.extui %lt3A_50 : i1 to i32
        %cond3A_52 = arith.constant 0 : i32
        %cond3A_53 = arith.cmpi ne, %convert_element_type3A_51, %cond3A_52 : i32
        scf.if %cond3A_53 {
          %add3A_69 = arith.constant 2 : i32
          %add3A_70 = arith.addi %multiple_of3A_42, %add3A_69 : i32
          %dma_start3A_71 = arith.constant 0 : i32
          %dma_start3A_72 = tpu.memref_slice %arg7[%add3A_70, %dma_start3A_71] : memref<40x128xi32, #tpu.memory_space<vmem>> -> memref<1x128xi32, #tpu.memory_space<vmem>>
          %dma_start3A_73 = tpu.memref_squeeze %dma_start3A_72 : memref<1x128xi32, #tpu.memory_space<vmem>> -> memref<128xi32, #tpu.memory_space<vmem>>
          %dma_start3A_74 = arith.constant 0 : i32
          %dma_start3A_75 = arith.constant 0 : i32
          %dma_start3A_76 = tpu.memref_slice %arg2[%dma_start3A_74, %dma_start3A_75] : memref<10240x128xf32, #tpu.memory_space<hbm>> -> memref<10240x128xf32, #tpu.memory_space<hbm>>
          tpu.enqueue_indirect_dma source(%dma_start3A_76 : memref<10240x128xf32, #tpu.memory_space<hbm>>) target(%arg9 : memref<128x128xf32, #tpu.memory_space<vmem>>) offsets(%dma_start3A_73 : memref<128xi32, #tpu.memory_space<vmem>>) semaphore(%arg12 : memref<!tpu.dma_semaphore, #tpu.memory_space<semaphore_mem>>)
        } else {
        }
        %add3A_54 = arith.constant 1 : i32
        %add3A_55 = arith.addi %multiple_of3A_42, %add3A_54 : i32
        %dma_wait3A_56 = arith.constant 0 : i32
        %dma_wait3A_57 = tpu.memref_slice %arg7[%add3A_55, %dma_wait3A_56] : memref<40x128xi32, #tpu.memory_space<vmem>> -> memref<1x128xi32, #tpu.memory_space<vmem>>
        %dma_wait3A_58 = tpu.memref_squeeze %dma_wait3A_57 : memref<1x128xi32, #tpu.memory_space<vmem>> -> memref<128xi32, #tpu.memory_space<vmem>>
        %dma_wait3A_59 = arith.constant 0 : i32
        %dma_wait3A_60 = arith.constant 0 : i32
        %dma_wait3A_61 = tpu.memref_slice %arg2[%dma_wait3A_59, %dma_wait3A_60] : memref<10240x128xf32, #tpu.memory_space<hbm>> -> memref<10240x128xf32, #tpu.memory_space<hbm>>
        tpu.wait_indirect_dma semaphore(%arg13 : memref<!tpu.dma_semaphore, #tpu.memory_space<semaphore_mem>>) src(%dma_wait3A_61 : memref<10240x128xf32, #tpu.memory_space<hbm>>) dst(%arg10 : memref<128x128xf32, #tpu.memory_space<vmem>>)
        "tpu.region"() ({
          %run_scoped3A = tpu.sem_alloc : memref<!tpu.dma_semaphore, #tpu.memory_space<semaphore_mem>>
          %dma_start3A_69 = arith.constant 0 : i32
          %dma_start3A_70 = tpu.memref_slice %arg8[%add3A_55, %dma_start3A_69] : memref<40x128xi32, #tpu.memory_space<vmem>> -> memref<1x128xi32, #tpu.memory_space<vmem>>
          %dma_start3A_71 = tpu.memref_squeeze %dma_start3A_70 : memref<1x128xi32, #tpu.memory_space<vmem>> -> memref<128xi32, #tpu.memory_space<vmem>>
          %dma_start3A_72 = arith.constant 0 : i32
          %dma_start3A_73 = arith.constant 0 : i32
          %dma_start3A_74 = tpu.memref_slice %arg11[%dma_start3A_72, %dma_start3A_73] : memref<10240x128xf32, #tpu.memory_space<vmem_shared>> -> memref<10240x128xf32, #tpu.memory_space<vmem_shared>>
          tpu.enqueue_indirect_dma source(%arg10 : memref<128x128xf32, #tpu.memory_space<vmem>>) target(%dma_start3A_74 : memref<10240x128xf32, #tpu.memory_space<vmem_shared>>) offsets(%dma_start3A_71 : memref<128xi32, #tpu.memory_space<vmem>>) semaphore(%run_scoped3A : memref<!tpu.dma_semaphore, #tpu.memory_space<semaphore_mem>>) {add = true}
          %dma_wait3A_75 = arith.constant 0 : i32
          %dma_wait3A_76 = tpu.memref_slice %arg8[%add3A_55, %dma_wait3A_75] : memref<40x128xi32, #tpu.memory_space<vmem>> -> memref<1x128xi32, #tpu.memory_space<vmem>>
          %dma_wait3A_77 = tpu.memref_squeeze %dma_wait3A_76 : memref<1x128xi32, #tpu.memory_space<vmem>> -> memref<128xi32, #tpu.memory_space<vmem>>
          %dma_wait3A_78 = arith.constant 0 : i32
          %dma_wait3A_79 = arith.constant 0 : i32
          %dma_wait3A_80 = tpu.memref_slice %arg11[%dma_wait3A_78, %dma_wait3A_79] : memref<10240x128xf32, #tpu.memory_space<vmem_shared>> -> memref<10240x128xf32, #tpu.memory_space<vmem_shared>>
          tpu.wait_indirect_dma semaphore(%run_scoped3A : memref<!tpu.dma_semaphore, #tpu.memory_space<semaphore_mem>>) src(%arg10 : memref<128x128xf32, #tpu.memory_space<vmem>>) dst(%dma_wait3A_80 : memref<10240x128xf32, #tpu.memory_space<vmem_shared>>)
          tpu.yield
        }) : () -> ()
        %add3A_62 = arith.constant 2 : i32
        %add3A_63 = arith.addi %add3A_55, %add3A_62 : i32
        %lt3A_64 = arith.constant 40 : i32
        %lt3A_65 = arith.cmpi slt, %add3A_63, %lt3A_64 : i32
        %convert_element_type3A_66 = arith.extui %lt3A_65 : i1 to i32
        %cond3A_67 = arith.constant 0 : i32
        %cond3A_68 = arith.cmpi ne, %convert_element_type3A_66, %cond3A_67 : i32
        scf.if %cond3A_68 {
          %add3A_69 = arith.constant 2 : i32
          %add3A_70 = arith.addi %add3A_55, %add3A_69 : i32
          %dma_start3A_71 = arith.constant 0 : i32
          %dma_start3A_72 = tpu.memref_slice %arg7[%add3A_70, %dma_start3A_71] : memref<40x128xi32, #tpu.memory_space<vmem>> -> memref<1x128xi32, #tpu.memory_space<vmem>>
          %dma_start3A_73 = tpu.memref_squeeze %dma_start3A_72 : memref<1x128xi32, #tpu.memory_space<vmem>> -> memref<128xi32, #tpu.memory_space<vmem>>
          %dma_start3A_74 = arith.constant 0 : i32
          %dma_start3A_75 = arith.constant 0 : i32
          %dma_start3A_76 = tpu.memref_slice %arg2[%dma_start3A_74, %dma_start3A_75] : memref<10240x128xf32, #tpu.memory_space<hbm>> -> memref<10240x128xf32, #tpu.memory_space<hbm>>
          tpu.enqueue_indirect_dma source(%dma_start3A_76 : memref<10240x128xf32, #tpu.memory_space<hbm>>) target(%arg10 : memref<128x128xf32, #tpu.memory_space<vmem>>) offsets(%dma_start3A_73 : memref<128xi32, #tpu.memory_space<vmem>>) semaphore(%arg13 : memref<!tpu.dma_semaphore, #tpu.memory_space<semaphore_mem>>)
        } else {
        }
      }
      %scan3A_38 = arith.constant 20 : i32
    } else {
    }
    %gt3A_8 = arith.constant 1 : i32
    %gt3A_9 = arith.cmpi sgt, %sub3A_3, %gt3A_8 : i32
    %convert_element_type3A_10 = arith.extui %gt3A_9 : i1 to i32
    %cond3A_11 = arith.constant 0 : i32
    %cond3A_12 = arith.cmpi ne, %convert_element_type3A_10, %cond3A_11 : i32
    scf.if %cond3A_12 {
      %add3A = arith.constant 40 : i32
      %add3A_19 = arith.addi %mul3A_5, %add3A : i32
      %multiple_of3A_20 = tpu.assume_multiple %add3A_19, 40 : i32
      "tpu.region"() ({
        %run_scoped3A = tpu.sem_alloc : memref<!tpu.dma_semaphore, #tpu.memory_space<semaphore_mem>>
        %dma_start3A_39 = arith.constant 0 : i32
        %dma_start3A_40 = tpu.memref_slice %arg3[%arg1, %multiple_of3A_20, %dma_start3A_39] : memref<16x160x128xi32, #tpu.memory_space<hbm>> -> memref<1x40x128xi32, #tpu.memory_space<hbm>>
        %dma_start3A_41 = tpu.memref_squeeze %dma_start3A_40 : memref<1x40x128xi32, #tpu.memory_space<hbm>> -> memref<40x128xi32, #tpu.memory_space<hbm>>
        %dma_start3A_42 = arith.constant 0 : i32
        %dma_start3A_43 = tpu.memref_slice %arg3[%arg1, %multiple_of3A_20, %dma_start3A_42] : memref<16x160x128xi32, #tpu.memory_space<hbm>> -> memref<1x40x128xi32, #tpu.memory_space<hbm>>
        %dma_start3A_44 = tpu.memref_squeeze %dma_start3A_43 : memref<1x40x128xi32, #tpu.memory_space<hbm>> -> memref<40x128xi32, #tpu.memory_space<hbm>>
        tpu.enqueue_dma source(%dma_start3A_44 : memref<40x128xi32, #tpu.memory_space<hbm>>) target(%arg7 : memref<40x128xi32, #tpu.memory_space<vmem>>) target_semaphore(%run_scoped3A : memref<!tpu.dma_semaphore, #tpu.memory_space<semaphore_mem>>)
        %dma_wait3A = arith.constant 0 : i32
        %dma_wait3A_45 = tpu.memref_slice %arg3[%arg1, %multiple_of3A_20, %dma_wait3A] : memref<16x160x128xi32, #tpu.memory_space<hbm>> -> memref<1x40x128xi32, #tpu.memory_space<hbm>>
        %dma_wait3A_46 = tpu.memref_squeeze %dma_wait3A_45 : memref<1x40x128xi32, #tpu.memory_space<hbm>> -> memref<40x128xi32, #tpu.memory_space<hbm>>
        %dma_wait3A_47 = arith.constant 0 : i32
        %dma_wait3A_48 = tpu.memref_slice %arg3[%arg1, %multiple_of3A_20, %dma_wait3A_47] : memref<16x160x128xi32, #tpu.memory_space<hbm>> -> memref<1x40x128xi32, #tpu.memory_space<hbm>>
        %dma_wait3A_49 = tpu.memref_squeeze %dma_wait3A_48 : memref<1x40x128xi32, #tpu.memory_space<hbm>> -> memref<40x128xi32, #tpu.memory_space<hbm>>
        tpu.wait_dma2 semaphore(%run_scoped3A : memref<!tpu.dma_semaphore, #tpu.memory_space<semaphore_mem>>) src(%dma_wait3A_49 : memref<40x128xi32, #tpu.memory_space<hbm>>) dst(%arg7 : memref<40x128xi32, #tpu.memory_space<vmem>>)
        tpu.yield
      }) : () -> ()
      "tpu.region"() ({
        %run_scoped3A = tpu.sem_alloc : memref<!tpu.dma_semaphore, #tpu.memory_space<semaphore_mem>>
        %dma_start3A_39 = arith.constant 0 : i32
        %dma_start3A_40 = tpu.memref_slice %arg4[%arg1, %multiple_of3A_20, %dma_start3A_39] : memref<16x160x128xi32, #tpu.memory_space<hbm>> -> memref<1x40x128xi32, #tpu.memory_space<hbm>>
        %dma_start3A_41 = tpu.memref_squeeze %dma_start3A_40 : memref<1x40x128xi32, #tpu.memory_space<hbm>> -> memref<40x128xi32, #tpu.memory_space<hbm>>
        %dma_start3A_42 = arith.constant 0 : i32
        %dma_start3A_43 = tpu.memref_slice %arg4[%arg1, %multiple_of3A_20, %dma_start3A_42] : memref<16x160x128xi32, #tpu.memory_space<hbm>> -> memref<1x40x128xi32, #tpu.memory_space<hbm>>
        %dma_start3A_44 = tpu.memref_squeeze %dma_start3A_43 : memref<1x40x128xi32, #tpu.memory_space<hbm>> -> memref<40x128xi32, #tpu.memory_space<hbm>>
        tpu.enqueue_dma source(%dma_start3A_44 : memref<40x128xi32, #tpu.memory_space<hbm>>) target(%arg8 : memref<40x128xi32, #tpu.memory_space<vmem>>) target_semaphore(%run_scoped3A : memref<!tpu.dma_semaphore, #tpu.memory_space<semaphore_mem>>)
        %dma_wait3A = arith.constant 0 : i32
        %dma_wait3A_45 = tpu.memref_slice %arg4[%arg1, %multiple_of3A_20, %dma_wait3A] : memref<16x160x128xi32, #tpu.memory_space<hbm>> -> memref<1x40x128xi32, #tpu.memory_space<hbm>>
        %dma_wait3A_46 = tpu.memref_squeeze %dma_wait3A_45 : memref<1x40x128xi32, #tpu.memory_space<hbm>> -> memref<40x128xi32, #tpu.memory_space<hbm>>
        %dma_wait3A_47 = arith.constant 0 : i32
        %dma_wait3A_48 = tpu.memref_slice %arg4[%arg1, %multiple_of3A_20, %dma_wait3A_47] : memref<16x160x128xi32, #tpu.memory_space<hbm>> -> memref<1x40x128xi32, #tpu.memory_space<hbm>>
        %dma_wait3A_49 = tpu.memref_squeeze %dma_wait3A_48 : memref<1x40x128xi32, #tpu.memory_space<hbm>> -> memref<40x128xi32, #tpu.memory_space<hbm>>
        tpu.wait_dma2 semaphore(%run_scoped3A : memref<!tpu.dma_semaphore, #tpu.memory_space<semaphore_mem>>) src(%dma_wait3A_49 : memref<40x128xi32, #tpu.memory_space<hbm>>) dst(%arg8 : memref<40x128xi32, #tpu.memory_space<vmem>>)
        tpu.yield
      }) : () -> ()
      %dma_start3A = arith.constant 0 : i32
      %dma_start3A_21 = arith.constant 0 : i32
      %dma_start3A_22 = tpu.memref_slice %arg7[%dma_start3A, %dma_start3A_21] : memref<40x128xi32, #tpu.memory_space<vmem>> -> memref<1x128xi32, #tpu.memory_space<vmem>>
      %dma_start3A_23 = tpu.memref_squeeze %dma_start3A_22 : memref<1x128xi32, #tpu.memory_space<vmem>> -> memref<128xi32, #tpu.memory_space<vmem>>
      %dma_start3A_24 = arith.constant 0 : i32
      %dma_start3A_25 = arith.constant 0 : i32
      %dma_start3A_26 = tpu.memref_slice %arg2[%dma_start3A_24, %dma_start3A_25] : memref<10240x128xf32, #tpu.memory_space<hbm>> -> memref<10240x128xf32, #tpu.memory_space<hbm>>
      tpu.enqueue_indirect_dma source(%dma_start3A_26 : memref<10240x128xf32, #tpu.memory_space<hbm>>) target(%arg9 : memref<128x128xf32, #tpu.memory_space<vmem>>) offsets(%dma_start3A_23 : memref<128xi32, #tpu.memory_space<vmem>>) semaphore(%arg12 : memref<!tpu.dma_semaphore, #tpu.memory_space<semaphore_mem>>)
      %dma_start3A_27 = arith.constant 1 : i32
      %dma_start3A_28 = arith.constant 0 : i32
      %dma_start3A_29 = tpu.memref_slice %arg7[%dma_start3A_27, %dma_start3A_28] : memref<40x128xi32, #tpu.memory_space<vmem>> -> memref<1x128xi32, #tpu.memory_space<vmem>>
      %dma_start3A_30 = tpu.memref_squeeze %dma_start3A_29 : memref<1x128xi32, #tpu.memory_space<vmem>> -> memref<128xi32, #tpu.memory_space<vmem>>
      %dma_start3A_31 = arith.constant 0 : i32
      %dma_start3A_32 = arith.constant 0 : i32
      %dma_start3A_33 = tpu.memref_slice %arg2[%dma_start3A_31, %dma_start3A_32] : memref<10240x128xf32, #tpu.memory_space<hbm>> -> memref<10240x128xf32, #tpu.memory_space<hbm>>
      tpu.enqueue_indirect_dma source(%dma_start3A_33 : memref<10240x128xf32, #tpu.memory_space<hbm>>) target(%arg10 : memref<128x128xf32, #tpu.memory_space<vmem>>) offsets(%dma_start3A_30 : memref<128xi32, #tpu.memory_space<vmem>>) semaphore(%arg13 : memref<!tpu.dma_semaphore, #tpu.memory_space<semaphore_mem>>)
      %scan3A = arith.constant 0 : i32
      %scan3A_34 = arith.constant 0 : i32
      %scan3A_35 = arith.constant 20 : i32
      %scan3A_36 = arith.addi %scan3A_34, %scan3A_35 : i32
      %scan3A_37 = arith.constant 1 : i32
      scf.for %scan3A_39 = %scan3A_34 to %scan3A_36 step %scan3A_37  : i32 {
        %mul3A_40 = arith.constant 2 : i32
        %mul3A_41 = arith.muli %scan3A_39, %mul3A_40 : i32
        %multiple_of3A_42 = tpu.assume_multiple %mul3A_41, 2 : i32
        %dma_wait3A = arith.constant 0 : i32
        %dma_wait3A_43 = tpu.memref_slice %arg7[%multiple_of3A_42, %dma_wait3A] : memref<40x128xi32, #tpu.memory_space<vmem>> -> memref<1x128xi32, #tpu.memory_space<vmem>>
        %dma_wait3A_44 = tpu.memref_squeeze %dma_wait3A_43 : memref<1x128xi32, #tpu.memory_space<vmem>> -> memref<128xi32, #tpu.memory_space<vmem>>
        %dma_wait3A_45 = arith.constant 0 : i32
        %dma_wait3A_46 = arith.constant 0 : i32
        %dma_wait3A_47 = tpu.memref_slice %arg2[%dma_wait3A_45, %dma_wait3A_46] : memref<10240x128xf32, #tpu.memory_space<hbm>> -> memref<10240x128xf32, #tpu.memory_space<hbm>>
        tpu.wait_indirect_dma semaphore(%arg12 : memref<!tpu.dma_semaphore, #tpu.memory_space<semaphore_mem>>) src(%dma_wait3A_47 : memref<10240x128xf32, #tpu.memory_space<hbm>>) dst(%arg9 : memref<128x128xf32, #tpu.memory_space<vmem>>)
        "tpu.region"() ({
          %run_scoped3A = tpu.sem_alloc : memref<!tpu.dma_semaphore, #tpu.memory_space<semaphore_mem>>
          %dma_start3A_69 = arith.constant 0 : i32
          %dma_start3A_70 = tpu.memref_slice %arg8[%multiple_of3A_42, %dma_start3A_69] : memref<40x128xi32, #tpu.memory_space<vmem>> -> memref<1x128xi32, #tpu.memory_space<vmem>>
          %dma_start3A_71 = tpu.memref_squeeze %dma_start3A_70 : memref<1x128xi32, #tpu.memory_space<vmem>> -> memref<128xi32, #tpu.memory_space<vmem>>
          %dma_start3A_72 = arith.constant 0 : i32
          %dma_start3A_73 = arith.constant 0 : i32
          %dma_start3A_74 = tpu.memref_slice %arg11[%dma_start3A_72, %dma_start3A_73] : memref<10240x128xf32, #tpu.memory_space<vmem_shared>> -> memref<10240x128xf32, #tpu.memory_space<vmem_shared>>
          tpu.enqueue_indirect_dma source(%arg9 : memref<128x128xf32, #tpu.memory_space<vmem>>) target(%dma_start3A_74 : memref<10240x128xf32, #tpu.memory_space<vmem_shared>>) offsets(%dma_start3A_71 : memref<128xi32, #tpu.memory_space<vmem>>) semaphore(%run_scoped3A : memref<!tpu.dma_semaphore, #tpu.memory_space<semaphore_mem>>) {add = true}
          %dma_wait3A_75 = arith.constant 0 : i32
          %dma_wait3A_76 = tpu.memref_slice %arg8[%multiple_of3A_42, %dma_wait3A_75] : memref<40x128xi32, #tpu.memory_space<vmem>> -> memref<1x128xi32, #tpu.memory_space<vmem>>
          %dma_wait3A_77 = tpu.memref_squeeze %dma_wait3A_76 : memref<1x128xi32, #tpu.memory_space<vmem>> -> memref<128xi32, #tpu.memory_space<vmem>>
          %dma_wait3A_78 = arith.constant 0 : i32
          %dma_wait3A_79 = arith.constant 0 : i32
          %dma_wait3A_80 = tpu.memref_slice %arg11[%dma_wait3A_78, %dma_wait3A_79] : memref<10240x128xf32, #tpu.memory_space<vmem_shared>> -> memref<10240x128xf32, #tpu.memory_space<vmem_shared>>
          tpu.wait_indirect_dma semaphore(%run_scoped3A : memref<!tpu.dma_semaphore, #tpu.memory_space<semaphore_mem>>) src(%arg9 : memref<128x128xf32, #tpu.memory_space<vmem>>) dst(%dma_wait3A_80 : memref<10240x128xf32, #tpu.memory_space<vmem_shared>>)
          tpu.yield
        }) : () -> ()
        %add3A_48 = arith.constant 2 : i32
        %add3A_49 = arith.addi %multiple_of3A_42, %add3A_48 : i32
        %lt3A = arith.constant 40 : i32
        %lt3A_50 = arith.cmpi slt, %add3A_49, %lt3A : i32
        %convert_element_type3A_51 = arith.extui %lt3A_50 : i1 to i32
        %cond3A_52 = arith.constant 0 : i32
        %cond3A_53 = arith.cmpi ne, %convert_element_type3A_51, %cond3A_52 : i32
        scf.if %cond3A_53 {
          %add3A_69 = arith.constant 2 : i32
          %add3A_70 = arith.addi %multiple_of3A_42, %add3A_69 : i32
          %dma_start3A_71 = arith.constant 0 : i32
          %dma_start3A_72 = tpu.memref_slice %arg7[%add3A_70, %dma_start3A_71] : memref<40x128xi32, #tpu.memory_space<vmem>> -> memref<1x128xi32, #tpu.memory_space<vmem>>
          %dma_start3A_73 = tpu.memref_squeeze %dma_start3A_72 : memref<1x128xi32, #tpu.memory_space<vmem>> -> memref<128xi32, #tpu.memory_space<vmem>>
          %dma_start3A_74 = arith.constant 0 : i32
          %dma_start3A_75 = arith.constant 0 : i32
          %dma_start3A_76 = tpu.memref_slice %arg2[%dma_start3A_74, %dma_start3A_75] : memref<10240x128xf32, #tpu.memory_space<hbm>> -> memref<10240x128xf32, #tpu.memory_space<hbm>>
          tpu.enqueue_indirect_dma source(%dma_start3A_76 : memref<10240x128xf32, #tpu.memory_space<hbm>>) target(%arg9 : memref<128x128xf32, #tpu.memory_space<vmem>>) offsets(%dma_start3A_73 : memref<128xi32, #tpu.memory_space<vmem>>) semaphore(%arg12 : memref<!tpu.dma_semaphore, #tpu.memory_space<semaphore_mem>>)
        } else {
        }
        %add3A_54 = arith.constant 1 : i32
        %add3A_55 = arith.addi %multiple_of3A_42, %add3A_54 : i32
        %dma_wait3A_56 = arith.constant 0 : i32
        %dma_wait3A_57 = tpu.memref_slice %arg7[%add3A_55, %dma_wait3A_56] : memref<40x128xi32, #tpu.memory_space<vmem>> -> memref<1x128xi32, #tpu.memory_space<vmem>>
        %dma_wait3A_58 = tpu.memref_squeeze %dma_wait3A_57 : memref<1x128xi32, #tpu.memory_space<vmem>> -> memref<128xi32, #tpu.memory_space<vmem>>
        %dma_wait3A_59 = arith.constant 0 : i32
        %dma_wait3A_60 = arith.constant 0 : i32
        %dma_wait3A_61 = tpu.memref_slice %arg2[%dma_wait3A_59, %dma_wait3A_60] : memref<10240x128xf32, #tpu.memory_space<hbm>> -> memref<10240x128xf32, #tpu.memory_space<hbm>>
        tpu.wait_indirect_dma semaphore(%arg13 : memref<!tpu.dma_semaphore, #tpu.memory_space<semaphore_mem>>) src(%dma_wait3A_61 : memref<10240x128xf32, #tpu.memory_space<hbm>>) dst(%arg10 : memref<128x128xf32, #tpu.memory_space<vmem>>)
        "tpu.region"() ({
          %run_scoped3A = tpu.sem_alloc : memref<!tpu.dma_semaphore, #tpu.memory_space<semaphore_mem>>
          %dma_start3A_69 = arith.constant 0 : i32
          %dma_start3A_70 = tpu.memref_slice %arg8[%add3A_55, %dma_start3A_69] : memref<40x128xi32, #tpu.memory_space<vmem>> -> memref<1x128xi32, #tpu.memory_space<vmem>>
          %dma_start3A_71 = tpu.memref_squeeze %dma_start3A_70 : memref<1x128xi32, #tpu.memory_space<vmem>> -> memref<128xi32, #tpu.memory_space<vmem>>
          %dma_start3A_72 = arith.constant 0 : i32
          %dma_start3A_73 = arith.constant 0 : i32
          %dma_start3A_74 = tpu.memref_slice %arg11[%dma_start3A_72, %dma_start3A_73] : memref<10240x128xf32, #tpu.memory_space<vmem_shared>> -> memref<10240x128xf32, #tpu.memory_space<vmem_shared>>
          tpu.enqueue_indirect_dma source(%arg10 : memref<128x128xf32, #tpu.memory_space<vmem>>) target(%dma_start3A_74 : memref<10240x128xf32, #tpu.memory_space<vmem_shared>>) offsets(%dma_start3A_71 : memref<128xi32, #tpu.memory_space<vmem>>) semaphore(%run_scoped3A : memref<!tpu.dma_semaphore, #tpu.memory_space<semaphore_mem>>) {add = true}
          %dma_wait3A_75 = arith.constant 0 : i32
          %dma_wait3A_76 = tpu.memref_slice %arg8[%add3A_55, %dma_wait3A_75] : memref<40x128xi32, #tpu.memory_space<vmem>> -> memref<1x128xi32, #tpu.memory_space<vmem>>
          %dma_wait3A_77 = tpu.memref_squeeze %dma_wait3A_76 : memref<1x128xi32, #tpu.memory_space<vmem>> -> memref<128xi32, #tpu.memory_space<vmem>>
          %dma_wait3A_78 = arith.constant 0 : i32
          %dma_wait3A_79 = arith.constant 0 : i32
          %dma_wait3A_80 = tpu.memref_slice %arg11[%dma_wait3A_78, %dma_wait3A_79] : memref<10240x128xf32, #tpu.memory_space<vmem_shared>> -> memref<10240x128xf32, #tpu.memory_space<vmem_shared>>
          tpu.wait_indirect_dma semaphore(%run_scoped3A : memref<!tpu.dma_semaphore, #tpu.memory_space<semaphore_mem>>) src(%arg10 : memref<128x128xf32, #tpu.memory_space<vmem>>) dst(%dma_wait3A_80 : memref<10240x128xf32, #tpu.memory_space<vmem_shared>>)
          tpu.yield
        }) : () -> ()
        %add3A_62 = arith.constant 2 : i32
        %add3A_63 = arith.addi %add3A_55, %add3A_62 : i32
        %lt3A_64 = arith.constant 40 : i32
        %lt3A_65 = arith.cmpi slt, %add3A_63, %lt3A_64 : i32
        %convert_element_type3A_66 = arith.extui %lt3A_65 : i1 to i32
        %cond3A_67 = arith.constant 0 : i32
        %cond3A_68 = arith.cmpi ne, %convert_element_type3A_66, %cond3A_67 : i32
        scf.if %cond3A_68 {
          %add3A_69 = arith.constant 2 : i32
          %add3A_70 = arith.addi %add3A_55, %add3A_69 : i32
          %dma_start3A_71 = arith.constant 0 : i32
          %dma_start3A_72 = tpu.memref_slice %arg7[%add3A_70, %dma_start3A_71] : memref<40x128xi32, #tpu.memory_space<vmem>> -> memref<1x128xi32, #tpu.memory_space<vmem>>
          %dma_start3A_73 = tpu.memref_squeeze %dma_start3A_72 : memref<1x128xi32, #tpu.memory_space<vmem>> -> memref<128xi32, #tpu.memory_space<vmem>>
          %dma_start3A_74 = arith.constant 0 : i32
          %dma_start3A_75 = arith.constant 0 : i32
          %dma_start3A_76 = tpu.memref_slice %arg2[%dma_start3A_74, %dma_start3A_75] : memref<10240x128xf32, #tpu.memory_space<hbm>> -> memref<10240x128xf32, #tpu.memory_space<hbm>>
          tpu.enqueue_indirect_dma source(%dma_start3A_76 : memref<10240x128xf32, #tpu.memory_space<hbm>>) target(%arg10 : memref<128x128xf32, #tpu.memory_space<vmem>>) offsets(%dma_start3A_73 : memref<128xi32, #tpu.memory_space<vmem>>) semaphore(%arg13 : memref<!tpu.dma_semaphore, #tpu.memory_space<semaphore_mem>>)
        } else {
        }
      }
      %scan3A_38 = arith.constant 20 : i32
    } else {
    }
    %gt3A_13 = arith.constant 2 : i32
    %gt3A_14 = arith.cmpi sgt, %sub3A_3, %gt3A_13 : i32
    %convert_element_type3A_15 = arith.extui %gt3A_14 : i1 to i32
    %cond3A_16 = arith.constant 0 : i32
    %cond3A_17 = arith.cmpi ne, %convert_element_type3A_15, %cond3A_16 : i32
    scf.if %cond3A_17 {
      %add3A = arith.constant 80 : i32
      %add3A_19 = arith.addi %mul3A_5, %add3A : i32
      %multiple_of3A_20 = tpu.assume_multiple %add3A_19, 40 : i32
      "tpu.region"() ({
        %run_scoped3A = tpu.sem_alloc : memref<!tpu.dma_semaphore, #tpu.memory_space<semaphore_mem>>
        %dma_start3A_39 = arith.constant 0 : i32
        %dma_start3A_40 = tpu.memref_slice %arg3[%arg1, %multiple_of3A_20, %dma_start3A_39] : memref<16x160x128xi32, #tpu.memory_space<hbm>> -> memref<1x40x128xi32, #tpu.memory_space<hbm>>
        %dma_start3A_41 = tpu.memref_squeeze %dma_start3A_40 : memref<1x40x128xi32, #tpu.memory_space<hbm>> -> memref<40x128xi32, #tpu.memory_space<hbm>>
        %dma_start3A_42 = arith.constant 0 : i32
        %dma_start3A_43 = tpu.memref_slice %arg3[%arg1, %multiple_of3A_20, %dma_start3A_42] : memref<16x160x128xi32, #tpu.memory_space<hbm>> -> memref<1x40x128xi32, #tpu.memory_space<hbm>>
        %dma_start3A_44 = tpu.memref_squeeze %dma_start3A_43 : memref<1x40x128xi32, #tpu.memory_space<hbm>> -> memref<40x128xi32, #tpu.memory_space<hbm>>
        tpu.enqueue_dma source(%dma_start3A_44 : memref<40x128xi32, #tpu.memory_space<hbm>>) target(%arg7 : memref<40x128xi32, #tpu.memory_space<vmem>>) target_semaphore(%run_scoped3A : memref<!tpu.dma_semaphore, #tpu.memory_space<semaphore_mem>>)
        %dma_wait3A = arith.constant 0 : i32
        %dma_wait3A_45 = tpu.memref_slice %arg3[%arg1, %multiple_of3A_20, %dma_wait3A] : memref<16x160x128xi32, #tpu.memory_space<hbm>> -> memref<1x40x128xi32, #tpu.memory_space<hbm>>
        %dma_wait3A_46 = tpu.memref_squeeze %dma_wait3A_45 : memref<1x40x128xi32, #tpu.memory_space<hbm>> -> memref<40x128xi32, #tpu.memory_space<hbm>>
        %dma_wait3A_47 = arith.constant 0 : i32
        %dma_wait3A_48 = tpu.memref_slice %arg3[%arg1, %multiple_of3A_20, %dma_wait3A_47] : memref<16x160x128xi32, #tpu.memory_space<hbm>> -> memref<1x40x128xi32, #tpu.memory_space<hbm>>
        %dma_wait3A_49 = tpu.memref_squeeze %dma_wait3A_48 : memref<1x40x128xi32, #tpu.memory_space<hbm>> -> memref<40x128xi32, #tpu.memory_space<hbm>>
        tpu.wait_dma2 semaphore(%run_scoped3A : memref<!tpu.dma_semaphore, #tpu.memory_space<semaphore_mem>>) src(%dma_wait3A_49 : memref<40x128xi32, #tpu.memory_space<hbm>>) dst(%arg7 : memref<40x128xi32, #tpu.memory_space<vmem>>)
        tpu.yield
      }) : () -> ()
      "tpu.region"() ({
        %run_scoped3A = tpu.sem_alloc : memref<!tpu.dma_semaphore, #tpu.memory_space<semaphore_mem>>
        %dma_start3A_39 = arith.constant 0 : i32
        %dma_start3A_40 = tpu.memref_slice %arg4[%arg1, %multiple_of3A_20, %dma_start3A_39] : memref<16x160x128xi32, #tpu.memory_space<hbm>> -> memref<1x40x128xi32, #tpu.memory_space<hbm>>
        %dma_start3A_41 = tpu.memref_squeeze %dma_start3A_40 : memref<1x40x128xi32, #tpu.memory_space<hbm>> -> memref<40x128xi32, #tpu.memory_space<hbm>>
        %dma_start3A_42 = arith.constant 0 : i32
        %dma_start3A_43 = tpu.memref_slice %arg4[%arg1, %multiple_of3A_20, %dma_start3A_42] : memref<16x160x128xi32, #tpu.memory_space<hbm>> -> memref<1x40x128xi32, #tpu.memory_space<hbm>>
        %dma_start3A_44 = tpu.memref_squeeze %dma_start3A_43 : memref<1x40x128xi32, #tpu.memory_space<hbm>> -> memref<40x128xi32, #tpu.memory_space<hbm>>
        tpu.enqueue_dma source(%dma_start3A_44 : memref<40x128xi32, #tpu.memory_space<hbm>>) target(%arg8 : memref<40x128xi32, #tpu.memory_space<vmem>>) target_semaphore(%run_scoped3A : memref<!tpu.dma_semaphore, #tpu.memory_space<semaphore_mem>>)
        %dma_wait3A = arith.constant 0 : i32
        %dma_wait3A_45 = tpu.memref_slice %arg4[%arg1, %multiple_of3A_20, %dma_wait3A] : memref<16x160x128xi32, #tpu.memory_space<hbm>> -> memref<1x40x128xi32, #tpu.memory_space<hbm>>
        %dma_wait3A_46 = tpu.memref_squeeze %dma_wait3A_45 : memref<1x40x128xi32, #tpu.memory_space<hbm>> -> memref<40x128xi32, #tpu.memory_space<hbm>>
        %dma_wait3A_47 = arith.constant 0 : i32
        %dma_wait3A_48 = tpu.memref_slice %arg4[%arg1, %multiple_of3A_20, %dma_wait3A_47] : memref<16x160x128xi32, #tpu.memory_space<hbm>> -> memref<1x40x128xi32, #tpu.memory_space<hbm>>
        %dma_wait3A_49 = tpu.memref_squeeze %dma_wait3A_48 : memref<1x40x128xi32, #tpu.memory_space<hbm>> -> memref<40x128xi32, #tpu.memory_space<hbm>>
        tpu.wait_dma2 semaphore(%run_scoped3A : memref<!tpu.dma_semaphore, #tpu.memory_space<semaphore_mem>>) src(%dma_wait3A_49 : memref<40x128xi32, #tpu.memory_space<hbm>>) dst(%arg8 : memref<40x128xi32, #tpu.memory_space<vmem>>)
        tpu.yield
      }) : () -> ()
      %dma_start3A = arith.constant 0 : i32
      %dma_start3A_21 = arith.constant 0 : i32
      %dma_start3A_22 = tpu.memref_slice %arg7[%dma_start3A, %dma_start3A_21] : memref<40x128xi32, #tpu.memory_space<vmem>> -> memref<1x128xi32, #tpu.memory_space<vmem>>
      %dma_start3A_23 = tpu.memref_squeeze %dma_start3A_22 : memref<1x128xi32, #tpu.memory_space<vmem>> -> memref<128xi32, #tpu.memory_space<vmem>>
      %dma_start3A_24 = arith.constant 0 : i32
      %dma_start3A_25 = arith.constant 0 : i32
      %dma_start3A_26 = tpu.memref_slice %arg2[%dma_start3A_24, %dma_start3A_25] : memref<10240x128xf32, #tpu.memory_space<hbm>> -> memref<10240x128xf32, #tpu.memory_space<hbm>>
      tpu.enqueue_indirect_dma source(%dma_start3A_26 : memref<10240x128xf32, #tpu.memory_space<hbm>>) target(%arg9 : memref<128x128xf32, #tpu.memory_space<vmem>>) offsets(%dma_start3A_23 : memref<128xi32, #tpu.memory_space<vmem>>) semaphore(%arg12 : memref<!tpu.dma_semaphore, #tpu.memory_space<semaphore_mem>>)
      %dma_start3A_27 = arith.constant 1 : i32
      %dma_start3A_28 = arith.constant 0 : i32
      %dma_start3A_29 = tpu.memref_slice %arg7[%dma_start3A_27, %dma_start3A_28] : memref<40x128xi32, #tpu.memory_space<vmem>> -> memref<1x128xi32, #tpu.memory_space<vmem>>
      %dma_start3A_30 = tpu.memref_squeeze %dma_start3A_29 : memref<1x128xi32, #tpu.memory_space<vmem>> -> memref<128xi32, #tpu.memory_space<vmem>>
      %dma_start3A_31 = arith.constant 0 : i32
      %dma_start3A_32 = arith.constant 0 : i32
      %dma_start3A_33 = tpu.memref_slice %arg2[%dma_start3A_31, %dma_start3A_32] : memref<10240x128xf32, #tpu.memory_space<hbm>> -> memref<10240x128xf32, #tpu.memory_space<hbm>>
      tpu.enqueue_indirect_dma source(%dma_start3A_33 : memref<10240x128xf32, #tpu.memory_space<hbm>>) target(%arg10 : memref<128x128xf32, #tpu.memory_space<vmem>>) offsets(%dma_start3A_30 : memref<128xi32, #tpu.memory_space<vmem>>) semaphore(%arg13 : memref<!tpu.dma_semaphore, #tpu.memory_space<semaphore_mem>>)
      %scan3A = arith.constant 0 : i32
      %scan3A_34 = arith.constant 0 : i32
      %scan3A_35 = arith.constant 20 : i32
      %scan3A_36 = arith.addi %scan3A_34, %scan3A_35 : i32
      %scan3A_37 = arith.constant 1 : i32
      scf.for %scan3A_39 = %scan3A_34 to %scan3A_36 step %scan3A_37  : i32 {
        %mul3A_40 = arith.constant 2 : i32
        %mul3A_41 = arith.muli %scan3A_39, %mul3A_40 : i32
        %multiple_of3A_42 = tpu.assume_multiple %mul3A_41, 2 : i32
        %dma_wait3A = arith.constant 0 : i32
        %dma_wait3A_43 = tpu.memref_slice %arg7[%multiple_of3A_42, %dma_wait3A] : memref<40x128xi32, #tpu.memory_space<vmem>> -> memref<1x128xi32, #tpu.memory_space<vmem>>
        %dma_wait3A_44 = tpu.memref_squeeze %dma_wait3A_43 : memref<1x128xi32, #tpu.memory_space<vmem>> -> memref<128xi32, #tpu.memory_space<vmem>>
        %dma_wait3A_45 = arith.constant 0 : i32
        %dma_wait3A_46 = arith.constant 0 : i32
        %dma_wait3A_47 = tpu.memref_slice %arg2[%dma_wait3A_45, %dma_wait3A_46] : memref<10240x128xf32, #tpu.memory_space<hbm>> -> memref<10240x128xf32, #tpu.memory_space<hbm>>
        tpu.wait_indirect_dma semaphore(%arg12 : memref<!tpu.dma_semaphore, #tpu.memory_space<semaphore_mem>>) src(%dma_wait3A_47 : memref<10240x128xf32, #tpu.memory_space<hbm>>) dst(%arg9 : memref<128x128xf32, #tpu.memory_space<vmem>>)
        "tpu.region"() ({
          %run_scoped3A = tpu.sem_alloc : memref<!tpu.dma_semaphore, #tpu.memory_space<semaphore_mem>>
          %dma_start3A_69 = arith.constant 0 : i32
          %dma_start3A_70 = tpu.memref_slice %arg8[%multiple_of3A_42, %dma_start3A_69] : memref<40x128xi32, #tpu.memory_space<vmem>> -> memref<1x128xi32, #tpu.memory_space<vmem>>
          %dma_start3A_71 = tpu.memref_squeeze %dma_start3A_70 : memref<1x128xi32, #tpu.memory_space<vmem>> -> memref<128xi32, #tpu.memory_space<vmem>>
          %dma_start3A_72 = arith.constant 0 : i32
          %dma_start3A_73 = arith.constant 0 : i32
          %dma_start3A_74 = tpu.memref_slice %arg11[%dma_start3A_72, %dma_start3A_73] : memref<10240x128xf32, #tpu.memory_space<vmem_shared>> -> memref<10240x128xf32, #tpu.memory_space<vmem_shared>>
          tpu.enqueue_indirect_dma source(%arg9 : memref<128x128xf32, #tpu.memory_space<vmem>>) target(%dma_start3A_74 : memref<10240x128xf32, #tpu.memory_space<vmem_shared>>) offsets(%dma_start3A_71 : memref<128xi32, #tpu.memory_space<vmem>>) semaphore(%run_scoped3A : memref<!tpu.dma_semaphore, #tpu.memory_space<semaphore_mem>>) {add = true}
          %dma_wait3A_75 = arith.constant 0 : i32
          %dma_wait3A_76 = tpu.memref_slice %arg8[%multiple_of3A_42, %dma_wait3A_75] : memref<40x128xi32, #tpu.memory_space<vmem>> -> memref<1x128xi32, #tpu.memory_space<vmem>>
          %dma_wait3A_77 = tpu.memref_squeeze %dma_wait3A_76 : memref<1x128xi32, #tpu.memory_space<vmem>> -> memref<128xi32, #tpu.memory_space<vmem>>
          %dma_wait3A_78 = arith.constant 0 : i32
          %dma_wait3A_79 = arith.constant 0 : i32
          %dma_wait3A_80 = tpu.memref_slice %arg11[%dma_wait3A_78, %dma_wait3A_79] : memref<10240x128xf32, #tpu.memory_space<vmem_shared>> -> memref<10240x128xf32, #tpu.memory_space<vmem_shared>>
          tpu.wait_indirect_dma semaphore(%run_scoped3A : memref<!tpu.dma_semaphore, #tpu.memory_space<semaphore_mem>>) src(%arg9 : memref<128x128xf32, #tpu.memory_space<vmem>>) dst(%dma_wait3A_80 : memref<10240x128xf32, #tpu.memory_space<vmem_shared>>)
          tpu.yield
        }) : () -> ()
        %add3A_48 = arith.constant 2 : i32
        %add3A_49 = arith.addi %multiple_of3A_42, %add3A_48 : i32
        %lt3A = arith.constant 40 : i32
        %lt3A_50 = arith.cmpi slt, %add3A_49, %lt3A : i32
        %convert_element_type3A_51 = arith.extui %lt3A_50 : i1 to i32
        %cond3A_52 = arith.constant 0 : i32
        %cond3A_53 = arith.cmpi ne, %convert_element_type3A_51, %cond3A_52 : i32
        scf.if %cond3A_53 {
          %add3A_69 = arith.constant 2 : i32
          %add3A_70 = arith.addi %multiple_of3A_42, %add3A_69 : i32
          %dma_start3A_71 = arith.constant 0 : i32
          %dma_start3A_72 = tpu.memref_slice %arg7[%add3A_70, %dma_start3A_71] : memref<40x128xi32, #tpu.memory_space<vmem>> -> memref<1x128xi32, #tpu.memory_space<vmem>>
          %dma_start3A_73 = tpu.memref_squeeze %dma_start3A_72 : memref<1x128xi32, #tpu.memory_space<vmem>> -> memref<128xi32, #tpu.memory_space<vmem>>
          %dma_start3A_74 = arith.constant 0 : i32
          %dma_start3A_75 = arith.constant 0 : i32
          %dma_start3A_76 = tpu.memref_slice %arg2[%dma_start3A_74, %dma_start3A_75] : memref<10240x128xf32, #tpu.memory_space<hbm>> -> memref<10240x128xf32, #tpu.memory_space<hbm>>
          tpu.enqueue_indirect_dma source(%dma_start3A_76 : memref<10240x128xf32, #tpu.memory_space<hbm>>) target(%arg9 : memref<128x128xf32, #tpu.memory_space<vmem>>) offsets(%dma_start3A_73 : memref<128xi32, #tpu.memory_space<vmem>>) semaphore(%arg12 : memref<!tpu.dma_semaphore, #tpu.memory_space<semaphore_mem>>)
        } else {
        }
        %add3A_54 = arith.constant 1 : i32
        %add3A_55 = arith.addi %multiple_of3A_42, %add3A_54 : i32
        %dma_wait3A_56 = arith.constant 0 : i32
        %dma_wait3A_57 = tpu.memref_slice %arg7[%add3A_55, %dma_wait3A_56] : memref<40x128xi32, #tpu.memory_space<vmem>> -> memref<1x128xi32, #tpu.memory_space<vmem>>
        %dma_wait3A_58 = tpu.memref_squeeze %dma_wait3A_57 : memref<1x128xi32, #tpu.memory_space<vmem>> -> memref<128xi32, #tpu.memory_space<vmem>>
        %dma_wait3A_59 = arith.constant 0 : i32
        %dma_wait3A_60 = arith.constant 0 : i32
        %dma_wait3A_61 = tpu.memref_slice %arg2[%dma_wait3A_59, %dma_wait3A_60] : memref<10240x128xf32, #tpu.memory_space<hbm>> -> memref<10240x128xf32, #tpu.memory_space<hbm>>
        tpu.wait_indirect_dma semaphore(%arg13 : memref<!tpu.dma_semaphore, #tpu.memory_space<semaphore_mem>>) src(%dma_wait3A_61 : memref<10240x128xf32, #tpu.memory_space<hbm>>) dst(%arg10 : memref<128x128xf32, #tpu.memory_space<vmem>>)
        "tpu.region"() ({
          %run_scoped3A = tpu.sem_alloc : memref<!tpu.dma_semaphore, #tpu.memory_space<semaphore_mem>>
          %dma_start3A_69 = arith.constant 0 : i32
          %dma_start3A_70 = tpu.memref_slice %arg8[%add3A_55, %dma_start3A_69] : memref<40x128xi32, #tpu.memory_space<vmem>> -> memref<1x128xi32, #tpu.memory_space<vmem>>
          %dma_start3A_71 = tpu.memref_squeeze %dma_start3A_70 : memref<1x128xi32, #tpu.memory_space<vmem>> -> memref<128xi32, #tpu.memory_space<vmem>>
          %dma_start3A_72 = arith.constant 0 : i32
          %dma_start3A_73 = arith.constant 0 : i32
          %dma_start3A_74 = tpu.memref_slice %arg11[%dma_start3A_72, %dma_start3A_73] : memref<10240x128xf32, #tpu.memory_space<vmem_shared>> -> memref<10240x128xf32, #tpu.memory_space<vmem_shared>>
          tpu.enqueue_indirect_dma source(%arg10 : memref<128x128xf32, #tpu.memory_space<vmem>>) target(%dma_start3A_74 : memref<10240x128xf32, #tpu.memory_space<vmem_shared>>) offsets(%dma_start3A_71 : memref<128xi32, #tpu.memory_space<vmem>>) semaphore(%run_scoped3A : memref<!tpu.dma_semaphore, #tpu.memory_space<semaphore_mem>>) {add = true}
          %dma_wait3A_75 = arith.constant 0 : i32
          %dma_wait3A_76 = tpu.memref_slice %arg8[%add3A_55, %dma_wait3A_75] : memref<40x128xi32, #tpu.memory_space<vmem>> -> memref<1x128xi32, #tpu.memory_space<vmem>>
          %dma_wait3A_77 = tpu.memref_squeeze %dma_wait3A_76 : memref<1x128xi32, #tpu.memory_space<vmem>> -> memref<128xi32, #tpu.memory_space<vmem>>
          %dma_wait3A_78 = arith.constant 0 : i32
          %dma_wait3A_79 = arith.constant 0 : i32
          %dma_wait3A_80 = tpu.memref_slice %arg11[%dma_wait3A_78, %dma_wait3A_79] : memref<10240x128xf32, #tpu.memory_space<vmem_shared>> -> memref<10240x128xf32, #tpu.memory_space<vmem_shared>>
          tpu.wait_indirect_dma semaphore(%run_scoped3A : memref<!tpu.dma_semaphore, #tpu.memory_space<semaphore_mem>>) src(%arg10 : memref<128x128xf32, #tpu.memory_space<vmem>>) dst(%dma_wait3A_80 : memref<10240x128xf32, #tpu.memory_space<vmem_shared>>)
          tpu.yield
        }) : () -> ()
        %add3A_62 = arith.constant 2 : i32
        %add3A_63 = arith.addi %add3A_55, %add3A_62 : i32
        %lt3A_64 = arith.constant 40 : i32
        %lt3A_65 = arith.cmpi slt, %add3A_63, %lt3A_64 : i32
        %convert_element_type3A_66 = arith.extui %lt3A_65 : i1 to i32
        %cond3A_67 = arith.constant 0 : i32
        %cond3A_68 = arith.cmpi ne, %convert_element_type3A_66, %cond3A_67 : i32
        scf.if %cond3A_68 {
          %add3A_69 = arith.constant 2 : i32
          %add3A_70 = arith.addi %add3A_55, %add3A_69 : i32
          %dma_start3A_71 = arith.constant 0 : i32
          %dma_start3A_72 = tpu.memref_slice %arg7[%add3A_70, %dma_start3A_71] : memref<40x128xi32, #tpu.memory_space<vmem>> -> memref<1x128xi32, #tpu.memory_space<vmem>>
          %dma_start3A_73 = tpu.memref_squeeze %dma_start3A_72 : memref<1x128xi32, #tpu.memory_space<vmem>> -> memref<128xi32, #tpu.memory_space<vmem>>
          %dma_start3A_74 = arith.constant 0 : i32
          %dma_start3A_75 = arith.constant 0 : i32
          %dma_start3A_76 = tpu.memref_slice %arg2[%dma_start3A_74, %dma_start3A_75] : memref<10240x128xf32, #tpu.memory_space<hbm>> -> memref<10240x128xf32, #tpu.memory_space<hbm>>
          tpu.enqueue_indirect_dma source(%dma_start3A_76 : memref<10240x128xf32, #tpu.memory_space<hbm>>) target(%arg10 : memref<128x128xf32, #tpu.memory_space<vmem>>) offsets(%dma_start3A_73 : memref<128xi32, #tpu.memory_space<vmem>>) semaphore(%arg13 : memref<!tpu.dma_semaphore, #tpu.memory_space<semaphore_mem>>)
        } else {
        }
      }
      %scan3A_38 = arith.constant 20 : i32
    } else {
    }
    %barrier3A_18 = arith.constant 0 : index
    tpu.barrier barrier_id(%barrier3A_18)
    "tpu.region"() ({
      %run_scoped3A = tpu.sem_alloc : memref<!tpu.dma_semaphore, #tpu.memory_space<semaphore_mem>>
      %dma_start3A = arith.constant 0 : i32
      %dma_start3A_19 = tpu.memref_slice %arg6[%arg0, %multiple_of3A, %dma_start3A] : memref<2x10240x128xf32, #tpu.memory_space<hbm>> -> memref<1x640x128xf32, #tpu.memory_space<hbm>>
      %dma_start3A_20 = tpu.memref_squeeze %dma_start3A_19 : memref<1x640x128xf32, #tpu.memory_space<hbm>> -> memref<640x128xf32, #tpu.memory_space<hbm>>
      %dma_start3A_21 = arith.constant 0 : i32
      %dma_start3A_22 = tpu.memref_slice %arg11[%multiple_of3A, %dma_start3A_21] : memref<10240x128xf32, #tpu.memory_space<vmem_shared>> -> memref<640x128xf32, #tpu.memory_space<vmem_shared>>
      tpu.enqueue_dma source(%dma_start3A_22 : memref<640x128xf32, #tpu.memory_space<vmem_shared>>) target(%dma_start3A_20 : memref<640x128xf32, #tpu.memory_space<hbm>>) target_semaphore(%run_scoped3A : memref<!tpu.dma_semaphore, #tpu.memory_space<semaphore_mem>>)
      %dma_wait3A = arith.constant 0 : i32
      %dma_wait3A_23 = tpu.memref_slice %arg6[%arg0, %multiple_of3A, %dma_wait3A] : memref<2x10240x128xf32, #tpu.memory_space<hbm>> -> memref<1x640x128xf32, #tpu.memory_space<hbm>>
      %dma_wait3A_24 = tpu.memref_squeeze %dma_wait3A_23 : memref<1x640x128xf32, #tpu.memory_space<hbm>> -> memref<640x128xf32, #tpu.memory_space<hbm>>
      %dma_wait3A_25 = arith.constant 0 : i32
      %dma_wait3A_26 = tpu.memref_slice %arg11[%multiple_of3A, %dma_wait3A_25] : memref<10240x128xf32, #tpu.memory_space<vmem_shared>> -> memref<640x128xf32, #tpu.memory_space<vmem_shared>>
      tpu.wait_dma2 semaphore(%run_scoped3A : memref<!tpu.dma_semaphore, #tpu.memory_space<semaphore_mem>>) src(%dma_wait3A_26 : memref<640x128xf32, #tpu.memory_space<vmem_shared>>) dst(%dma_wait3A_24 : memref<640x128xf32, #tpu.memory_space<hbm>>)
      tpu.yield
    }) : () -> ()
    return
  }
}

module attributes {stable_mosaic.version = 14 : i64} {
  func.func @_tc_enc_body(%arg0: i32, %arg1: memref<512x128xf32, #tpu.memory_space<vmem>>, %arg2: memref<2x512x128xf32, #tpu.memory_space<vmem>>, %arg3: memref<128x128xf32, #tpu.memory_space<vmem>>, %arg4: memref<1x128xf32, #tpu.memory_space<vmem>>, %arg5: memref<128x128xf32, #tpu.memory_space<vmem>>, %arg6: memref<1x128xf32, #tpu.memory_space<vmem>>, %arg7: memref<128x128xf32, #tpu.memory_space<vmem>>, %arg8: memref<512x128xf32, #tpu.memory_space<vmem>>) attributes {dimension_semantics = [#tpu.dimension_semantics<arbitrary>], iteration_bounds = array<i64: 20>, scalar_prefetch = 0 : i64, scratch_operands = 0 : i64, tpu.core_type = #tpu.core_type<tc>, window_params = [{transform_indices = @transform_0, window_bounds = array<i64: 512, 128>}, {transform_indices = @transform_1, window_bounds = array<i64: 2, 512, 128>}, {pipeline_mode = #tpu.pipeline_mode<synchronous>, transform_indices = @transform_2, window_bounds = array<i64: 128, 128>}, {pipeline_mode = #tpu.pipeline_mode<synchronous>, transform_indices = @transform_3, window_bounds = array<i64: 1, 128>}, {pipeline_mode = #tpu.pipeline_mode<synchronous>, transform_indices = @transform_4, window_bounds = array<i64: 128, 128>}, {pipeline_mode = #tpu.pipeline_mode<synchronous>, transform_indices = @transform_5, window_bounds = array<i64: 1, 128>}, {pipeline_mode = #tpu.pipeline_mode<synchronous>, transform_indices = @transform_6, window_bounds = array<i64: 128, 128>}, {transform_indices = @transform_7, window_bounds = array<i64: 512, 128>}]} {
    %get3A = arith.constant 0 : index
    %get3A_0 = arith.constant 0 : index
    %get3A_1 = arith.constant 0 : index
    %get3A_2 = vector.load %arg2[%get3A, %get3A_0, %get3A_1] : memref<2x512x128xf32, #tpu.memory_space<vmem>>, vector<2x512x128xf32>
    %reduce_sum3A = arith.constant dense<0.000000e+00> : vector<512x128xf32>
    %reduce_sum3A_3 = vector.multi_reduction <add>, %get3A_2, %reduce_sum3A [0] : vector<2x512x128xf32> to vector<512x128xf32>
    %reduce_sum3A_4 = arith.constant dense<0.000000e+00> : vector<512xf32>
    %reduce_sum3A_5 = vector.multi_reduction <add>, %reduce_sum3A_3, %reduce_sum3A_4 [1] : vector<512x128xf32> to vector<512xf32>
    %broadcast_in_dim3A = vector.shape_cast %reduce_sum3A_5 : vector<512xf32> to vector<512x1xf32>
    %mul3A = arith.constant 7.812500e-03 : f32
    %mul3A_6 = vector.broadcast %mul3A : f32 to vector<512x1xf32>
    %mul3A_7 = arith.mulf %broadcast_in_dim3A, %mul3A_6 : vector<512x1xf32>
    %add3A = arith.constant 1.000000e+00 : f32
    %add3A_8 = vector.broadcast %add3A : f32 to vector<512x1xf32>
    %add3A_9 = arith.addf %add3A_8, %mul3A_7 : vector<512x1xf32>
    %rsqrt3A = math.rsqrt %add3A_9 : vector<512x1xf32>
    %get3A_10 = arith.constant 0 : index
    %get3A_11 = arith.constant 0 : index
    %get3A_12 = vector.load %arg1[%get3A_10, %get3A_11] : memref<512x128xf32, #tpu.memory_space<vmem>>, vector<512x128xf32>
    %get3A_13 = arith.constant 0 : index
    %get3A_14 = arith.constant 0 : index
    %get3A_15 = vector.load %arg3[%get3A_13, %get3A_14] : memref<128x128xf32, #tpu.memory_space<vmem>>, vector<128x128xf32>
    %dot_general3A = arith.constant dense<0.000000e+00> : vector<512x128xf32>
    %dot_general3A_16 = tpu.matmul %get3A_12, %get3A_15, %dot_general3A {dimension_numbers = #tpu.dot_dimension_numbers<[1], [0], [0], [1], [0, 0, 1, 1], [], []>, transpose_lhs_hint = false} : vector<512x128xf32>, vector<128x128xf32>, vector<512x128xf32> -> vector<512x128xf32>
    %get3A_17 = arith.constant 0 : index
    %get3A_18 = arith.constant 0 : index
    %get3A_19 = vector.load %arg4[%get3A_17, %get3A_18] : memref<1x128xf32, #tpu.memory_space<vmem>>, vector<1x128xf32>
    %add3A_20 = vector.broadcast %get3A_19 : vector<1x128xf32> to vector<512x128xf32>
    %add3A_21 = arith.addf %dot_general3A_16, %add3A_20 : vector<512x128xf32>
    %max3A = arith.constant 0.000000e+00 : f32
    %max3A_22 = vector.broadcast %max3A : f32 to vector<512x128xf32>
    %max3A_23 = arith.maximumf %add3A_21, %max3A_22 : vector<512x128xf32>
    %get3A_24 = arith.constant 0 : index
    %get3A_25 = arith.constant 0 : index
    %get3A_26 = vector.load %arg5[%get3A_24, %get3A_25] : memref<128x128xf32, #tpu.memory_space<vmem>>, vector<128x128xf32>
    %dot_general3A_27 = arith.constant dense<0.000000e+00> : vector<512x128xf32>
    %dot_general3A_28 = tpu.matmul %max3A_23, %get3A_26, %dot_general3A_27 {dimension_numbers = #tpu.dot_dimension_numbers<[1], [0], [0], [1], [0, 0, 1, 1], [], []>, transpose_lhs_hint = false} : vector<512x128xf32>, vector<128x128xf32>, vector<512x128xf32> -> vector<512x128xf32>
    %get3A_29 = arith.constant 0 : index
    %get3A_30 = arith.constant 0 : index
    %get3A_31 = vector.load %arg6[%get3A_29, %get3A_30] : memref<1x128xf32, #tpu.memory_space<vmem>>, vector<1x128xf32>
    %add3A_32 = vector.broadcast %get3A_31 : vector<1x128xf32> to vector<512x128xf32>
    %add3A_33 = arith.addf %dot_general3A_28, %add3A_32 : vector<512x128xf32>
    %get3A_34 = arith.constant 0 : index
    %get3A_35 = arith.constant 0 : index
    %get3A_36 = vector.load %arg7[%get3A_34, %get3A_35] : memref<128x128xf32, #tpu.memory_space<vmem>>, vector<128x128xf32>
    %dot_general3A_37 = arith.constant dense<0.000000e+00> : vector<512x128xf32>
    %dot_general3A_38 = tpu.matmul %add3A_33, %get3A_36, %dot_general3A_37 {dimension_numbers = #tpu.dot_dimension_numbers<[1], [0], [0], [1], [0, 0, 1, 1], [], []>, transpose_lhs_hint = false} : vector<512x128xf32>, vector<128x128xf32>, vector<512x128xf32> -> vector<512x128xf32>
    %mul3A_39 = vector.broadcast %rsqrt3A : vector<512x1xf32> to vector<512x128xf32>
    %mul3A_40 = arith.mulf %mul3A_39, %dot_general3A_38 : vector<512x128xf32>
    %swap3A = arith.constant 0 : index
    %swap3A_41 = arith.constant 0 : index
    %swap3A_42 = vector.load %arg8[%swap3A, %swap3A_41] : memref<512x128xf32, #tpu.memory_space<vmem>>, vector<512x128xf32>
    tpu.vector_store %arg8[%swap3A, %swap3A_41], %mul3A_40 {strides = array<i32>} : memref<512x128xf32, #tpu.memory_space<vmem>>, vector<512x128xf32>,
    return
  }
  func.func @transform_0(%arg0: i32) -> (i32, i32) {
    %c0_i32 = arith.constant 0 : i32
    %c0_i32_0 = arith.constant 0 : i32
    return %arg0, %c0_i32 : i32, i32
  }
  func.func @transform_1(%arg0: i32) -> (i32, i32, i32) {
    %c0_i32 = arith.constant 0 : i32
    %c0_i32_0 = arith.constant 0 : i32
    %c0_i32_1 = arith.constant 0 : i32
    return %c0_i32, %arg0, %c0_i32_0 : i32, i32, i32
  }
  func.func @transform_2(%arg0: i32) -> (i32, i32) {
    %c0_i32 = arith.constant 0 : i32
    %c0_i32_0 = arith.constant 0 : i32
    %c0_i32_1 = arith.constant 0 : i32
    return %c0_i32, %c0_i32_0 : i32, i32
  }
  func.func @transform_3(%arg0: i32) -> (i32, i32) {
    %c0_i32 = arith.constant 0 : i32
    %c0_i32_0 = arith.constant 0 : i32
    %c0_i32_1 = arith.constant 0 : i32
    return %c0_i32, %c0_i32_0 : i32, i32
  }
  func.func @transform_4(%arg0: i32) -> (i32, i32) {
    %c0_i32 = arith.constant 0 : i32
    %c0_i32_0 = arith.constant 0 : i32
    %c0_i32_1 = arith.constant 0 : i32
    return %c0_i32, %c0_i32_0 : i32, i32
  }
  func.func @transform_5(%arg0: i32) -> (i32, i32) {
    %c0_i32 = arith.constant 0 : i32
    %c0_i32_0 = arith.constant 0 : i32
    %c0_i32_1 = arith.constant 0 : i32
    return %c0_i32, %c0_i32_0 : i32, i32
  }
  func.func @transform_6(%arg0: i32) -> (i32, i32) {
    %c0_i32 = arith.constant 0 : i32
    %c0_i32_0 = arith.constant 0 : i32
    %c0_i32_1 = arith.constant 0 : i32
    return %c0_i32, %c0_i32_0 : i32, i32
  }
  func.func @transform_7(%arg0: i32) -> (i32, i32) {
    %c0_i32 = arith.constant 0 : i32
    %c0_i32_0 = arith.constant 0 : i32
    return %arg0, %c0_i32 : i32, i32
  }
}

module attributes {stable_mosaic.version = 14 : i64} {
  func.func @_tc_layer_body(%arg0: i32, %arg1: memref<2x512x128xf32, #tpu.memory_space<vmem>>, %arg2: memref<512x128xf32, #tpu.memory_space<vmem>>, %arg3: memref<2x512x128xf32, #tpu.memory_space<vmem>>, %arg4: memref<1x128xf32, #tpu.memory_space<vmem>>, %arg5: memref<128x128xf32, #tpu.memory_space<vmem>>, %arg6: memref<512x128xf32, #tpu.memory_space<vmem>>) attributes {dimension_semantics = [#tpu.dimension_semantics<arbitrary>], iteration_bounds = array<i64: 20>, scalar_prefetch = 0 : i64, scratch_operands = 0 : i64, tpu.core_type = #tpu.core_type<tc>, window_params = [{transform_indices = @transform_0, window_bounds = array<i64: 2, 512, 128>}, {transform_indices = @transform_1, window_bounds = array<i64: 512, 128>}, {transform_indices = @transform_2, window_bounds = array<i64: 2, 512, 128>}, {pipeline_mode = #tpu.pipeline_mode<synchronous>, transform_indices = @transform_3, window_bounds = array<i64: 1, 128>}, {pipeline_mode = #tpu.pipeline_mode<synchronous>, transform_indices = @transform_4, window_bounds = array<i64: 128, 128>}, {transform_indices = @transform_5, window_bounds = array<i64: 512, 128>}]} {
    %get3A = arith.constant 0 : index
    %get3A_0 = arith.constant 0 : index
    %get3A_1 = arith.constant 0 : index
    %get3A_2 = vector.load %arg3[%get3A, %get3A_0, %get3A_1] : memref<2x512x128xf32, #tpu.memory_space<vmem>>, vector<2x512x128xf32>
    %reduce_sum3A = arith.constant dense<0.000000e+00> : vector<512x128xf32>
    %reduce_sum3A_3 = vector.multi_reduction <add>, %get3A_2, %reduce_sum3A [0] : vector<2x512x128xf32> to vector<512x128xf32>
    %reduce_sum3A_4 = arith.constant dense<0.000000e+00> : vector<512xf32>
    %reduce_sum3A_5 = vector.multi_reduction <add>, %reduce_sum3A_3, %reduce_sum3A_4 [1] : vector<512x128xf32> to vector<512xf32>
    %broadcast_in_dim3A = vector.shape_cast %reduce_sum3A_5 : vector<512xf32> to vector<512x1xf32>
    %mul3A = arith.constant 7.812500e-03 : f32
    %mul3A_6 = vector.broadcast %mul3A : f32 to vector<512x1xf32>
    %mul3A_7 = arith.mulf %broadcast_in_dim3A, %mul3A_6 : vector<512x1xf32>
    %add3A = arith.constant 1.000000e+00 : f32
    %add3A_8 = vector.broadcast %add3A : f32 to vector<512x1xf32>
    %add3A_9 = arith.addf %add3A_8, %mul3A_7 : vector<512x1xf32>
    %rsqrt3A = math.rsqrt %add3A_9 : vector<512x1xf32>
    %get3A_10 = arith.constant 0 : index
    %get3A_11 = arith.constant 0 : index
    %get3A_12 = arith.constant 0 : index
    %get3A_13 = vector.load %arg1[%get3A_10, %get3A_11, %get3A_12] : memref<2x512x128xf32, #tpu.memory_space<vmem>>, vector<2x512x128xf32>
    %reduce_sum3A_14 = arith.constant dense<0.000000e+00> : vector<512x128xf32>
    %reduce_sum3A_15 = vector.multi_reduction <add>, %get3A_13, %reduce_sum3A_14 [0] : vector<2x512x128xf32> to vector<512x128xf32>
    %get3A_16 = arith.constant 0 : index
    %get3A_17 = arith.constant 0 : index
    %get3A_18 = vector.load %arg2[%get3A_16, %get3A_17] : memref<512x128xf32, #tpu.memory_space<vmem>>, vector<512x128xf32>
    %add3A_19 = arith.addf %reduce_sum3A_15, %get3A_18 : vector<512x128xf32>
    %mul3A_20 = vector.broadcast %rsqrt3A : vector<512x1xf32> to vector<512x128xf32>
    %mul3A_21 = arith.mulf %mul3A_20, %add3A_19 : vector<512x128xf32>
    %get3A_22 = arith.constant 0 : index
    %get3A_23 = arith.constant 0 : index
    %get3A_24 = vector.load %arg4[%get3A_22, %get3A_23] : memref<1x128xf32, #tpu.memory_space<vmem>>, vector<1x128xf32>
    %add3A_25 = vector.broadcast %get3A_24 : vector<1x128xf32> to vector<512x128xf32>
    %add3A_26 = arith.addf %mul3A_21, %add3A_25 : vector<512x128xf32>
    %max3A = arith.constant 0.000000e+00 : f32
    %max3A_27 = vector.broadcast %max3A : f32 to vector<512x128xf32>
    %max3A_28 = arith.maximumf %add3A_26, %max3A_27 : vector<512x128xf32>
    %get3A_29 = arith.constant 0 : index
    %get3A_30 = arith.constant 0 : index
    %get3A_31 = vector.load %arg5[%get3A_29, %get3A_30] : memref<128x128xf32, #tpu.memory_space<vmem>>, vector<128x128xf32>
    %dot_general3A = arith.constant dense<0.000000e+00> : vector<512x128xf32>
    %dot_general3A_32 = tpu.matmul %max3A_28, %get3A_31, %dot_general3A {dimension_numbers = #tpu.dot_dimension_numbers<[1], [0], [0], [1], [0, 0, 1, 1], [], []>, transpose_lhs_hint = false} : vector<512x128xf32>, vector<128x128xf32>, vector<512x128xf32> -> vector<512x128xf32>
    %mul3A_33 = vector.broadcast %rsqrt3A : vector<512x1xf32> to vector<512x128xf32>
    %mul3A_34 = arith.mulf %mul3A_33, %dot_general3A_32 : vector<512x128xf32>
    %swap3A = arith.constant 0 : index
    %swap3A_35 = arith.constant 0 : index
    %swap3A_36 = vector.load %arg6[%swap3A, %swap3A_35] : memref<512x128xf32, #tpu.memory_space<vmem>>, vector<512x128xf32>
    tpu.vector_store %arg6[%swap3A, %swap3A_35], %mul3A_34 {strides = array<i32>} : memref<512x128xf32, #tpu.memory_space<vmem>>, vector<512x128xf32>,
    return
  }
  func.func @transform_0(%arg0: i32) -> (i32, i32, i32) {
    %c0_i32 = arith.constant 0 : i32
    %c0_i32_0 = arith.constant 0 : i32
    %c0_i32_1 = arith.constant 0 : i32
    return %c0_i32, %arg0, %c0_i32_0 : i32, i32, i32
  }
  func.func @transform_1(%arg0: i32) -> (i32, i32) {
    %c0_i32 = arith.constant 0 : i32
    %c0_i32_0 = arith.constant 0 : i32
    return %arg0, %c0_i32 : i32, i32
  }
  func.func @transform_2(%arg0: i32) -> (i32, i32, i32) {
    %c0_i32 = arith.constant 0 : i32
    %c0_i32_0 = arith.constant 0 : i32
    %c0_i32_1 = arith.constant 0 : i32
    return %c0_i32, %arg0, %c0_i32_0 : i32, i32, i32
  }
  func.func @transform_3(%arg0: i32) -> (i32, i32) {
    %c0_i32 = arith.constant 0 : i32
    %c0_i32_0 = arith.constant 0 : i32
    %c0_i32_1 = arith.constant 0 : i32
    return %c0_i32, %c0_i32_0 : i32, i32
  }
  func.func @transform_4(%arg0: i32) -> (i32, i32) {
    %c0_i32 = arith.constant 0 : i32
    %c0_i32_0 = arith.constant 0 : i32
    %c0_i32_1 = arith.constant 0 : i32
    return %c0_i32, %c0_i32_0 : i32, i32
  }
  func.func @transform_5(%arg0: i32) -> (i32, i32) {
    %c0_i32 = arith.constant 0 : i32
    %c0_i32_0 = arith.constant 0 : i32
    return %arg0, %c0_i32 : i32, i32
  }
}

module attributes {stable_mosaic.version = 14 : i64} {
  func.func @_tc_final_body(%arg0: i32, %arg1: memref<2x512x128xf32, #tpu.memory_space<vmem>>, %arg2: memref<512x128xf32, #tpu.memory_space<vmem>>, %arg3: memref<2x512x128xf32, #tpu.memory_space<vmem>>, %arg4: memref<1x128xf32, #tpu.memory_space<vmem>>, %arg5: memref<512x128xf32, #tpu.memory_space<vmem>>) attributes {dimension_semantics = [#tpu.dimension_semantics<arbitrary>], iteration_bounds = array<i64: 20>, scalar_prefetch = 0 : i64, scratch_operands = 0 : i64, tpu.core_type = #tpu.core_type<tc>, window_params = [{transform_indices = @transform_0, window_bounds = array<i64: 2, 512, 128>}, {transform_indices = @transform_1, window_bounds = array<i64: 512, 128>}, {transform_indices = @transform_2, window_bounds = array<i64: 2, 512, 128>}, {pipeline_mode = #tpu.pipeline_mode<synchronous>, transform_indices = @transform_3, window_bounds = array<i64: 1, 128>}, {transform_indices = @transform_4, window_bounds = array<i64: 512, 128>}]} {
    %get3A = arith.constant 0 : index
    %get3A_0 = arith.constant 0 : index
    %get3A_1 = arith.constant 0 : index
    %get3A_2 = vector.load %arg3[%get3A, %get3A_0, %get3A_1] : memref<2x512x128xf32, #tpu.memory_space<vmem>>, vector<2x512x128xf32>
    %reduce_sum3A = arith.constant dense<0.000000e+00> : vector<512x128xf32>
    %reduce_sum3A_3 = vector.multi_reduction <add>, %get3A_2, %reduce_sum3A [0] : vector<2x512x128xf32> to vector<512x128xf32>
    %reduce_sum3A_4 = arith.constant dense<0.000000e+00> : vector<512xf32>
    %reduce_sum3A_5 = vector.multi_reduction <add>, %reduce_sum3A_3, %reduce_sum3A_4 [1] : vector<512x128xf32> to vector<512xf32>
    %broadcast_in_dim3A = vector.shape_cast %reduce_sum3A_5 : vector<512xf32> to vector<512x1xf32>
    %mul3A = arith.constant 7.812500e-03 : f32
    %mul3A_6 = vector.broadcast %mul3A : f32 to vector<512x1xf32>
    %mul3A_7 = arith.mulf %broadcast_in_dim3A, %mul3A_6 : vector<512x1xf32>
    %add3A = arith.constant 1.000000e+00 : f32
    %add3A_8 = vector.broadcast %add3A : f32 to vector<512x1xf32>
    %add3A_9 = arith.addf %add3A_8, %mul3A_7 : vector<512x1xf32>
    %rsqrt3A = math.rsqrt %add3A_9 : vector<512x1xf32>
    %get3A_10 = arith.constant 0 : index
    %get3A_11 = arith.constant 0 : index
    %get3A_12 = arith.constant 0 : index
    %get3A_13 = vector.load %arg1[%get3A_10, %get3A_11, %get3A_12] : memref<2x512x128xf32, #tpu.memory_space<vmem>>, vector<2x512x128xf32>
    %reduce_sum3A_14 = arith.constant dense<0.000000e+00> : vector<512x128xf32>
    %reduce_sum3A_15 = vector.multi_reduction <add>, %get3A_13, %reduce_sum3A_14 [0] : vector<2x512x128xf32> to vector<512x128xf32>
    %get3A_16 = arith.constant 0 : index
    %get3A_17 = arith.constant 0 : index
    %get3A_18 = vector.load %arg2[%get3A_16, %get3A_17] : memref<512x128xf32, #tpu.memory_space<vmem>>, vector<512x128xf32>
    %add3A_19 = arith.addf %reduce_sum3A_15, %get3A_18 : vector<512x128xf32>
    %mul3A_20 = vector.broadcast %rsqrt3A : vector<512x1xf32> to vector<512x128xf32>
    %mul3A_21 = arith.mulf %mul3A_20, %add3A_19 : vector<512x128xf32>
    %get3A_22 = arith.constant 0 : index
    %get3A_23 = arith.constant 0 : index
    %get3A_24 = vector.load %arg4[%get3A_22, %get3A_23] : memref<1x128xf32, #tpu.memory_space<vmem>>, vector<1x128xf32>
    %add3A_25 = vector.broadcast %get3A_24 : vector<1x128xf32> to vector<512x128xf32>
    %add3A_26 = arith.addf %mul3A_21, %add3A_25 : vector<512x128xf32>
    %max3A = arith.constant 0.000000e+00 : f32
    %max3A_27 = vector.broadcast %max3A : f32 to vector<512x128xf32>
    %max3A_28 = arith.maximumf %add3A_26, %max3A_27 : vector<512x128xf32>
    %swap3A = arith.constant 0 : index
    %swap3A_29 = arith.constant 0 : index
    %swap3A_30 = vector.load %arg5[%swap3A, %swap3A_29] : memref<512x128xf32, #tpu.memory_space<vmem>>, vector<512x128xf32>
    tpu.vector_store %arg5[%swap3A, %swap3A_29], %max3A_28 {strides = array<i32>} : memref<512x128xf32, #tpu.memory_space<vmem>>, vector<512x128xf32>,
    return
  }
  func.func @transform_0(%arg0: i32) -> (i32, i32, i32) {
    %c0_i32 = arith.constant 0 : i32
    %c0_i32_0 = arith.constant 0 : i32
    %c0_i32_1 = arith.constant 0 : i32
    return %c0_i32, %arg0, %c0_i32_0 : i32, i32, i32
  }
  func.func @transform_1(%arg0: i32) -> (i32, i32) {
    %c0_i32 = arith.constant 0 : i32
    %c0_i32_0 = arith.constant 0 : i32
    return %arg0, %c0_i32 : i32, i32
  }
  func.func @transform_2(%arg0: i32) -> (i32, i32, i32) {
    %c0_i32 = arith.constant 0 : i32
    %c0_i32_0 = arith.constant 0 : i32
    %c0_i32_1 = arith.constant 0 : i32
    return %c0_i32, %arg0, %c0_i32_0 : i32, i32, i32
  }
  func.func @transform_3(%arg0: i32) -> (i32, i32) {
    %c0_i32 = arith.constant 0 : i32
    %c0_i32_0 = arith.constant 0 : i32
    %c0_i32_1 = arith.constant 0 : i32
    return %c0_i32, %c0_i32_0 : i32, i32
  }
  func.func @transform_4(%arg0: i32) -> (i32, i32) {
    %c0_i32 = arith.constant 0 : i32
    %c0_i32_0 = arith.constant 0 : i32
    return %arg0, %c0_i32 : i32, i32
  }
}

</mosaic_0001>

<sc_bundles>
// kernel: kernel.10.cloned.1.call-start
scs
__scs_entry_jumppad:
0x0: {  	(pc) =	sbr.rel $0x88, $3  }
0x1: {  	(tag) =	ssettag $0x0;
	lr =	simm.s32 $0x1  }
0x2: {  	[smem:$0x3F95] =	sst lr;
	_ =	strace $0xD0000000  }
0x3: {  	_ = 	snop  }
0x4: {  	_ = 	snop  }
0x5: {  	_ = 	snop  }
0x6: {  	_ = 	snop  }
0x7: {  	_ = 	snop  }
__scs_overlays_trampoline_lowered:
0x8: {  	[smem:$0x3FA4] =	sst s0  }
0x9: {  	[smem:$0x3FA5] =	sst s1  }
0xa: {  	[smem:$0x3FA6] =	sst s2  }
0xb: {  	[smem:$0x3FA7] =	sst s3  }
0xc: {  	[smem:$0x3FA8] =	sst s4  }
0xd: {  	[smem:$0x3FA9] =	sst s5  }
0xe: {  	[smem:$0x3FAA] =	sst s6  }
0xf: {  	[smem:$0x3FAB] =	sst s7  }
0x10: {  	[smem:$0x3FAC] =	sst s8  }
0x11: {  	[smem:$0x3FAD] =	sst s9;
	s0 =	simm.s32 @!p0 $0x0  }
0x12: {  	s1 =	sld [smem:$0x3F93];
	s0 =	simm.s32 @p0 $0x1  }
0x13: {  	[smem:$0x3FAE] =	sst s0;
	s0 =	simm.s32 @!p1 $0x0  }
0x14: {  	s2 =	sld [smem:$0x3F92];
	s0 =	simm.s32 @p1 $0x1  }
0x15: {  	[smem:$0x3FAF] =	sst s0;
	s0 =	simm.s32 @!p2 $0x0  }
0x16: {  	s3 =	sld [smem:$0x3FDB];
	s0 =	simm.s32 @p2 $0x1  }
0x17: {  	s4 =	simm.s32 $0x1BF5;
	[smem:$0x3FB1] =	sst s0  }
0x18: {  	s0 =	sld [smem:$0x3F94];
	_ =	swait.ge [sflag:s4], $0x0  }
0x19: {  	s7 =	sld [smem:$0x3F95]  }
0x1a: {  	s8 =	sadd.s32 $0xFFFFE003, lr  }
0x1b: {  	s9 =	sadd.s32 $0xFFFFFEF7, lr;
	s5 =	simm.s32 $0xFFFFFFFF;
	p2 =	slt.u32 s8, $0xFFFFF086  }
0x1c: {  	p1 =	slt.u32 s9, $0xF7A;
	s5 =	simm.s32 @!p2 $0x0  }
0x1d: {  	s5 =	simm.s32 @p1 $0x1;
	p0 =	seq.s32 s7, s2  }
0x1e: {  	s7 =	smul.u32 @!p0 $0xF7A, s2;
	p2 =	seq.s32 @!p0 s5, $0x0  }
0x1f: {  	s9 =	smul.u32 $0xF7A, s1;
	s8 =	simm.s32 @!p0 $0x1BF5;
	p2 =	por !p2, p0  }
0x20: {  	[sflag:s8] =	ssyncset.s32 @!p0 $0xFFFFF086;
	s6 =	sadd.s32 @!p0 s3, s7;
	s7 =	simm.s32 @!p0 $0x108  }
0x21: {  	s3 =	sadd.s32 s3, s9;
	s6 =	sadd.s32 @!p0 $0x88, s6;
	s7 =	simm.s32 @p2 $0x1082  }
0x22: {  	[simem:s7], [sflag:s8] =	dma.local @!p0 [hbm:s6], $0xF7A  }
0x23: {  	s9 =	sor.u32 $0xD0000000, s2;
	s6 =	simm.s32 $0x108;
	_ =	swait.ge @!p0 [sflag:s8], $0x0  }
0x24: {  	s3 =	sadd.s32 $0x88, s3;
	s6 =	simm.s32 @!p1 $0x1082;
	[sflag:s4] =	ssyncset.s32 $0xFFFFF086  }
0x25: {  	[simem:s6], [sflag:s4] =	dma.local [hbm:s3], $0xF7A  }
0x26: {  	[smem:$0x3F95] =	sst s1;
	(tag) =	ssettag s2;
	_ =	strace s9  }
0x27: {  	s1 =	sld [smem:$0x3FA5]  }
0x28: {  	s2 =	sld [smem:$0x3FA6]  }
0x29: {  	s4 =	sld [smem:$0x3FA8]  }
0x2a: {  	p0 =	seq.s32 s5, $0x0;
	s5 =	sld [smem:$0x3FA9]  }
0x2b: {  	s6 =	sld [smem:$0x3FAA]  }
0x2c: {  	s7 =	sld [smem:$0x3FAB]  }
0x2d: {  	s3 =	simm.s32 $0x108;
	s8 =	sld [smem:$0x3FAC]  }
0x2e: {  	s3 =	simm.s32 @!p0 $0x1082;
	s9 =	sld [smem:$0x3FAD]  }
0x2f: {  	lr =	sadd.s32 s0, s3;
	s0 =	sld [smem:$0x3FA4]  }
0x30: {  	s3 =	sld [smem:$0x3FA7]  }
0x31: {  	[smem:$0x3FB0] =	sst s10  }
0x32: {  	s10 =	sld [smem:$0x3FAE];
	_ =	sdelay $0x3  }
0x33: {  	p0 =	seq.s32 s10, $0x1;
	s10 =	sld [smem:$0x3FB0];
	_ =	sdelay $0x3  }
0x34: {  	[smem:$0x3FB0] =	sst s10  }
0x35: {  	s10 =	sld [smem:$0x3FAF];
	_ =	sdelay $0x3  }
0x36: {  	p1 =	seq.s32 s10, $0x1;
	s10 =	sld [smem:$0x3FB0];
	_ =	sdelay $0x3  }
0x37: {  	[smem:$0x3FB0] =	sst s10  }
0x38: {  	s10 =	sld [smem:$0x3FB1]  }
0x39: {  	_ = 	snop;
	(pc) =	sbr.ind lr, $3  }
0x3a: {  	_ = 	snop  }
0x3b: {  	_ = 	snop  }
0x3c: {  	p2 =	seq.s32 s10, $0x1;
	s10 =	sld [smem:$0x3FB0]  }
0x3d: {  	_ =	shalt  }
0x3e: {  	_ =	shalt  }
0x3f: {  	_ =	shalt  }
0x40: {  	_ =	shalt  }
0x41: {  	_ =	shalt  }
0x42: {  	_ =	shalt  }
0x43: {  	_ =	shalt  }
0x44: {  	_ =	shalt  }
0x45: {  	_ =	shalt  }
0x46: {  	_ =	shalt  }
0x47: {  	_ =	shalt  }
0x48: {  	_ =	shalt  }
0x49: {  	_ =	shalt  }
0x4a: {  	_ =	shalt  }
0x4b: {  	_ =	shalt  }
0x4c: {  	_ =	shalt  }
0x4d: {  	_ =	shalt  }
0x4e: {  	_ =	shalt  }
0x4f: {  	_ =	shalt  }
0x50: {  	_ =	shalt  }
0x51: {  	_ =	shalt  }
0x52: {  	_ =	shalt  }
0x53: {  	_ =	shalt  }
0x54: {  	_ =	shalt  }
0x55: {  	_ =	shalt  }
0x56: {  	_ =	shalt  }
0x57: {  	_ =	shalt  }
0x58: {  	_ =	shalt  }
0x59: {  	_ =	shalt  }
0x5a: {  	_ =	shalt  }
0x5b: {  	_ =	shalt  }
0x5c: {  	_ =	shalt  }
0x5d: {  	_ =	shalt  }
0x5e: {  	_ =	shalt  }
0x5f: {  	_ =	shalt  }
0x60: {  	_ =	shalt  }
0x61: {  	_ =	shalt  }
0x62: {  	_ =	shalt  }
0x63: {  	_ =	shalt  }
0x64: {  	_ =	shalt  }
0x65: {  	_ =	shalt  }
0x66: {  	_ =	shalt  }
0x67: {  	_ =	shalt  }
0x68: {  	_ =	shalt  }
0x69: {  	_ =	shalt  }
0x6a: {  	_ =	shalt  }
0x6b: {  	_ =	shalt  }
0x6c: {  	_ =	shalt  }
0x6d: {  	_ =	shalt  }
0x6e: {  	_ =	shalt  }
0x6f: {  	_ =	shalt  }
0x70: {  	_ =	shalt  }
0x71: {  	_ =	shalt  }
0x72: {  	_ =	shalt  }
0x73: {  	_ =	shalt  }
0x74: {  	_ =	shalt  }
0x75: {  	_ =	shalt  }
0x76: {  	_ =	shalt  }
0x77: {  	_ =	shalt  }
0x78: {  	_ =	shalt  }
0x79: {  	_ =	shalt  }
0x7a: {  	_ =	shalt  }
0x7b: {  	_ =	shalt  }
0x7c: {  	_ =	shalt  }
0x7d: {  	_ =	shalt  }
0x7e: {  	_ =	shalt  }
0x7f: {  	_ =	shalt  }
0x80: {  	_ =	shalt  }
0x81: {  	_ =	shalt  }
0x82: {  	_ =	shalt  }
0x83: {  	_ =	shalt  }
0x84: {  	_ =	shalt  }
0x85: {  	_ =	shalt  }
0x86: {  	_ =	shalt  }
0x87: {  	_ =	shalt  }
.Lfunc_end0:
.L_simem_size_0:
called_computation_lowered:
.L_overlay_start_0:
0x88: {  	s2 =	sld [smem:$0x3FD9]  }
0x89: {  	s3 =	sld [smem:$0x3FFE];
	_ =	sdelay $0x1  }
0x8a: {  	s1 =	srdreg.scid  }
0x8b: {  	s0 =	sand.u32 $0x1, s1  }
0x8c: {  	s17 =	sshll.u32 s0, $0xA;
	s2 =	sadd.s32 s3, s2  }
0x8d: {  	s2 =	sadd.s32 s2, s17  }
0x8e: {  	[smem:$0x3FBC] =	sst s2  }
0x8f: {  	_ = 	snop  }
0x90: {  	s2 =	sld [smem:$0x3FD0];
	(tm) =	ssettm $0x1  }
0x91: {  	s18 =	sld [smem:$0x3FFB];
	_ =	sdelay $0x3  }
0x92: {  	_ =	strace s18  }
0x93: {  	s3 =	sld [smem:$0x3FFC];
	_ =	sdelay $0x3  }
0x94: {  	_ =	strace s3  }
0x95: {  	s3 =	sld [smem:$0x3FFD];
	_ =	sdelay $0x3  }
0x96: {  	_ =	strace s3  }
0x97: {  	_ =	strace $0x8FFFFFFF  }
0x98: {  	s19 =	sld [smem:$0x3FDB];
	_ =	sdelay $0x1  }
0x99: {  	s4 =	simm.s32 $_scs_section_size  }
0x9a: {  	s5 =	simm.s32 $_size__tile_overlayer_lowered;
	s6 =	simm.s32 $_tile_overlayer_lowered  }
0x9b: {  	s22 =	simm.s32 $0x1BFF;
	s21 =	sshll.u32 s6, $0x1;
	s3 =	sadd.s32 s4, s19  }
0x9c: {  	s7 =	simm.s32 $0x0;
	s20 =	sshll.u32 s5, $0x1;
	s5 =	sadd.s32 s21, s3  }
0x9d: {  	[timem:s7], [sflag:s22] =	dma.local [hbm:s5], s20  }
0x9e: {  	_ =	swait.ge [sflag:s22], s20  }
0x9f: {  	s4 =	ssub.s32 $0x0, s20;
	[sflag:s22] =	ssyncset.done $0x0  }
0xa0: {  	[sflag:s22] =	ssyncadd.s32 s4;
	_ =	sdelay $0x1  }
0xa1: {  	s23 =	simm.s32 $0x1B8B  }
0xa2: {  	_ =	swait.ge [sflag:s23], $0x1  }
0xa3: {  	[sflag:s23] =	ssyncset.done $0x0  }
0xa4: {  	s25 =	simm.s32 $0x1B8E;
	s24 =	sld [smem:$0x3FFE];
	[sflag:s23] =	ssyncadd.s32 $0xFFFFFFFF  }
0xa5: {  	s26 =	simm.s32 $execute0_lowered;
	[smem:$0x3FD2] =	sst s25  }
0xa6: {  	s5 =	sshll.u32 s26, $0x1;
	_ =	strace $0x80000046;
	[dreg:$0x1] =	wrdreg $0xFFFFFFFF  }
0xa7: {  	s28 =	simm.s32 $_size_execute0_lowered;
	s3 =	sadd.s32 s3, s5;
	[dreg:$0x0] =	wrdreg $0x0  }
0xa8: {  	s5 =	sshll.u32 s28, $0x1;
	[dreg:$0x2] =	wrdreg s3  }
0xa9: {  	[dreg:$0x3] =	wrdreg s5  }
0xaa: {  	[dreg:$0x4] =	wrdreg $0xC0  }
0xab: {  	_ =	task [dreg:s7], $0x5FFFF  }
0xac: {  	[dreg:$0x1] =	wrdreg $0xFFFFFFFF  }
0xad: {  	[dreg:$0x0] =	wrdreg $0x60  }
0xae: {  	[dreg:$0x2] =	wrdreg s2  }
0xaf: {  	[dreg:$0x3] =	wrdreg s24  }
0xb0: {  	[dreg:$0x4] =	wrdreg $0x40800  }
0xb1: {  	[dreg:$0x5] =	wrdreg $0x9  }
0xb2: {  	_ =	task.clear_ibuf [dreg:s7], $0x6FFFF;
	_ =	strace $0x90000046  }
0xb3: {  	s29 =	simm.s32 $0x9;
	_ =	strace $0x80000048  }
0xb4: {  	_ =	swait.ge [sflag:s29], $0x1  }
0xb5: {  	[sflag:s29] =	ssyncadd.s32 $0xFFFFFFFF  }
0xb6: {  	_ =	strace $0x90000048  }
0xb7: {  	_ =	sfence  }
0xb8: {  	s30 =	sld [smem:$0x0];
	_ =	sdelay $0x2  }
0xb9: {  	s31 =	sshll.u32 s1, $0xD;
	s1 =	sshrl.u32 s1, $0x2  }
0xba: {  	s3 =	sand.u32 $0x4000, s31;
	s1 =	sadd.s32 s1, s30  }
0xbb: {  	s0 =	sor.u32 s3, s0;
	s1 =	sshll.u32 s1, $0x11  }
0xbc: {  	s0 =	sor.u32 s1, s0  }
0xbd: {  	s0 =	sadd.s32 $0x8F2B, s0  }
0xbe: {  	[sflag:s0] =	ssyncadd.remote.s32 $0x1  }
0xbf: {  	_ =	sfence.sel $0xFFFF  }
0xc0: {  	[dreg:$0x0] =	wrdreg $0xFFFFFFFF;
	(pc) =	sbr.abs _section_cstart, $3  }
0xc1: {  	[dreg:$0x1] =	wrdreg $0xFFFFFFFF  }
0xc2: {  	_ =	task.clear_ibuf [dreg:s7], $0x2FFFF;
	_ =	strace $0x9FFFFFFF  }
0xc3: {  	(tm) =	ssettm $0x7FFFFFFF  }
tec
execute0_lowered:
.L_overlay_start_1:
0x0: {  	(tag) =	ssettag $0x1  }
0x1: {  	s8 =	rddreg [dreg:$0x0]  }
0x2: {  	s5 =	rddreg [dreg:$0x1]  }
0x3: {  	s2 =	rddreg [dreg:$0x2]  }
0x4: {  	s0 =	rddreg [dreg:$0x3];
	s1 =	stileid.u32  }
0x5: {  	s4 =	srdreg.scid;
	s6 =	smul.u32 $0x14000, s1  }
0x6: {  	s3 =	simm.s32 $0x0;
	s7 =	sand.u32 $0x1, s4;
	s23 =	smul.u32 $0x50000, s1  }
0x7: {  	[smem:$0x7FF] =	sst s3;
	s4 =	sadd.s32 $0x3E00, s5;
	s13 =	smul.u32 $0xA00, s1  }
0x8: {  	s29 =	sshll.u32 s1, $0x6;
	s9 =	smul.u32 $0x140000, s7;
	_ =	strace $0x80000047  }
0x9: {  	s11 =	ssub.s32 $0x2, s7;
	s30 =	smul.u32 $0x500, s7;
	s10 =	sshrl.u32 s6, $0x3  }
0xa: {  	s24 =	sshrl.u32 s11, $0x1;
	s25 =	sshrl.u32 s23, $0x2;
	s31 =	sadd.s32 s13, s8  }
0xb: {  	s13 =	simm.s32 $0x0;
	s6 =	sadd.s32 s6, s9;
	s10 =	sadd.s32 s10, s5  }
0xc: {  	s26 =	ssub.s32 s11, s24;
	s28 =	sadd.s32 s25, s2;
	s9 =	sadd.s32 s30, s31  }
0xd: {  	s11 =	simm.s32 $0x1;
	s6 =	sshrl.u32 s6, $0x3;
	s8 =	smax.u32 s26, $0x1  }
0xe: {  	s12 =	sadd.s32 s6, s5;
	s5 =	sadd.s32 $0x4600, s10;
	s6 =	sor.u32 $0x1C01, s29  }
0xf: {  	s10 =	sshrl.u32 s28, $0x3;
	s7 =	sadd.s32 $0x2C600, s12;
	s12 =	simm.s32 $0x80  }
.LBB2_1:
0x10: {  	[spmem:s10], [sflag:s6] =	dma.local [hbm:s5], $0x2800  }
0x11: {  	_ =	swait.ge [sflag:s11], $0x2800  }
0x12: {  	[sflag:s11] =	ssyncset.done $0x0  }
0x13: {  	[sflag:s11] =	ssyncadd.s32 $0xFFFFD800  }
0x14: {  	[tilespmem:s12], [sflag:$0x1] =	stream.linear.gather [hbm4b:s4+s3], $0x4000, $0x38;
	[tilespmem:$0x18080] =	vst v63  }
0x15: {  	_ =	swait.ge [sflag:s11], $0x4000  }
0x16: {  	[sflag:s11] =	ssyncset.done $0x0  }
0x17: {  	[sflag:s11] =	ssyncadd.s32 $0xFFFFC000  }
0x18: {  	s14 =	sadd.s32 $0x0, s9;
	[bflag:$0x0] =	sbarrier.arrive $0xFFFF  }
0x19: {  	[tilespmem:s3], [sflag:$0x1] =	stream.linear.gather [hbm4b:s14+s3], $0x80, $0x38;
	[tilespmem:$0x18080] =	vst v63  }
0x1a: {  	_ =	swait.ge [sflag:s11], $0x80  }
0x1b: {  	[sflag:s11] =	ssyncset.done $0x0  }
0x1c: {  	[sflag:s11] =	ssyncadd.s32 $0xFFFFFF80  }
0x1d: {  	[spmem:s2] =	stream.indirect.scatter.add.f32 [tilespmem:s12], [sflag:$0x1], $0x80, s3, s12, $0xb8;
	[tilespmem:$0x18080] =	vst v63  }
0x1e: {  	_ =	swait.ge [sflag:s11], $0x4000  }
0x1f: {  	s15 =	simm.s32 $0x20;
	s14 =	simm.s32 $0x10;
	[sflag:s11] =	ssyncset.done $0x0  }
.LBB2_2:
0x20: {  	s16 =	sadd.s32 s14, s9  }
0x21: {  	[sflag:s11] =	ssyncadd.s32 $0xFFFFC000;
	s14 =	smov.u32 s15;
	s17 =	sadd.s32 $0x10, s15  }
0x22: {  	[tilespmem:s3], [sflag:$0x1] =	stream.linear.gather [hbm4b:s16+s3], $0x80, $0x38;
	[tilespmem:$0x18080] =	vst v63  }
0x23: {  	p0 =	sne.s32 s15, $0x4F0;
	_ =	swait.ge [sflag:s11], $0x80  }
.Ltmp0:
0x24: {  	[sflag:s11] =	ssyncset.done $0x0;
	(pc) =	sbr.rel @p0 .LBB2_2-.Ltmp0, $4  }
0x25: {  	[sflag:s11] =	ssyncadd.s32 $0xFFFFFF80  }
0x26: {  	[spmem:s2] =	stream.indirect.scatter.add.f32 [tilespmem:s12], [sflag:$0x1], $0x80, s3, s12, $0xb8;
	[tilespmem:$0x18080] =	vst v63  }
0x27: {  	_ =	swait.ge [sflag:s11], $0x4000  }
0x28: {  	s15 =	smov.u32 s17;
	[sflag:s11] =	ssyncset.done $0x0  }
0x29: {  	s14 =	sadd.s32 s14, s9;
	[sflag:s11] =	ssyncadd.s32 $0xFFFFC000  }
0x2a: {  	[tilespmem:s3], [sflag:$0x1] =	stream.linear.gather [hbm4b:s14+s3], $0x80, $0x38;
	[tilespmem:$0x18080] =	vst v63  }
0x2b: {  	_ =	swait.ge [sflag:s11], $0x80  }
0x2c: {  	[sflag:s11] =	ssyncset.done $0x0  }
0x2d: {  	[sflag:s11] =	ssyncadd.s32 $0xFFFFFF80  }
0x2e: {  	[spmem:s2] =	stream.indirect.scatter.add.f32 [tilespmem:s12], [sflag:$0x1], $0x80, s3, s12, $0xb8;
	[tilespmem:$0x18080] =	vst v63  }
0x2f: {  	_ =	swait.ge [sflag:s11], $0x4000  }
0x30: {  	s13 =	sadd.s32 $0x1, s13;
	[sflag:s11] =	ssyncset.done $0x0  }
0x31: {  	p0 =	sne.s32 s13, s8;
	[sflag:s11] =	ssyncadd.s32 $0xFFFFC000  }
.Ltmp1:
0x32: {  	[bflag:$0x0] =	sbarrier.arrive $0xFFFF;
	(pc) =	sbr.rel @p0 .LBB2_1-.Ltmp1, $4  }
0x33: {  	[hbm:s7], [sflag:s6] =	dma.local [spmem:s10], $0x2800  }
0x34: {  	_ =	swait.ge [sflag:s11], $0x2800  }
0x35: {  	[sflag:s11] =	ssyncset.done $0x0  }
0x36: {  	[sflag:s11] =	ssyncadd.s32 $0xFFFFD800  }
0x37: {  	_ =	sfence.sel $0x180000  }
0x38: {  	[bflag:$0x0] =	sbarrier.arrive $0xFFFF  }
0x39: {  	p0 =	sne.s32 s1, $0x0;
	_ =	strace $0x90000047  }
0x3a: {  	s0 =	sadd.s32 @!p0 $0x100000, s0;
	[bflag:$0x2] =	sbarrier.arrive $0xFFFF  }
0x3b: {  	[sflag:s0] =	ssyncadd.tile.s32 @!p0 $0x1;
	_ =	shalt  }
.Lfunc_end2:
_tile_overlayer_lowered:
.L_overlay_start_2:
0x3c: {  	(tag) =	ssettag $0x2  }
0x3d: {  	s0 =	rddreg [dreg:$0x0];
	s2 =	stileid.u32  }
0x3e: {  	s1 =	rddreg [dreg:$0x1];
	p0 =	sne.s32 s2, $0x0  }
0x3f: {  	s3 =	rddreg [dreg:$0x2];
	[bflag:$0x3] =	sbarrier.arrive $0xFFFF;
	s2 =	simm.s32 @!p0 $0x1C01  }
0x40: {  	[timem:s3], [sflag:s2] =	dma.local @!p0 [hbm:s0], s1  }
0x41: {  	s0 =	simm.s32 @!p0 $0x1  }
0x42: {  	_ =	swait.ge @!p0 [sflag:s0], s1  }
0x43: {  	s1 =	ssub.s32 @!p0 $0x0, s1;
	[sflag:s0] =	ssyncset.done @!p0 $0x0  }
0x44: {  	[sflag:s0] =	ssyncadd.s32 @!p0 s1  }
0x45: {  	[bflag:$0x3] =	sbarrier.arrive $0xFFFF  }
0x46: {  	_ =	shalt  }

// kernel: kernel.13.cloned.1.call-start
scs
__scs_entry_jumppad:
0x0: {  	(pc) =	sbr.rel $0x88, $3  }
0x1: {  	(tag) =	ssettag $0x0;
	lr =	simm.s32 $0x1  }
0x2: {  	[smem:$0x3F95] =	sst lr;
	_ =	strace $0xD0000000  }
0x3: {  	_ = 	snop  }
0x4: {  	_ = 	snop  }
0x5: {  	_ = 	snop  }
0x6: {  	_ = 	snop  }
0x7: {  	_ = 	snop  }
__scs_overlays_trampoline_lowered:
0x8: {  	[smem:$0x3FA4] =	sst s0  }
0x9: {  	[smem:$0x3FA5] =	sst s1  }
0xa: {  	[smem:$0x3FA6] =	sst s2  }
0xb: {  	[smem:$0x3FA7] =	sst s3  }
0xc: {  	[smem:$0x3FA8] =	sst s4  }
0xd: {  	[smem:$0x3FA9] =	sst s5  }
0xe: {  	[smem:$0x3FAA] =	sst s6  }
0xf: {  	[smem:$0x3FAB] =	sst s7  }
0x10: {  	[smem:$0x3FAC] =	sst s8  }
0x11: {  	[smem:$0x3FAD] =	sst s9;
	s0 =	simm.s32 @!p0 $0x0  }
0x12: {  	s1 =	sld [smem:$0x3F93];
	s0 =	simm.s32 @p0 $0x1  }
0x13: {  	[smem:$0x3FAE] =	sst s0;
	s0 =	simm.s32 @!p1 $0x0  }
0x14: {  	s2 =	sld [smem:$0x3F92];
	s0 =	simm.s32 @p1 $0x1  }
0x15: {  	[smem:$0x3FAF] =	sst s0;
	s0 =	simm.s32 @!p2 $0x0  }
0x16: {  	s3 =	sld [smem:$0x3FDB];
	s0 =	simm.s32 @p2 $0x1  }
0x17: {  	s4 =	simm.s32 $0x1BF5;
	[smem:$0x3FB1] =	sst s0  }
0x18: {  	s0 =	sld [smem:$0x3F94];
	_ =	swait.ge [sflag:s4], $0x0  }
0x19: {  	s7 =	sld [smem:$0x3F95]  }
0x1a: {  	s8 =	sadd.s32 $0xFFFFE003, lr  }
0x1b: {  	s9 =	sadd.s32 $0xFFFFFEF7, lr;
	s5 =	simm.s32 $0xFFFFFFFF;
	p2 =	slt.u32 s8, $0xFFFFF086  }
0x1c: {  	p1 =	slt.u32 s9, $0xF7A;
	s5 =	simm.s32 @!p2 $0x0  }
0x1d: {  	s5 =	simm.s32 @p1 $0x1;
	p0 =	seq.s32 s7, s2  }
0x1e: {  	s7 =	smul.u32 @!p0 $0xF7A, s2;
	p2 =	seq.s32 @!p0 s5, $0x0  }
0x1f: {  	s9 =	smul.u32 $0xF7A, s1;
	s8 =	simm.s32 @!p0 $0x1BF5;
	p2 =	por !p2, p0  }
0x20: {  	[sflag:s8] =	ssyncset.s32 @!p0 $0xFFFFF086;
	s6 =	sadd.s32 @!p0 s3, s7;
	s7 =	simm.s32 @!p0 $0x108  }
0x21: {  	s3 =	sadd.s32 s3, s9;
	s6 =	sadd.s32 @!p0 $0x88, s6;
	s7 =	simm.s32 @p2 $0x1082  }
0x22: {  	[simem:s7], [sflag:s8] =	dma.local @!p0 [hbm:s6], $0xF7A  }
0x23: {  	s9 =	sor.u32 $0xD0000000, s2;
	s6 =	simm.s32 $0x108;
	_ =	swait.ge @!p0 [sflag:s8], $0x0  }
0x24: {  	s3 =	sadd.s32 $0x88, s3;
	s6 =	simm.s32 @!p1 $0x1082;
	[sflag:s4] =	ssyncset.s32 $0xFFFFF086  }
0x25: {  	[simem:s6], [sflag:s4] =	dma.local [hbm:s3], $0xF7A  }
0x26: {  	[smem:$0x3F95] =	sst s1;
	(tag) =	ssettag s2;
	_ =	strace s9  }
0x27: {  	s1 =	sld [smem:$0x3FA5]  }
0x28: {  	s2 =	sld [smem:$0x3FA6]  }
0x29: {  	s4 =	sld [smem:$0x3FA8]  }
0x2a: {  	p0 =	seq.s32 s5, $0x0;
	s5 =	sld [smem:$0x3FA9]  }
0x2b: {  	s6 =	sld [smem:$0x3FAA]  }
0x2c: {  	s7 =	sld [smem:$0x3FAB]  }
0x2d: {  	s3 =	simm.s32 $0x108;
	s8 =	sld [smem:$0x3FAC]  }
0x2e: {  	s3 =	simm.s32 @!p0 $0x1082;
	s9 =	sld [smem:$0x3FAD]  }
0x2f: {  	lr =	sadd.s32 s0, s3;
	s0 =	sld [smem:$0x3FA4]  }
0x30: {  	s3 =	sld [smem:$0x3FA7]  }
0x31: {  	[smem:$0x3FB0] =	sst s10  }
0x32: {  	s10 =	sld [smem:$0x3FAE];
	_ =	sdelay $0x3  }
0x33: {  	p0 =	seq.s32 s10, $0x1;
	s10 =	sld [smem:$0x3FB0];
	_ =	sdelay $0x3  }
0x34: {  	[smem:$0x3FB0] =	sst s10  }
0x35: {  	s10 =	sld [smem:$0x3FAF];
	_ =	sdelay $0x3  }
0x36: {  	p1 =	seq.s32 s10, $0x1;
	s10 =	sld [smem:$0x3FB0];
	_ =	sdelay $0x3  }
0x37: {  	[smem:$0x3FB0] =	sst s10  }
0x38: {  	s10 =	sld [smem:$0x3FB1]  }
0x39: {  	_ = 	snop;
	(pc) =	sbr.ind lr, $3  }
0x3a: {  	_ = 	snop  }
0x3b: {  	_ = 	snop  }
0x3c: {  	p2 =	seq.s32 s10, $0x1;
	s10 =	sld [smem:$0x3FB0]  }
0x3d: {  	_ =	shalt  }
0x3e: {  	_ =	shalt  }
0x3f: {  	_ =	shalt  }
0x40: {  	_ =	shalt  }
0x41: {  	_ =	shalt  }
0x42: {  	_ =	shalt  }
0x43: {  	_ =	shalt  }
0x44: {  	_ =	shalt  }
0x45: {  	_ =	shalt  }
0x46: {  	_ =	shalt  }
0x47: {  	_ =	shalt  }
0x48: {  	_ =	shalt  }
0x49: {  	_ =	shalt  }
0x4a: {  	_ =	shalt  }
0x4b: {  	_ =	shalt  }
0x4c: {  	_ =	shalt  }
0x4d: {  	_ =	shalt  }
0x4e: {  	_ =	shalt  }
0x4f: {  	_ =	shalt  }
0x50: {  	_ =	shalt  }
0x51: {  	_ =	shalt  }
0x52: {  	_ =	shalt  }
0x53: {  	_ =	shalt  }
0x54: {  	_ =	shalt  }
0x55: {  	_ =	shalt  }
0x56: {  	_ =	shalt  }
0x57: {  	_ =	shalt  }
0x58: {  	_ =	shalt  }
0x59: {  	_ =	shalt  }
0x5a: {  	_ =	shalt  }
0x5b: {  	_ =	shalt  }
0x5c: {  	_ =	shalt  }
0x5d: {  	_ =	shalt  }
0x5e: {  	_ =	shalt  }
0x5f: {  	_ =	shalt  }
0x60: {  	_ =	shalt  }
0x61: {  	_ =	shalt  }
0x62: {  	_ =	shalt  }
0x63: {  	_ =	shalt  }
0x64: {  	_ =	shalt  }
0x65: {  	_ =	shalt  }
0x66: {  	_ =	shalt  }
0x67: {  	_ =	shalt  }
0x68: {  	_ =	shalt  }
0x69: {  	_ =	shalt  }
0x6a: {  	_ =	shalt  }
0x6b: {  	_ =	shalt  }
0x6c: {  	_ =	shalt  }
0x6d: {  	_ =	shalt  }
0x6e: {  	_ =	shalt  }
0x6f: {  	_ =	shalt  }
0x70: {  	_ =	shalt  }
0x71: {  	_ =	shalt  }
0x72: {  	_ =	shalt  }
0x73: {  	_ =	shalt  }
0x74: {  	_ =	shalt  }
0x75: {  	_ =	shalt  }
0x76: {  	_ =	shalt  }
0x77: {  	_ =	shalt  }
0x78: {  	_ =	shalt  }
0x79: {  	_ =	shalt  }
0x7a: {  	_ =	shalt  }
0x7b: {  	_ =	shalt  }
0x7c: {  	_ =	shalt  }
0x7d: {  	_ =	shalt  }
0x7e: {  	_ =	shalt  }
0x7f: {  	_ =	shalt  }
0x80: {  	_ =	shalt  }
0x81: {  	_ =	shalt  }
0x82: {  	_ =	shalt  }
0x83: {  	_ =	shalt  }
0x84: {  	_ =	shalt  }
0x85: {  	_ =	shalt  }
0x86: {  	_ =	shalt  }
0x87: {  	_ =	shalt  }
.Lfunc_end0:
.L_simem_size_0:
called_computation.1_lowered:
.L_overlay_start_0:
0x88: {  	s2 =	sld [smem:$0x3FD9]  }
0x89: {  	s3 =	sld [smem:$0x3FFE];
	_ =	sdelay $0x1  }
0x8a: {  	s1 =	srdreg.scid  }
0x8b: {  	s0 =	sand.u32 $0x1, s1  }
0x8c: {  	s17 =	sshll.u32 s0, $0xA;
	s2 =	sadd.s32 s3, s2  }
0x8d: {  	s2 =	sadd.s32 s2, s17  }
0x8e: {  	[smem:$0x3FBC] =	sst s2  }
0x8f: {  	_ = 	snop  }
0x90: {  	s2 =	sld [smem:$0x3FD0];
	(tm) =	ssettm $0x1  }
0x91: {  	s18 =	sld [smem:$0x3FFB];
	_ =	sdelay $0x3  }
0x92: {  	_ =	strace s18  }
0x93: {  	s3 =	sld [smem:$0x3FFC];
	_ =	sdelay $0x3  }
0x94: {  	_ =	strace s3  }
0x95: {  	s3 =	sld [smem:$0x3FFD];
	_ =	sdelay $0x3  }
0x96: {  	_ =	strace s3  }
0x97: {  	_ =	strace $0x8FFFFFFF  }
0x98: {  	s19 =	sld [smem:$0x3FDB];
	_ =	sdelay $0x1  }
0x99: {  	s4 =	simm.s32 $_scs_section_size  }
0x9a: {  	s5 =	simm.s32 $_size__tile_overlayer_lowered;
	s6 =	simm.s32 $_tile_overlayer_lowered  }
0x9b: {  	s22 =	simm.s32 $0x1BFF;
	s21 =	sshll.u32 s6, $0x1;
	s3 =	sadd.s32 s4, s19  }
0x9c: {  	s7 =	simm.s32 $0x0;
	s20 =	sshll.u32 s5, $0x1;
	s5 =	sadd.s32 s21, s3  }
0x9d: {  	[timem:s7], [sflag:s22] =	dma.local [hbm:s5], s20  }
0x9e: {  	_ =	swait.ge [sflag:s22], s20  }
0x9f: {  	s4 =	ssub.s32 $0x0, s20;
	[sflag:s22] =	ssyncset.done $0x0  }
0xa0: {  	[sflag:s22] =	ssyncadd.s32 s4;
	_ =	sdelay $0x1  }
0xa1: {  	s23 =	simm.s32 $0x1B8B  }
0xa2: {  	_ =	swait.ge [sflag:s23], $0x1  }
0xa3: {  	[sflag:s23] =	ssyncset.done $0x0  }
0xa4: {  	s25 =	simm.s32 $0x1B8E;
	s24 =	sld [smem:$0x3FFE];
	[sflag:s23] =	ssyncadd.s32 $0xFFFFFFFF  }
0xa5: {  	s26 =	simm.s32 $execute0_lowered;
	[smem:$0x3FD2] =	sst s25  }
0xa6: {  	s5 =	sshll.u32 s26, $0x1;
	_ =	strace $0x80000049;
	[dreg:$0x1] =	wrdreg $0xFFFFFFFF  }
0xa7: {  	s28 =	simm.s32 $_size_execute0_lowered;
	s3 =	sadd.s32 s3, s5;
	[dreg:$0x0] =	wrdreg $0x0  }
0xa8: {  	s5 =	sshll.u32 s28, $0x1;
	[dreg:$0x2] =	wrdreg s3  }
0xa9: {  	[dreg:$0x3] =	wrdreg s5  }
0xaa: {  	[dreg:$0x4] =	wrdreg $0xC0  }
0xab: {  	_ =	task [dreg:s7], $0x5FFFF  }
0xac: {  	[dreg:$0x1] =	wrdreg $0xFFFFFFFF  }
0xad: {  	[dreg:$0x0] =	wrdreg $0x60  }
0xae: {  	[dreg:$0x2] =	wrdreg s24  }
0xaf: {  	[dreg:$0x3] =	wrdreg s2  }
0xb0: {  	[dreg:$0x4] =	wrdreg $0xA8000  }
0xb1: {  	[dreg:$0x5] =	wrdreg $0x9  }
0xb2: {  	_ =	task.clear_ibuf [dreg:s7], $0x6FFFF;
	_ =	strace $0x90000049  }
0xb3: {  	s29 =	simm.s32 $0x9;
	_ =	strace $0x8000004B  }
0xb4: {  	_ =	swait.ge [sflag:s29], $0x1  }
0xb5: {  	[sflag:s29] =	ssyncadd.s32 $0xFFFFFFFF  }
0xb6: {  	_ =	strace $0x9000004B  }
0xb7: {  	_ =	sfence  }
0xb8: {  	s30 =	sld [smem:$0x0];
	_ =	sdelay $0x2  }
0xb9: {  	s31 =	sshll.u32 s1, $0xD;
	s1 =	sshrl.u32 s1, $0x2  }
0xba: {  	s3 =	sand.u32 $0x4000, s31;
	s1 =	sadd.s32 s1, s30  }
0xbb: {  	s0 =	sor.u32 s3, s0;
	s1 =	sshll.u32 s1, $0x11  }
0xbc: {  	s0 =	sor.u32 s1, s0  }
0xbd: {  	s0 =	sadd.s32 $0x8F2B, s0  }
0xbe: {  	[sflag:s0] =	ssyncadd.remote.s32 $0x1  }
0xbf: {  	_ =	sfence.sel $0xFFFF  }
0xc0: {  	[dreg:$0x0] =	wrdreg $0xFFFFFFFF;
	(pc) =	sbr.abs _section_cstart, $3  }
0xc1: {  	[dreg:$0x1] =	wrdreg $0xFFFFFFFF  }
0xc2: {  	_ =	task.clear_ibuf [dreg:s7], $0x2FFFF;
	_ =	strace $0x9FFFFFFF  }
0xc3: {  	(tm) =	ssettm $0x7FFFFFFF  }
tec
execute0_lowered:
.L_overlay_start_1:
0x0: {  	(tag) =	ssettag $0x1  }
0x1: {  	s5 =	rddreg [dreg:$0x0]  }
0x2: {  	s12 =	rddreg [dreg:$0x1]  }
0x3: {  	s2 =	rddreg [dreg:$0x2]  }
0x4: {  	s0 =	rddreg [dreg:$0x3];
	s3 =	simm.s32 $0x0  }
0x5: {  	s1 =	stileid.u32;
	s4 =	srdreg.scid;
	s17 =	simm.s32 $0x1400  }
0x6: {  	s18 =	simm.s32 $0x80;
	s19 =	simm.s32 $0x2800;
	s20 =	simm.s32 $0x6800  }
0x7: {  	s21 =	simm.s32 $0x1;
	[smem:$0x7FF] =	sst s3;
	s6 =	smul.u32 $0x14000, s1  }
0x8: {  	s23 =	sand.u32 $0x1, s4;
	s4 =	sadd.s32 $0x86600, s5;
	s9 =	smul.u32 $0x50000, s1  }
0x9: {  	s11 =	sadd.s32 $0x7C600, s5;
	s10 =	smul.u32 $0x5000, s1;
	s28 =	sshll.u32 s1, $0x6  }
0xa: {  	_ =	strace $0x8000004A;
	s7 =	smul.u32 $0x140000, s23;
	s22 =	ssub.s32 $0x2, s23  }
0xb: {  	s13 =	smul.u32 $0x3C00, s23;
	p0 =	sne.s32 s23, $0x0;
	s23 =	simm.s32 $0x2700  }
0xc: {  	s8 =	sshrl.u32 s6, $0x3;
	s24 =	sshrl.u32 s22, $0x1;
	s25 =	sshrl.u32 s9, $0x2  }
0xd: {  	s30 =	sshrl.u32 s10, $0x3;
	s8 =	sadd.s32 s8, s5;
	s6 =	sadd.s32 s6, s7  }
0xe: {  	s15 =	ssub.s32 s22, s24;
	s16 =	sadd.s32 s25, s2;
	s26 =	sadd.s32 s13, s10  }
0xf: {  	s10 =	sadd.s32 $0x280, s30;
	s31 =	sadd.s32 $0x500, s30;
	s22 =	simm.s32 $0x2  }
0x10: {  	s24 =	simm.s32 $0x2780;
	s25 =	simm.s32 $0x0;
	s6 =	sshrl.u32 s6, $0x3  }
.Ltmp0:
0x11: {  	s29 =	sshrl.u32 s26, $0x3;
	s9 =	sadd.s32 s11, s10;
	(pc) =	sbr.rel .LBB2_1-.Ltmp0, $4  }
0x12: {  	s10 =	sadd.s32 s12, s10;
	s14 =	sadd.s32 s6, s5;
	s5 =	sadd.s32 $0x4600, s8  }
0x13: {  	s6 =	sor.u32 $0x1C03, s28;
	s7 =	sadd.s32 s11, s29;
	s8 =	sadd.s32 s12, s29  }
0x14: {  	s11 =	sadd.s32 s11, s31;
	s12 =	sadd.s32 s12, s31;
	s13 =	sadd.s32 $0xAE600, s14  }
0x15: {  	s14 =	smax.u32 s15, $0x1;
	s15 =	sshrl.u32 s16, $0x3;
	s16 =	simm.s32 $0x3  }
.LBB2_8:
0x16: {  	[tilespmem:s20], [sflag:$0x2] =	stream.indirect.gather [hbm4b:s4+s18], $0x80, s28, s18, $0xb8;
	[tilespmem:$0x1E800] =	vst v63  }
0x17: {  	_ =	swait.ge [sflag:s21], $0x4000  }
0x18: {  	[sflag:s21] =	ssyncset.done $0x0  }
0x19: {  	[sflag:s21] =	ssyncadd.s32 $0xFFFFC000  }
0x1a: {  	[spmem:s2] =	stream.indirect.scatter.add.f32 [tilespmem:s19], [sflag:$0x3], $0x80, s23, s18, $0xb8;
	[tilespmem:$0x1E800] =	vst v63  }
0x1b: {  	_ =	swait.ge [sflag:s16], $0x4000  }
0x1c: {  	[sflag:s16] =	ssyncset.done $0x0  }
0x1d: {  	[sflag:s16] =	ssyncadd.s32 $0xFFFFC000  }
0x1e: {  	_ =	swait.ge [sflag:s22], $0x4000  }
0x1f: {  	[sflag:s22] =	ssyncset.done $0x0  }
0x20: {  	[sflag:s22] =	ssyncadd.s32 $0xFFFFC000  }
0x21: {  	[spmem:s2] =	stream.indirect.scatter.add.f32 [tilespmem:s20], [sflag:$0x3], $0x80, s24, s18, $0xb8;
	[tilespmem:$0x1E800] =	vst v63  }
0x22: {  	_ =	swait.ge [sflag:s16], $0x4000  }
0x23: {  	[sflag:s16] =	ssyncset.done $0x0  }
0x24: {  	[sflag:s16] =	ssyncadd.s32 $0xFFFFC000  }
.LBB2_9:
0x25: {  	s25 =	sadd.s32 $0x1, s25  }
0x26: {  	p1 =	sne.s32 s25, s14  }
.Ltmp1:
0x27: {  	[bflag:$0x0] =	sbarrier.arrive $0xFFFF;
	(pc) =	sbr.rel @!p1 .LBB2_10-.Ltmp1, $4  }
0x28: {  	[hbm:s13], [sflag:s6] =	dma.local [spmem:s15], $0x2800  }
0x29: {  	_ =	swait.ge [sflag:s16], $0x2800  }
0x2a: {  	[sflag:s16] =	ssyncset.done $0x0  }
0x2b: {  	[sflag:s16] =	ssyncadd.s32 $0xFFFFD800  }
.LBB2_1:
0x2c: {  	[spmem:s15], [sflag:s6] =	dma.local [hbm:s5], $0x2800  }
0x2d: {  	_ =	swait.ge [sflag:s16], $0x2800  }
0x2e: {  	[sflag:s16] =	ssyncset.done $0x0  }
0x2f: {  	[sflag:s16] =	ssyncadd.s32 $0xFFFFD800  }
0x30: {  	[bflag:$0x0] =	sbarrier.arrive $0xFFFF  }
0x31: {  	[tilespmem:s3], [sflag:$0x3] =	stream.linear.gather [hbm4b:s7+s3], $0x1400, $0x38;
	[tilespmem:$0x1E800] =	vst v63  }
0x32: {  	_ =	swait.ge [sflag:s16], $0x1400  }
0x33: {  	[sflag:s16] =	ssyncset.done $0x0  }
0x34: {  	[sflag:s16] =	ssyncadd.s32 $0xFFFFEC00  }
0x35: {  	[tilespmem:s17], [sflag:$0x3] =	stream.linear.gather [hbm4b:s8+s3], $0x1400, $0x38;
	[tilespmem:$0x1E800] =	vst v63  }
0x36: {  	_ =	swait.ge [sflag:s16], $0x1400  }
0x37: {  	[sflag:s16] =	ssyncset.done $0x0  }
0x38: {  	[sflag:s16] =	ssyncadd.s32 $0xFFFFEC00  }
0x39: {  	[tilespmem:s19], [sflag:$0x1] =	stream.indirect.gather [hbm4b:s4+s18], $0x80, s3, s18, $0xb8;
	[tilespmem:$0x1E800] =	vst v63  }
0x3a: {  	_ = 	snop  }
0x3b: {  	[tilespmem:s20], [sflag:$0x2] =	stream.indirect.gather [hbm4b:s4+s18], $0x80, s18, s18, $0xb8;
	[tilespmem:$0x1E800] =	vst v63  }
0x3c: {  	_ =	swait.ge [sflag:s21], $0x4000  }
0x3d: {  	[sflag:s21] =	ssyncset.done $0x0  }
0x3e: {  	s26 =	simm.s32 $0x1400;
	[sflag:s21] =	ssyncadd.s32 $0xFFFFC000  }
0x3f: {  	[spmem:s2] =	stream.indirect.scatter.add.f32 [tilespmem:s19], [sflag:$0x3], $0x80, s26, s18, $0xb8;
	[tilespmem:$0x1E800] =	vst v63  }
0x40: {  	_ =	swait.ge [sflag:s16], $0x4000  }
0x41: {  	[sflag:s16] =	ssyncset.done $0x0  }
0x42: {  	s30 =	simm.s32 $0x100;
	[sflag:s16] =	ssyncadd.s32 $0xFFFFC000  }
0x43: {  	[tilespmem:s19], [sflag:$0x1] =	stream.indirect.gather [hbm4b:s4+s18], $0x80, s30, s18, $0xb8;
	[tilespmem:$0x1E800] =	vst v63  }
0x44: {  	_ =	swait.ge [sflag:s22], $0x4000  }
0x45: {  	[sflag:s22] =	ssyncset.done $0x0  }
0x46: {  	s31 =	simm.s32 $0x1480;
	[sflag:s22] =	ssyncadd.s32 $0xFFFFC000  }
0x47: {  	[spmem:s2] =	stream.indirect.scatter.add.f32 [tilespmem:s20], [sflag:$0x3], $0x80, s31, s18, $0xb8;
	[tilespmem:$0x1E800] =	vst v63  }
0x48: {  	_ =	swait.ge [sflag:s16], $0x4000  }
0x49: {  	[sflag:s16] =	ssyncset.done $0x0  }
0x4a: {  	s28 =	simm.s32 $0x180;
	s26 =	simm.s32 $0x400;
	[sflag:s16] =	ssyncadd.s32 $0xFFFFC000  }
.LBB2_2:
0x4b: {  	[tilespmem:s20], [sflag:$0x2] =	stream.indirect.gather [hbm4b:s4+s18], $0x80, s28, s18, $0xb8;
	[tilespmem:$0x1E800] =	vst v63  }
0x4c: {  	s28 =	smov.u32 s26  }
0x4d: {  	p1 =	sne.s32 s26, $0x4800;
	s26 =	sadd.s32 $0x400, s26;
	_ =	swait.ge [sflag:s21], $0x4000  }
0x4e: {  	s28 =	sshra.s32 s28, $0x2;
	[sflag:s21] =	ssyncset.done $0x0  }
0x4f: {  	s29 =	sadd.s32 $0x1400, s28;
	[sflag:s21] =	ssyncadd.s32 $0xFFFFC000  }
0x50: {  	[spmem:s2] =	stream.indirect.scatter.add.f32 [tilespmem:s19], [sflag:$0x3], $0x80, s29, s18, $0xb8;
	[tilespmem:$0x1E800] =	vst v63  }
0x51: {  	_ =	swait.ge [sflag:s16], $0x4000  }
0x52: {  	[sflag:s16] =	ssyncset.done $0x0  }
0x53: {  	s29 =	sadd.s32 $0x100, s28;
	[sflag:s16] =	ssyncadd.s32 $0xFFFFC000  }
0x54: {  	[tilespmem:s19], [sflag:$0x1] =	stream.indirect.gather [hbm4b:s4+s18], $0x80, s29, s18, $0xb8;
	[tilespmem:$0x1E800] =	vst v63  }
0x55: {  	_ =	swait.ge [sflag:s22], $0x4000  }
0x56: {  	[sflag:s22] =	ssyncset.done $0x0  }
.Ltmp2:
0x57: {  	s29 =	sadd.s32 $0x1480, s28;
	[sflag:s22] =	ssyncadd.s32 $0xFFFFC000;
	(pc) =	sbr.rel @p1 .LBB2_2-.Ltmp2, $4  }
0x58: {  	[spmem:s2] =	stream.indirect.scatter.add.f32 [tilespmem:s20], [sflag:$0x3], $0x80, s29, s18, $0xb8;
	[tilespmem:$0x1E800] =	vst v63  }
0x59: {  	_ =	swait.ge [sflag:s16], $0x4000  }
0x5a: {  	[sflag:s16] =	ssyncset.done $0x0  }
0x5b: {  	s28 =	sadd.s32 $0x180, s28;
	[sflag:s16] =	ssyncadd.s32 $0xFFFFC000  }
0x5c: {  	[tilespmem:s20], [sflag:$0x2] =	stream.indirect.gather [hbm4b:s4+s18], $0x80, s28, s18, $0xb8;
	[tilespmem:$0x1E800] =	vst v63  }
0x5d: {  	_ =	swait.ge [sflag:s21], $0x4000  }
0x5e: {  	[sflag:s21] =	ssyncset.done $0x0  }
0x5f: {  	[sflag:s21] =	ssyncadd.s32 $0xFFFFC000  }
0x60: {  	[spmem:s2] =	stream.indirect.scatter.add.f32 [tilespmem:s19], [sflag:$0x3], $0x80, s23, s18, $0xb8;
	[tilespmem:$0x1E800] =	vst v63  }
0x61: {  	_ =	swait.ge [sflag:s16], $0x4000  }
0x62: {  	[sflag:s16] =	ssyncset.done $0x0  }
0x63: {  	[sflag:s16] =	ssyncadd.s32 $0xFFFFC000  }
0x64: {  	_ =	swait.ge [sflag:s22], $0x4000  }
0x65: {  	[sflag:s22] =	ssyncset.done $0x0  }
.Ltmp3:
0x66: {  	[sflag:s22] =	ssyncadd.s32 $0xFFFFC000;
	(pc) =	sbr.rel @p0 .LBB2_9-.Ltmp3, $4  }
0x67: {  	[spmem:s2] =	stream.indirect.scatter.add.f32 [tilespmem:s20], [sflag:$0x3], $0x80, s24, s18, $0xb8;
	[tilespmem:$0x1E800] =	vst v63  }
0x68: {  	_ =	swait.ge [sflag:s16], $0x4000  }
0x69: {  	[sflag:s16] =	ssyncset.done $0x0  }
0x6a: {  	[sflag:s16] =	ssyncadd.s32 $0xFFFFC000  }
0x6b: {  	s26 =	simm.s32 $0x0  }
0x6c: {  	[tilespmem:s26], [sflag:$0x3] =	stream.linear.gather [hbm4b:s9+s26], $0x1400, $0x38;
	[tilespmem:$0x1E800] =	vst v63  }
0x6d: {  	_ =	swait.ge [sflag:s16], $0x1400  }
0x6e: {  	[sflag:s16] =	ssyncset.done $0x0  }
0x6f: {  	[sflag:s16] =	ssyncadd.s32 $0xFFFFEC00  }
0x70: {  	[tilespmem:s17], [sflag:$0x3] =	stream.linear.gather [hbm4b:s10+s26], $0x1400, $0x38;
	[tilespmem:$0x1E800] =	vst v63  }
0x71: {  	_ =	swait.ge [sflag:s16], $0x1400  }
0x72: {  	[sflag:s16] =	ssyncset.done $0x0  }
0x73: {  	[sflag:s16] =	ssyncadd.s32 $0xFFFFEC00  }
0x74: {  	[tilespmem:s19], [sflag:$0x1] =	stream.indirect.gather [hbm4b:s4+s18], $0x80, s26, s18, $0xb8;
	[tilespmem:$0x1E800] =	vst v63  }
0x75: {  	_ = 	snop  }
0x76: {  	[tilespmem:s20], [sflag:$0x2] =	stream.indirect.gather [hbm4b:s4+s18], $0x80, s18, s18, $0xb8;
	[tilespmem:$0x1E800] =	vst v63  }
0x77: {  	_ =	swait.ge [sflag:s21], $0x4000  }
0x78: {  	[sflag:s21] =	ssyncset.done $0x0  }
0x79: {  	s29 =	simm.s32 $0x1400;
	[sflag:s21] =	ssyncadd.s32 $0xFFFFC000  }
0x7a: {  	[spmem:s2] =	stream.indirect.scatter.add.f32 [tilespmem:s19], [sflag:$0x3], $0x80, s29, s18, $0xb8;
	[tilespmem:$0x1E800] =	vst v63  }
0x7b: {  	_ =	swait.ge [sflag:s16], $0x4000  }
0x7c: {  	[sflag:s16] =	ssyncset.done $0x0  }
0x7d: {  	s30 =	simm.s32 $0x100;
	[sflag:s16] =	ssyncadd.s32 $0xFFFFC000  }
0x7e: {  	[tilespmem:s19], [sflag:$0x1] =	stream.indirect.gather [hbm4b:s4+s18], $0x80, s30, s18, $0xb8;
	[tilespmem:$0x1E800] =	vst v63  }
0x7f: {  	_ =	swait.ge [sflag:s22], $0x4000  }
0x80: {  	[sflag:s22] =	ssyncset.done $0x0  }
0x81: {  	s31 =	simm.s32 $0x1480;
	[sflag:s22] =	ssyncadd.s32 $0xFFFFC000  }
0x82: {  	[spmem:s2] =	stream.indirect.scatter.add.f32 [tilespmem:s20], [sflag:$0x3], $0x80, s31, s18, $0xb8;
	[tilespmem:$0x1E800] =	vst v63  }
0x83: {  	_ =	swait.ge [sflag:s16], $0x4000  }
0x84: {  	[sflag:s16] =	ssyncset.done $0x0  }
0x85: {  	s28 =	simm.s32 $0x180;
	s26 =	simm.s32 $0x400;
	[sflag:s16] =	ssyncadd.s32 $0xFFFFC000  }
.LBB2_5:
0x86: {  	[tilespmem:s20], [sflag:$0x2] =	stream.indirect.gather [hbm4b:s4+s18], $0x80, s28, s18, $0xb8;
	[tilespmem:$0x1E800] =	vst v63  }
0x87: {  	s28 =	smov.u32 s26  }
0x88: {  	p1 =	sne.s32 s26, $0x4800;
	s26 =	sadd.s32 $0x400, s26;
	_ =	swait.ge [sflag:s21], $0x4000  }
0x89: {  	s28 =	sshra.s32 s28, $0x2;
	[sflag:s21] =	ssyncset.done $0x0  }
0x8a: {  	s29 =	sadd.s32 $0x1400, s28;
	[sflag:s21] =	ssyncadd.s32 $0xFFFFC000  }
0x8b: {  	[spmem:s2] =	stream.indirect.scatter.add.f32 [tilespmem:s19], [sflag:$0x3], $0x80, s29, s18, $0xb8;
	[tilespmem:$0x1E800] =	vst v63  }
0x8c: {  	_ =	swait.ge [sflag:s16], $0x4000  }
0x8d: {  	[sflag:s16] =	ssyncset.done $0x0  }
0x8e: {  	s29 =	sadd.s32 $0x100, s28;
	[sflag:s16] =	ssyncadd.s32 $0xFFFFC000  }
0x8f: {  	[tilespmem:s19], [sflag:$0x1] =	stream.indirect.gather [hbm4b:s4+s18], $0x80, s29, s18, $0xb8;
	[tilespmem:$0x1E800] =	vst v63  }
0x90: {  	_ =	swait.ge [sflag:s22], $0x4000  }
0x91: {  	[sflag:s22] =	ssyncset.done $0x0  }
.Ltmp4:
0x92: {  	s29 =	sadd.s32 $0x1480, s28;
	[sflag:s22] =	ssyncadd.s32 $0xFFFFC000;
	(pc) =	sbr.rel @p1 .LBB2_5-.Ltmp4, $4  }
0x93: {  	[spmem:s2] =	stream.indirect.scatter.add.f32 [tilespmem:s20], [sflag:$0x3], $0x80, s29, s18, $0xb8;
	[tilespmem:$0x1E800] =	vst v63  }
0x94: {  	_ =	swait.ge [sflag:s16], $0x4000  }
0x95: {  	[sflag:s16] =	ssyncset.done $0x0  }
0x96: {  	s28 =	sadd.s32 $0x180, s28;
	[sflag:s16] =	ssyncadd.s32 $0xFFFFC000  }
0x97: {  	[tilespmem:s20], [sflag:$0x2] =	stream.indirect.gather [hbm4b:s4+s18], $0x80, s28, s18, $0xb8;
	[tilespmem:$0x1E800] =	vst v63  }
0x98: {  	_ =	swait.ge [sflag:s21], $0x4000  }
0x99: {  	[sflag:s21] =	ssyncset.done $0x0  }
0x9a: {  	[sflag:s21] =	ssyncadd.s32 $0xFFFFC000  }
0x9b: {  	[spmem:s2] =	stream.indirect.scatter.add.f32 [tilespmem:s19], [sflag:$0x3], $0x80, s23, s18, $0xb8;
	[tilespmem:$0x1E800] =	vst v63  }
0x9c: {  	_ =	swait.ge [sflag:s16], $0x4000  }
0x9d: {  	[sflag:s16] =	ssyncset.done $0x0  }
0x9e: {  	[sflag:s16] =	ssyncadd.s32 $0xFFFFC000  }
0x9f: {  	_ =	swait.ge [sflag:s22], $0x4000  }
0xa0: {  	[sflag:s22] =	ssyncset.done $0x0  }
0xa1: {  	[sflag:s22] =	ssyncadd.s32 $0xFFFFC000  }
0xa2: {  	[spmem:s2] =	stream.indirect.scatter.add.f32 [tilespmem:s20], [sflag:$0x3], $0x80, s24, s18, $0xb8;
	[tilespmem:$0x1E800] =	vst v63  }
0xa3: {  	_ =	swait.ge [sflag:s16], $0x4000  }
0xa4: {  	[sflag:s16] =	ssyncset.done $0x0  }
0xa5: {  	s26 =	simm.s32 $0x0;
	[sflag:s16] =	ssyncadd.s32 $0xFFFFC000  }
0xa6: {  	[tilespmem:s26], [sflag:$0x3] =	stream.linear.gather [hbm4b:s11+s26], $0x1400, $0x38;
	[tilespmem:$0x1E800] =	vst v63  }
0xa7: {  	_ =	swait.ge [sflag:s16], $0x1400  }
0xa8: {  	[sflag:s16] =	ssyncset.done $0x0  }
0xa9: {  	[sflag:s16] =	ssyncadd.s32 $0xFFFFEC00  }
0xaa: {  	[tilespmem:s17], [sflag:$0x3] =	stream.linear.gather [hbm4b:s12+s26], $0x1400, $0x38;
	[tilespmem:$0x1E800] =	vst v63  }
0xab: {  	_ =	swait.ge [sflag:s16], $0x1400  }
0xac: {  	[sflag:s16] =	ssyncset.done $0x0  }
0xad: {  	[sflag:s16] =	ssyncadd.s32 $0xFFFFEC00  }
0xae: {  	[tilespmem:s19], [sflag:$0x1] =	stream.indirect.gather [hbm4b:s4+s18], $0x80, s26, s18, $0xb8;
	[tilespmem:$0x1E800] =	vst v63  }
0xaf: {  	_ = 	snop  }
0xb0: {  	[tilespmem:s20], [sflag:$0x2] =	stream.indirect.gather [hbm4b:s4+s18], $0x80, s18, s18, $0xb8;
	[tilespmem:$0x1E800] =	vst v63  }
0xb1: {  	_ =	swait.ge [sflag:s21], $0x4000  }
0xb2: {  	[sflag:s21] =	ssyncset.done $0x0  }
0xb3: {  	s29 =	simm.s32 $0x1400;
	[sflag:s21] =	ssyncadd.s32 $0xFFFFC000  }
0xb4: {  	[spmem:s2] =	stream.indirect.scatter.add.f32 [tilespmem:s19], [sflag:$0x3], $0x80, s29, s18, $0xb8;
	[tilespmem:$0x1E800] =	vst v63  }
0xb5: {  	_ =	swait.ge [sflag:s16], $0x4000  }
0xb6: {  	[sflag:s16] =	ssyncset.done $0x0  }
0xb7: {  	s30 =	simm.s32 $0x100;
	[sflag:s16] =	ssyncadd.s32 $0xFFFFC000  }
0xb8: {  	[tilespmem:s19], [sflag:$0x1] =	stream.indirect.gather [hbm4b:s4+s18], $0x80, s30, s18, $0xb8;
	[tilespmem:$0x1E800] =	vst v63  }
0xb9: {  	_ =	swait.ge [sflag:s22], $0x4000  }
0xba: {  	[sflag:s22] =	ssyncset.done $0x0  }
0xbb: {  	s31 =	simm.s32 $0x1480;
	[sflag:s22] =	ssyncadd.s32 $0xFFFFC000  }
0xbc: {  	[spmem:s2] =	stream.indirect.scatter.add.f32 [tilespmem:s20], [sflag:$0x3], $0x80, s31, s18, $0xb8;
	[tilespmem:$0x1E800] =	vst v63  }
0xbd: {  	_ =	swait.ge [sflag:s16], $0x4000  }
0xbe: {  	[sflag:s16] =	ssyncset.done $0x0  }
0xbf: {  	s28 =	simm.s32 $0x180;
	s26 =	simm.s32 $0x400;
	[sflag:s16] =	ssyncadd.s32 $0xFFFFC000  }
.LBB2_7:
0xc0: {  	[tilespmem:s20], [sflag:$0x2] =	stream.indirect.gather [hbm4b:s4+s18], $0x80, s28, s18, $0xb8;
	[tilespmem:$0x1E800] =	vst v63  }
0xc1: {  	s28 =	smov.u32 s26  }
0xc2: {  	p1 =	sne.s32 s26, $0x4800;
	s26 =	sadd.s32 $0x400, s26;
	_ =	swait.ge [sflag:s21], $0x4000  }
0xc3: {  	s28 =	sshra.s32 s28, $0x2;
	[sflag:s21] =	ssyncset.done $0x0  }
0xc4: {  	s29 =	sadd.s32 $0x1400, s28;
	[sflag:s21] =	ssyncadd.s32 $0xFFFFC000  }
0xc5: {  	[spmem:s2] =	stream.indirect.scatter.add.f32 [tilespmem:s19], [sflag:$0x3], $0x80, s29, s18, $0xb8;
	[tilespmem:$0x1E800] =	vst v63  }
0xc6: {  	_ =	swait.ge [sflag:s16], $0x4000  }
0xc7: {  	[sflag:s16] =	ssyncset.done $0x0  }
0xc8: {  	s29 =	sadd.s32 $0x100, s28;
	[sflag:s16] =	ssyncadd.s32 $0xFFFFC000  }
0xc9: {  	[tilespmem:s19], [sflag:$0x1] =	stream.indirect.gather [hbm4b:s4+s18], $0x80, s29, s18, $0xb8;
	[tilespmem:$0x1E800] =	vst v63  }
0xca: {  	_ =	swait.ge [sflag:s22], $0x4000  }
0xcb: {  	[sflag:s22] =	ssyncset.done $0x0  }
.Ltmp5:
0xcc: {  	s29 =	sadd.s32 $0x1480, s28;
	[sflag:s22] =	ssyncadd.s32 $0xFFFFC000;
	(pc) =	sbr.rel @p1 .LBB2_7-.Ltmp5, $4  }
0xcd: {  	[spmem:s2] =	stream.indirect.scatter.add.f32 [tilespmem:s20], [sflag:$0x3], $0x80, s29, s18, $0xb8;
	[tilespmem:$0x1E800] =	vst v63  }
0xce: {  	_ =	swait.ge [sflag:s16], $0x4000  }
0xcf: {  	[sflag:s16] =	ssyncset.done $0x0  }
0xd0: {  	s28 =	sadd.s32 $0x180, s28;
	[sflag:s16] =	ssyncadd.s32 $0xFFFFC000  }
.Ltmp6:
0xd1: {  	_ = 	snop;
	(pc) =	sbr.rel .LBB2_8-.Ltmp6, $1  }
0xd2: {  	_ =	sdelay $0x3  }
.LBB2_10:
0xd3: {  	_ =	sfence.sel $0x180000  }
0xd4: {  	[bflag:$0x0] =	sbarrier.arrive $0xFFFF  }
0xd5: {  	p0 =	sne.s32 s1, $0x0;
	_ =	strace $0x9000004A  }
0xd6: {  	s0 =	sadd.s32 @!p0 $0x100000, s0;
	[bflag:$0x2] =	sbarrier.arrive $0xFFFF  }
0xd7: {  	[sflag:s0] =	ssyncadd.tile.s32 @!p0 $0x1;
	_ =	shalt  }
.Lfunc_end2:
_tile_overlayer_lowered:
.L_overlay_start_2:
0xd8: {  	(tag) =	ssettag $0x2  }
0xd9: {  	s0 =	rddreg [dreg:$0x0];
	s2 =	stileid.u32  }
0xda: {  	s1 =	rddreg [dreg:$0x1];
	p0 =	sne.s32 s2, $0x0  }
0xdb: {  	s3 =	rddreg [dreg:$0x2];
	[bflag:$0x3] =	sbarrier.arrive $0xFFFF;
	s2 =	simm.s32 @!p0 $0x1C03  }
0xdc: {  	[timem:s3], [sflag:s2] =	dma.local @!p0 [hbm:s0], s1  }
0xdd: {  	s0 =	simm.s32 @!p0 $0x3  }
0xde: {  	_ =	swait.ge @!p0 [sflag:s0], s1  }
0xdf: {  	s1 =	ssub.s32 @!p0 $0x0, s1;
	[sflag:s0] =	ssyncset.done @!p0 $0x0  }
0xe0: {  	[sflag:s0] =	ssyncadd.s32 @!p0 s1  }
0xe1: {  	[bflag:$0x3] =	sbarrier.arrive $0xFFFF  }
0xe2: {  	_ =	shalt  }

// kernel: kernel.16.cloned.1.call-start
scs
__scs_entry_jumppad:
0x0: {  	(pc) =	sbr.rel $0x88, $3  }
0x1: {  	(tag) =	ssettag $0x0;
	lr =	simm.s32 $0x1  }
0x2: {  	[smem:$0x3F95] =	sst lr;
	_ =	strace $0xD0000000  }
0x3: {  	_ = 	snop  }
0x4: {  	_ = 	snop  }
0x5: {  	_ = 	snop  }
0x6: {  	_ = 	snop  }
0x7: {  	_ = 	snop  }
__scs_overlays_trampoline_lowered:
0x8: {  	[smem:$0x3FA4] =	sst s0  }
0x9: {  	[smem:$0x3FA5] =	sst s1  }
0xa: {  	[smem:$0x3FA6] =	sst s2  }
0xb: {  	[smem:$0x3FA7] =	sst s3  }
0xc: {  	[smem:$0x3FA8] =	sst s4  }
0xd: {  	[smem:$0x3FA9] =	sst s5  }
0xe: {  	[smem:$0x3FAA] =	sst s6  }
0xf: {  	[smem:$0x3FAB] =	sst s7  }
0x10: {  	[smem:$0x3FAC] =	sst s8  }
0x11: {  	[smem:$0x3FAD] =	sst s9;
	s0 =	simm.s32 @!p0 $0x0  }
0x12: {  	s1 =	sld [smem:$0x3F93];
	s0 =	simm.s32 @p0 $0x1  }
0x13: {  	[smem:$0x3FAE] =	sst s0;
	s0 =	simm.s32 @!p1 $0x0  }
0x14: {  	s2 =	sld [smem:$0x3F92];
	s0 =	simm.s32 @p1 $0x1  }
0x15: {  	[smem:$0x3FAF] =	sst s0;
	s0 =	simm.s32 @!p2 $0x0  }
0x16: {  	s3 =	sld [smem:$0x3FDB];
	s0 =	simm.s32 @p2 $0x1  }
0x17: {  	s4 =	simm.s32 $0x1BF5;
	[smem:$0x3FB1] =	sst s0  }
0x18: {  	s0 =	sld [smem:$0x3F94];
	_ =	swait.ge [sflag:s4], $0x0  }
0x19: {  	s7 =	sld [smem:$0x3F95]  }
0x1a: {  	s8 =	sadd.s32 $0xFFFFE003, lr  }
0x1b: {  	s9 =	sadd.s32 $0xFFFFFEF7, lr;
	s5 =	simm.s32 $0xFFFFFFFF;
	p2 =	slt.u32 s8, $0xFFFFF086  }
0x1c: {  	p1 =	slt.u32 s9, $0xF7A;
	s5 =	simm.s32 @!p2 $0x0  }
0x1d: {  	s5 =	simm.s32 @p1 $0x1;
	p0 =	seq.s32 s7, s2  }
0x1e: {  	s7 =	smul.u32 @!p0 $0xF7A, s2;
	p2 =	seq.s32 @!p0 s5, $0x0  }
0x1f: {  	s9 =	smul.u32 $0xF7A, s1;
	s8 =	simm.s32 @!p0 $0x1BF5;
	p2 =	por !p2, p0  }
0x20: {  	[sflag:s8] =	ssyncset.s32 @!p0 $0xFFFFF086;
	s6 =	sadd.s32 @!p0 s3, s7;
	s7 =	simm.s32 @!p0 $0x108  }
0x21: {  	s3 =	sadd.s32 s3, s9;
	s6 =	sadd.s32 @!p0 $0x88, s6;
	s7 =	simm.s32 @p2 $0x1082  }
0x22: {  	[simem:s7], [sflag:s8] =	dma.local @!p0 [hbm:s6], $0xF7A  }
0x23: {  	s9 =	sor.u32 $0xD0000000, s2;
	s6 =	simm.s32 $0x108;
	_ =	swait.ge @!p0 [sflag:s8], $0x0  }
0x24: {  	s3 =	sadd.s32 $0x88, s3;
	s6 =	simm.s32 @!p1 $0x1082;
	[sflag:s4] =	ssyncset.s32 $0xFFFFF086  }
0x25: {  	[simem:s6], [sflag:s4] =	dma.local [hbm:s3], $0xF7A  }
0x26: {  	[smem:$0x3F95] =	sst s1;
	(tag) =	ssettag s2;
	_ =	strace s9  }
0x27: {  	s1 =	sld [smem:$0x3FA5]  }
0x28: {  	s2 =	sld [smem:$0x3FA6]  }
0x29: {  	s4 =	sld [smem:$0x3FA8]  }
0x2a: {  	p0 =	seq.s32 s5, $0x0;
	s5 =	sld [smem:$0x3FA9]  }
0x2b: {  	s6 =	sld [smem:$0x3FAA]  }
0x2c: {  	s7 =	sld [smem:$0x3FAB]  }
0x2d: {  	s3 =	simm.s32 $0x108;
	s8 =	sld [smem:$0x3FAC]  }
0x2e: {  	s3 =	simm.s32 @!p0 $0x1082;
	s9 =	sld [smem:$0x3FAD]  }
0x2f: {  	lr =	sadd.s32 s0, s3;
	s0 =	sld [smem:$0x3FA4]  }
0x30: {  	s3 =	sld [smem:$0x3FA7]  }
0x31: {  	[smem:$0x3FB0] =	sst s10  }
0x32: {  	s10 =	sld [smem:$0x3FAE];
	_ =	sdelay $0x3  }
0x33: {  	p0 =	seq.s32 s10, $0x1;
	s10 =	sld [smem:$0x3FB0];
	_ =	sdelay $0x3  }
0x34: {  	[smem:$0x3FB0] =	sst s10  }
0x35: {  	s10 =	sld [smem:$0x3FAF];
	_ =	sdelay $0x3  }
0x36: {  	p1 =	seq.s32 s10, $0x1;
	s10 =	sld [smem:$0x3FB0];
	_ =	sdelay $0x3  }
0x37: {  	[smem:$0x3FB0] =	sst s10  }
0x38: {  	s10 =	sld [smem:$0x3FB1]  }
0x39: {  	_ = 	snop;
	(pc) =	sbr.ind lr, $3  }
0x3a: {  	_ = 	snop  }
0x3b: {  	_ = 	snop  }
0x3c: {  	p2 =	seq.s32 s10, $0x1;
	s10 =	sld [smem:$0x3FB0]  }
0x3d: {  	_ =	shalt  }
0x3e: {  	_ =	shalt  }
0x3f: {  	_ =	shalt  }
0x40: {  	_ =	shalt  }
0x41: {  	_ =	shalt  }
0x42: {  	_ =	shalt  }
0x43: {  	_ =	shalt  }
0x44: {  	_ =	shalt  }
0x45: {  	_ =	shalt  }
0x46: {  	_ =	shalt  }
0x47: {  	_ =	shalt  }
0x48: {  	_ =	shalt  }
0x49: {  	_ =	shalt  }
0x4a: {  	_ =	shalt  }
0x4b: {  	_ =	shalt  }
0x4c: {  	_ =	shalt  }
0x4d: {  	_ =	shalt  }
0x4e: {  	_ =	shalt  }
0x4f: {  	_ =	shalt  }
0x50: {  	_ =	shalt  }
0x51: {  	_ =	shalt  }
0x52: {  	_ =	shalt  }
0x53: {  	_ =	shalt  }
0x54: {  	_ =	shalt  }
0x55: {  	_ =	shalt  }
0x56: {  	_ =	shalt  }
0x57: {  	_ =	shalt  }
0x58: {  	_ =	shalt  }
0x59: {  	_ =	shalt  }
0x5a: {  	_ =	shalt  }
0x5b: {  	_ =	shalt  }
0x5c: {  	_ =	shalt  }
0x5d: {  	_ =	shalt  }
0x5e: {  	_ =	shalt  }
0x5f: {  	_ =	shalt  }
0x60: {  	_ =	shalt  }
0x61: {  	_ =	shalt  }
0x62: {  	_ =	shalt  }
0x63: {  	_ =	shalt  }
0x64: {  	_ =	shalt  }
0x65: {  	_ =	shalt  }
0x66: {  	_ =	shalt  }
0x67: {  	_ =	shalt  }
0x68: {  	_ =	shalt  }
0x69: {  	_ =	shalt  }
0x6a: {  	_ =	shalt  }
0x6b: {  	_ =	shalt  }
0x6c: {  	_ =	shalt  }
0x6d: {  	_ =	shalt  }
0x6e: {  	_ =	shalt  }
0x6f: {  	_ =	shalt  }
0x70: {  	_ =	shalt  }
0x71: {  	_ =	shalt  }
0x72: {  	_ =	shalt  }
0x73: {  	_ =	shalt  }
0x74: {  	_ =	shalt  }
0x75: {  	_ =	shalt  }
0x76: {  	_ =	shalt  }
0x77: {  	_ =	shalt  }
0x78: {  	_ =	shalt  }
0x79: {  	_ =	shalt  }
0x7a: {  	_ =	shalt  }
0x7b: {  	_ =	shalt  }
0x7c: {  	_ =	shalt  }
0x7d: {  	_ =	shalt  }
0x7e: {  	_ =	shalt  }
0x7f: {  	_ =	shalt  }
0x80: {  	_ =	shalt  }
0x81: {  	_ =	shalt  }
0x82: {  	_ =	shalt  }
0x83: {  	_ =	shalt  }
0x84: {  	_ =	shalt  }
0x85: {  	_ =	shalt  }
0x86: {  	_ =	shalt  }
0x87: {  	_ =	shalt  }
.Lfunc_end0:
.L_simem_size_0:
called_computation.2_lowered:
.L_overlay_start_0:
0x88: {  	s2 =	sld [smem:$0x3FD9]  }
0x89: {  	s3 =	sld [smem:$0x3FFE];
	_ =	sdelay $0x1  }
0x8a: {  	s1 =	srdreg.scid  }
0x8b: {  	s0 =	sand.u32 $0x1, s1  }
0x8c: {  	s17 =	sshll.u32 s0, $0xA;
	s2 =	sadd.s32 s3, s2  }
0x8d: {  	s2 =	sadd.s32 s2, s17  }
0x8e: {  	[smem:$0x3FBC] =	sst s2  }
0x8f: {  	_ = 	snop  }
0x90: {  	s2 =	sld [smem:$0x3FD0];
	(tm) =	ssettm $0x1  }
0x91: {  	s18 =	sld [smem:$0x3FFB];
	_ =	sdelay $0x3  }
0x92: {  	_ =	strace s18  }
0x93: {  	s3 =	sld [smem:$0x3FFC];
	_ =	sdelay $0x3  }
0x94: {  	_ =	strace s3  }
0x95: {  	s3 =	sld [smem:$0x3FFD];
	_ =	sdelay $0x3  }
0x96: {  	_ =	strace s3  }
0x97: {  	_ =	strace $0x8FFFFFFF  }
0x98: {  	s19 =	sld [smem:$0x3FDB];
	_ =	sdelay $0x1  }
0x99: {  	s4 =	simm.s32 $_scs_section_size  }
0x9a: {  	s5 =	simm.s32 $_size__tile_overlayer_lowered;
	s6 =	simm.s32 $_tile_overlayer_lowered  }
0x9b: {  	s22 =	simm.s32 $0x1BFF;
	s21 =	sshll.u32 s6, $0x1;
	s3 =	sadd.s32 s4, s19  }
0x9c: {  	s7 =	simm.s32 $0x0;
	s20 =	sshll.u32 s5, $0x1;
	s5 =	sadd.s32 s21, s3  }
0x9d: {  	[timem:s7], [sflag:s22] =	dma.local [hbm:s5], s20  }
0x9e: {  	_ =	swait.ge [sflag:s22], s20  }
0x9f: {  	s4 =	ssub.s32 $0x0, s20;
	[sflag:s22] =	ssyncset.done $0x0  }
0xa0: {  	[sflag:s22] =	ssyncadd.s32 s4;
	_ =	sdelay $0x1  }
0xa1: {  	s23 =	simm.s32 $0x1B8B  }
0xa2: {  	_ =	swait.ge [sflag:s23], $0x1  }
0xa3: {  	[sflag:s23] =	ssyncset.done $0x0  }
0xa4: {  	s25 =	simm.s32 $0x1B8E;
	s24 =	sld [smem:$0x3FFE];
	[sflag:s23] =	ssyncadd.s32 $0xFFFFFFFF  }
0xa5: {  	s26 =	simm.s32 $execute0_lowered;
	[smem:$0x3FD2] =	sst s25  }
0xa6: {  	s5 =	sshll.u32 s26, $0x1;
	_ =	strace $0x8000004C;
	[dreg:$0x1] =	wrdreg $0xFFFFFFFF  }
0xa7: {  	s28 =	simm.s32 $_size_execute0_lowered;
	s3 =	sadd.s32 s3, s5;
	[dreg:$0x0] =	wrdreg $0x0  }
0xa8: {  	s5 =	sshll.u32 s28, $0x1;
	[dreg:$0x2] =	wrdreg s3  }
0xa9: {  	[dreg:$0x3] =	wrdreg s5  }
0xaa: {  	[dreg:$0x4] =	wrdreg $0xC0  }
0xab: {  	_ =	task [dreg:s7], $0x5FFFF  }
0xac: {  	[dreg:$0x1] =	wrdreg $0xFFFFFFFF  }
0xad: {  	[dreg:$0x0] =	wrdreg $0x60  }
0xae: {  	[dreg:$0x2] =	wrdreg s24  }
0xaf: {  	[dreg:$0x3] =	wrdreg s2  }
0xb0: {  	[dreg:$0x4] =	wrdreg $0xA8000  }
0xb1: {  	[dreg:$0x5] =	wrdreg $0x9  }
0xb2: {  	_ =	task.clear_ibuf [dreg:s7], $0x6FFFF;
	_ =	strace $0x9000004C  }
0xb3: {  	s29 =	simm.s32 $0x9;
	_ =	strace $0x8000004E  }
0xb4: {  	_ =	swait.ge [sflag:s29], $0x1  }
0xb5: {  	[sflag:s29] =	ssyncadd.s32 $0xFFFFFFFF  }
0xb6: {  	_ =	strace $0x9000004E  }
0xb7: {  	_ =	sfence  }
0xb8: {  	s30 =	sld [smem:$0x0];
	_ =	sdelay $0x2  }
0xb9: {  	s31 =	sshll.u32 s1, $0xD;
	s1 =	sshrl.u32 s1, $0x2  }
0xba: {  	s3 =	sand.u32 $0x4000, s31;
	s1 =	sadd.s32 s1, s30  }
0xbb: {  	s0 =	sor.u32 s3, s0;
	s1 =	sshll.u32 s1, $0x11  }
0xbc: {  	s0 =	sor.u32 s1, s0  }
0xbd: {  	s0 =	sadd.s32 $0x8F2B, s0  }
0xbe: {  	[sflag:s0] =	ssyncadd.remote.s32 $0x1  }
0xbf: {  	_ =	sfence.sel $0xFFFF  }
0xc0: {  	[dreg:$0x0] =	wrdreg $0xFFFFFFFF;
	(pc) =	sbr.abs _section_cstart, $3  }
0xc1: {  	[dreg:$0x1] =	wrdreg $0xFFFFFFFF  }
0xc2: {  	_ =	task.clear_ibuf [dreg:s7], $0x2FFFF;
	_ =	strace $0x9FFFFFFF  }
0xc3: {  	(tm) =	ssettm $0x7FFFFFFF  }
tec
execute0_lowered:
.L_overlay_start_1:
0x0: {  	(tag) =	ssettag $0x1  }
0x1: {  	s5 =	rddreg [dreg:$0x0]  }
0x2: {  	s12 =	rddreg [dreg:$0x1]  }
0x3: {  	s2 =	rddreg [dreg:$0x2]  }
0x4: {  	s0 =	rddreg [dreg:$0x3];
	s3 =	simm.s32 $0x0  }
0x5: {  	s1 =	stileid.u32;
	s4 =	srdreg.scid;
	s17 =	simm.s32 $0x1400  }
0x6: {  	s18 =	simm.s32 $0x80;
	s19 =	simm.s32 $0x2800;
	s20 =	simm.s32 $0x6800  }
0x7: {  	s21 =	simm.s32 $0x1;
	[smem:$0x7FF] =	sst s3;
	s6 =	smul.u32 $0x14000, s1  }
0x8: {  	s23 =	sand.u32 $0x1, s4;
	s4 =	sadd.s32 $0x86600, s5;
	s9 =	smul.u32 $0x50000, s1  }
0x9: {  	s11 =	sadd.s32 $0x7C600, s5;
	s10 =	smul.u32 $0x5000, s1;
	s28 =	sshll.u32 s1, $0x6  }
0xa: {  	_ =	strace $0x8000004D;
	s7 =	smul.u32 $0x140000, s23;
	s22 =	ssub.s32 $0x2, s23  }
0xb: {  	s13 =	smul.u32 $0x3C00, s23;
	p0 =	sne.s32 s23, $0x0;
	s23 =	simm.s32 $0x2700  }
0xc: {  	s8 =	sshrl.u32 s6, $0x3;
	s24 =	sshrl.u32 s22, $0x1;
	s25 =	sshrl.u32 s9, $0x2  }
0xd: {  	s30 =	sshrl.u32 s10, $0x3;
	s8 =	sadd.s32 s8, s5;
	s6 =	sadd.s32 s6, s7  }
0xe: {  	s15 =	ssub.s32 s22, s24;
	s16 =	sadd.s32 s25, s2;
	s26 =	sadd.s32 s13, s10  }
0xf: {  	s10 =	sadd.s32 $0x280, s30;
	s31 =	sadd.s32 $0x500, s30;
	s22 =	simm.s32 $0x2  }
0x10: {  	s24 =	simm.s32 $0x2780;
	s25 =	simm.s32 $0x0;
	s6 =	sshrl.u32 s6, $0x3  }
.Ltmp0:
0x11: {  	s29 =	sshrl.u32 s26, $0x3;
	s9 =	sadd.s32 s11, s10;
	(pc) =	sbr.rel .LBB2_1-.Ltmp0, $4  }
0x12: {  	s10 =	sadd.s32 s12, s10;
	s14 =	sadd.s32 s6, s5;
	s5 =	sadd.s32 $0x4600, s8  }
0x13: {  	s6 =	sor.u32 $0x1C03, s28;
	s7 =	sadd.s32 s11, s29;
	s8 =	sadd.s32 s12, s29  }
0x14: {  	s11 =	sadd.s32 s11, s31;
	s12 =	sadd.s32 s12, s31;
	s13 =	sadd.s32 $0xAE600, s14  }
0x15: {  	s14 =	smax.u32 s15, $0x1;
	s15 =	sshrl.u32 s16, $0x3;
	s16 =	simm.s32 $0x3  }
.LBB2_8:
0x16: {  	[tilespmem:s20], [sflag:$0x2] =	stream.indirect.gather [hbm4b:s4+s18], $0x80, s28, s18, $0xb8;
	[tilespmem:$0x1E800] =	vst v63  }
0x17: {  	_ =	swait.ge [sflag:s21], $0x4000  }
0x18: {  	[sflag:s21] =	ssyncset.done $0x0  }
0x19: {  	[sflag:s21] =	ssyncadd.s32 $0xFFFFC000  }
0x1a: {  	[spmem:s2] =	stream.indirect.scatter.add.f32 [tilespmem:s19], [sflag:$0x3], $0x80, s23, s18, $0xb8;
	[tilespmem:$0x1E800] =	vst v63  }
0x1b: {  	_ =	swait.ge [sflag:s16], $0x4000  }
0x1c: {  	[sflag:s16] =	ssyncset.done $0x0  }
0x1d: {  	[sflag:s16] =	ssyncadd.s32 $0xFFFFC000  }
0x1e: {  	_ =	swait.ge [sflag:s22], $0x4000  }
0x1f: {  	[sflag:s22] =	ssyncset.done $0x0  }
0x20: {  	[sflag:s22] =	ssyncadd.s32 $0xFFFFC000  }
0x21: {  	[spmem:s2] =	stream.indirect.scatter.add.f32 [tilespmem:s20], [sflag:$0x3], $0x80, s24, s18, $0xb8;
	[tilespmem:$0x1E800] =	vst v63  }
0x22: {  	_ =	swait.ge [sflag:s16], $0x4000  }
0x23: {  	[sflag:s16] =	ssyncset.done $0x0  }
0x24: {  	[sflag:s16] =	ssyncadd.s32 $0xFFFFC000  }
.LBB2_9:
0x25: {  	s25 =	sadd.s32 $0x1, s25  }
0x26: {  	p1 =	sne.s32 s25, s14  }
.Ltmp1:
0x27: {  	[bflag:$0x0] =	sbarrier.arrive $0xFFFF;
	(pc) =	sbr.rel @!p1 .LBB2_10-.Ltmp1, $4  }
0x28: {  	[hbm:s13], [sflag:s6] =	dma.local [spmem:s15], $0x2800  }
0x29: {  	_ =	swait.ge [sflag:s16], $0x2800  }
0x2a: {  	[sflag:s16] =	ssyncset.done $0x0  }
0x2b: {  	[sflag:s16] =	ssyncadd.s32 $0xFFFFD800  }
.LBB2_1:
0x2c: {  	[spmem:s15], [sflag:s6] =	dma.local [hbm:s5], $0x2800  }
0x2d: {  	_ =	swait.ge [sflag:s16], $0x2800  }
0x2e: {  	[sflag:s16] =	ssyncset.done $0x0  }
0x2f: {  	[sflag:s16] =	ssyncadd.s32 $0xFFFFD800  }
0x30: {  	[bflag:$0x0] =	sbarrier.arrive $0xFFFF  }
0x31: {  	[tilespmem:s3], [sflag:$0x3] =	stream.linear.gather [hbm4b:s7+s3], $0x1400, $0x38;
	[tilespmem:$0x1E800] =	vst v63  }
0x32: {  	_ =	swait.ge [sflag:s16], $0x1400  }
0x33: {  	[sflag:s16] =	ssyncset.done $0x0  }
0x34: {  	[sflag:s16] =	ssyncadd.s32 $0xFFFFEC00  }
0x35: {  	[tilespmem:s17], [sflag:$0x3] =	stream.linear.gather [hbm4b:s8+s3], $0x1400, $0x38;
	[tilespmem:$0x1E800] =	vst v63  }
0x36: {  	_ =	swait.ge [sflag:s16], $0x1400  }
0x37: {  	[sflag:s16] =	ssyncset.done $0x0  }
0x38: {  	[sflag:s16] =	ssyncadd.s32 $0xFFFFEC00  }
0x39: {  	[tilespmem:s19], [sflag:$0x1] =	stream.indirect.gather [hbm4b:s4+s18], $0x80, s3, s18, $0xb8;
	[tilespmem:$0x1E800] =	vst v63  }
0x3a: {  	_ = 	snop  }
0x3b: {  	[tilespmem:s20], [sflag:$0x2] =	stream.indirect.gather [hbm4b:s4+s18], $0x80, s18, s18, $0xb8;
	[tilespmem:$0x1E800] =	vst v63  }
0x3c: {  	_ =	swait.ge [sflag:s21], $0x4000  }
0x3d: {  	[sflag:s21] =	ssyncset.done $0x0  }
0x3e: {  	s26 =	simm.s32 $0x1400;
	[sflag:s21] =	ssyncadd.s32 $0xFFFFC000  }
0x3f: {  	[spmem:s2] =	stream.indirect.scatter.add.f32 [tilespmem:s19], [sflag:$0x3], $0x80, s26, s18, $0xb8;
	[tilespmem:$0x1E800] =	vst v63  }
0x40: {  	_ =	swait.ge [sflag:s16], $0x4000  }
0x41: {  	[sflag:s16] =	ssyncset.done $0x0  }
0x42: {  	s30 =	simm.s32 $0x100;
	[sflag:s16] =	ssyncadd.s32 $0xFFFFC000  }
0x43: {  	[tilespmem:s19], [sflag:$0x1] =	stream.indirect.gather [hbm4b:s4+s18], $0x80, s30, s18, $0xb8;
	[tilespmem:$0x1E800] =	vst v63  }
0x44: {  	_ =	swait.ge [sflag:s22], $0x4000  }
0x45: {  	[sflag:s22] =	ssyncset.done $0x0  }
0x46: {  	s31 =	simm.s32 $0x1480;
	[sflag:s22] =	ssyncadd.s32 $0xFFFFC000  }
0x47: {  	[spmem:s2] =	stream.indirect.scatter.add.f32 [tilespmem:s20], [sflag:$0x3], $0x80, s31, s18, $0xb8;
	[tilespmem:$0x1E800] =	vst v63  }
0x48: {  	_ =	swait.ge [sflag:s16], $0x4000  }
0x49: {  	[sflag:s16] =	ssyncset.done $0x0  }
0x4a: {  	s28 =	simm.s32 $0x180;
	s26 =	simm.s32 $0x400;
	[sflag:s16] =	ssyncadd.s32 $0xFFFFC000  }
.LBB2_2:
0x4b: {  	[tilespmem:s20], [sflag:$0x2] =	stream.indirect.gather [hbm4b:s4+s18], $0x80, s28, s18, $0xb8;
	[tilespmem:$0x1E800] =	vst v63  }
0x4c: {  	s28 =	smov.u32 s26  }
0x4d: {  	p1 =	sne.s32 s26, $0x4800;
	s26 =	sadd.s32 $0x400, s26;
	_ =	swait.ge [sflag:s21], $0x4000  }
0x4e: {  	s28 =	sshra.s32 s28, $0x2;
	[sflag:s21] =	ssyncset.done $0x0  }
0x4f: {  	s29 =	sadd.s32 $0x1400, s28;
	[sflag:s21] =	ssyncadd.s32 $0xFFFFC000  }
0x50: {  	[spmem:s2] =	stream.indirect.scatter.add.f32 [tilespmem:s19], [sflag:$0x3], $0x80, s29, s18, $0xb8;
	[tilespmem:$0x1E800] =	vst v63  }
0x51: {  	_ =	swait.ge [sflag:s16], $0x4000  }
0x52: {  	[sflag:s16] =	ssyncset.done $0x0  }
0x53: {  	s29 =	sadd.s32 $0x100, s28;
	[sflag:s16] =	ssyncadd.s32 $0xFFFFC000  }
0x54: {  	[tilespmem:s19], [sflag:$0x1] =	stream.indirect.gather [hbm4b:s4+s18], $0x80, s29, s18, $0xb8;
	[tilespmem:$0x1E800] =	vst v63  }
0x55: {  	_ =	swait.ge [sflag:s22], $0x4000  }
0x56: {  	[sflag:s22] =	ssyncset.done $0x0  }
.Ltmp2:
0x57: {  	s29 =	sadd.s32 $0x1480, s28;
	[sflag:s22] =	ssyncadd.s32 $0xFFFFC000;
	(pc) =	sbr.rel @p1 .LBB2_2-.Ltmp2, $4  }
0x58: {  	[spmem:s2] =	stream.indirect.scatter.add.f32 [tilespmem:s20], [sflag:$0x3], $0x80, s29, s18, $0xb8;
	[tilespmem:$0x1E800] =	vst v63  }
0x59: {  	_ =	swait.ge [sflag:s16], $0x4000  }
0x5a: {  	[sflag:s16] =	ssyncset.done $0x0  }
0x5b: {  	s28 =	sadd.s32 $0x180, s28;
	[sflag:s16] =	ssyncadd.s32 $0xFFFFC000  }
0x5c: {  	[tilespmem:s20], [sflag:$0x2] =	stream.indirect.gather [hbm4b:s4+s18], $0x80, s28, s18, $0xb8;
	[tilespmem:$0x1E800] =	vst v63  }
0x5d: {  	_ =	swait.ge [sflag:s21], $0x4000  }
0x5e: {  	[sflag:s21] =	ssyncset.done $0x0  }
0x5f: {  	[sflag:s21] =	ssyncadd.s32 $0xFFFFC000  }
0x60: {  	[spmem:s2] =	stream.indirect.scatter.add.f32 [tilespmem:s19], [sflag:$0x3], $0x80, s23, s18, $0xb8;
	[tilespmem:$0x1E800] =	vst v63  }
0x61: {  	_ =	swait.ge [sflag:s16], $0x4000  }
0x62: {  	[sflag:s16] =	ssyncset.done $0x0  }
0x63: {  	[sflag:s16] =	ssyncadd.s32 $0xFFFFC000  }
0x64: {  	_ =	swait.ge [sflag:s22], $0x4000  }
0x65: {  	[sflag:s22] =	ssyncset.done $0x0  }
.Ltmp3:
0x66: {  	[sflag:s22] =	ssyncadd.s32 $0xFFFFC000;
	(pc) =	sbr.rel @p0 .LBB2_9-.Ltmp3, $4  }
0x67: {  	[spmem:s2] =	stream.indirect.scatter.add.f32 [tilespmem:s20], [sflag:$0x3], $0x80, s24, s18, $0xb8;
	[tilespmem:$0x1E800] =	vst v63  }
0x68: {  	_ =	swait.ge [sflag:s16], $0x4000  }
0x69: {  	[sflag:s16] =	ssyncset.done $0x0  }
0x6a: {  	[sflag:s16] =	ssyncadd.s32 $0xFFFFC000  }
0x6b: {  	s26 =	simm.s32 $0x0  }
0x6c: {  	[tilespmem:s26], [sflag:$0x3] =	stream.linear.gather [hbm4b:s9+s26], $0x1400, $0x38;
	[tilespmem:$0x1E800] =	vst v63  }
0x6d: {  	_ =	swait.ge [sflag:s16], $0x1400  }
0x6e: {  	[sflag:s16] =	ssyncset.done $0x0  }
0x6f: {  	[sflag:s16] =	ssyncadd.s32 $0xFFFFEC00  }
0x70: {  	[tilespmem:s17], [sflag:$0x3] =	stream.linear.gather [hbm4b:s10+s26], $0x1400, $0x38;
	[tilespmem:$0x1E800] =	vst v63  }
0x71: {  	_ =	swait.ge [sflag:s16], $0x1400  }
0x72: {  	[sflag:s16] =	ssyncset.done $0x0  }
0x73: {  	[sflag:s16] =	ssyncadd.s32 $0xFFFFEC00  }
0x74: {  	[tilespmem:s19], [sflag:$0x1] =	stream.indirect.gather [hbm4b:s4+s18], $0x80, s26, s18, $0xb8;
	[tilespmem:$0x1E800] =	vst v63  }
0x75: {  	_ = 	snop  }
0x76: {  	[tilespmem:s20], [sflag:$0x2] =	stream.indirect.gather [hbm4b:s4+s18], $0x80, s18, s18, $0xb8;
	[tilespmem:$0x1E800] =	vst v63  }
0x77: {  	_ =	swait.ge [sflag:s21], $0x4000  }
0x78: {  	[sflag:s21] =	ssyncset.done $0x0  }
0x79: {  	s29 =	simm.s32 $0x1400;
	[sflag:s21] =	ssyncadd.s32 $0xFFFFC000  }
0x7a: {  	[spmem:s2] =	stream.indirect.scatter.add.f32 [tilespmem:s19], [sflag:$0x3], $0x80, s29, s18, $0xb8;
	[tilespmem:$0x1E800] =	vst v63  }
0x7b: {  	_ =	swait.ge [sflag:s16], $0x4000  }
0x7c: {  	[sflag:s16] =	ssyncset.done $0x0  }
0x7d: {  	s30 =	simm.s32 $0x100;
	[sflag:s16] =	ssyncadd.s32 $0xFFFFC000  }
0x7e: {  	[tilespmem:s19], [sflag:$0x1] =	stream.indirect.gather [hbm4b:s4+s18], $0x80, s30, s18, $0xb8;
	[tilespmem:$0x1E800] =	vst v63  }
0x7f: {  	_ =	swait.ge [sflag:s22], $0x4000  }
0x80: {  	[sflag:s22] =	ssyncset.done $0x0  }
0x81: {  	s31 =	simm.s32 $0x1480;
	[sflag:s22] =	ssyncadd.s32 $0xFFFFC000  }
0x82: {  	[spmem:s2] =	stream.indirect.scatter.add.f32 [tilespmem:s20], [sflag:$0x3], $0x80, s31, s18, $0xb8;
	[tilespmem:$0x1E800] =	vst v63  }
0x83: {  	_ =	swait.ge [sflag:s16], $0x4000  }
0x84: {  	[sflag:s16] =	ssyncset.done $0x0  }
0x85: {  	s28 =	simm.s32 $0x180;
	s26 =	simm.s32 $0x400;
	[sflag:s16] =	ssyncadd.s32 $0xFFFFC000  }
.LBB2_5:
0x86: {  	[tilespmem:s20], [sflag:$0x2] =	stream.indirect.gather [hbm4b:s4+s18], $0x80, s28, s18, $0xb8;
	[tilespmem:$0x1E800] =	vst v63  }
0x87: {  	s28 =	smov.u32 s26  }
0x88: {  	p1 =	sne.s32 s26, $0x4800;
	s26 =	sadd.s32 $0x400, s26;
	_ =	swait.ge [sflag:s21], $0x4000  }
0x89: {  	s28 =	sshra.s32 s28, $0x2;
	[sflag:s21] =	ssyncset.done $0x0  }
0x8a: {  	s29 =	sadd.s32 $0x1400, s28;
	[sflag:s21] =	ssyncadd.s32 $0xFFFFC000  }
0x8b: {  	[spmem:s2] =	stream.indirect.scatter.add.f32 [tilespmem:s19], [sflag:$0x3], $0x80, s29, s18, $0xb8;
	[tilespmem:$0x1E800] =	vst v63  }
0x8c: {  	_ =	swait.ge [sflag:s16], $0x4000  }
0x8d: {  	[sflag:s16] =	ssyncset.done $0x0  }
0x8e: {  	s29 =	sadd.s32 $0x100, s28;
	[sflag:s16] =	ssyncadd.s32 $0xFFFFC000  }
0x8f: {  	[tilespmem:s19], [sflag:$0x1] =	stream.indirect.gather [hbm4b:s4+s18], $0x80, s29, s18, $0xb8;
	[tilespmem:$0x1E800] =	vst v63  }
0x90: {  	_ =	swait.ge [sflag:s22], $0x4000  }
0x91: {  	[sflag:s22] =	ssyncset.done $0x0  }
.Ltmp4:
0x92: {  	s29 =	sadd.s32 $0x1480, s28;
	[sflag:s22] =	ssyncadd.s32 $0xFFFFC000;
	(pc) =	sbr.rel @p1 .LBB2_5-.Ltmp4, $4  }
0x93: {  	[spmem:s2] =	stream.indirect.scatter.add.f32 [tilespmem:s20], [sflag:$0x3], $0x80, s29, s18, $0xb8;
	[tilespmem:$0x1E800] =	vst v63  }
0x94: {  	_ =	swait.ge [sflag:s16], $0x4000  }
0x95: {  	[sflag:s16] =	ssyncset.done $0x0  }
0x96: {  	s28 =	sadd.s32 $0x180, s28;
	[sflag:s16] =	ssyncadd.s32 $0xFFFFC000  }
0x97: {  	[tilespmem:s20], [sflag:$0x2] =	stream.indirect.gather [hbm4b:s4+s18], $0x80, s28, s18, $0xb8;
	[tilespmem:$0x1E800] =	vst v63  }
0x98: {  	_ =	swait.ge [sflag:s21], $0x4000  }
0x99: {  	[sflag:s21] =	ssyncset.done $0x0  }
0x9a: {  	[sflag:s21] =	ssyncadd.s32 $0xFFFFC000  }
0x9b: {  	[spmem:s2] =	stream.indirect.scatter.add.f32 [tilespmem:s19], [sflag:$0x3], $0x80, s23, s18, $0xb8;
	[tilespmem:$0x1E800] =	vst v63  }
0x9c: {  	_ =	swait.ge [sflag:s16], $0x4000  }
0x9d: {  	[sflag:s16] =	ssyncset.done $0x0  }
0x9e: {  	[sflag:s16] =	ssyncadd.s32 $0xFFFFC000  }
0x9f: {  	_ =	swait.ge [sflag:s22], $0x4000  }
0xa0: {  	[sflag:s22] =	ssyncset.done $0x0  }
0xa1: {  	[sflag:s22] =	ssyncadd.s32 $0xFFFFC000  }
0xa2: {  	[spmem:s2] =	stream.indirect.scatter.add.f32 [tilespmem:s20], [sflag:$0x3], $0x80, s24, s18, $0xb8;
	[tilespmem:$0x1E800] =	vst v63  }
0xa3: {  	_ =	swait.ge [sflag:s16], $0x4000  }
0xa4: {  	[sflag:s16] =	ssyncset.done $0x0  }
0xa5: {  	s26 =	simm.s32 $0x0;
	[sflag:s16] =	ssyncadd.s32 $0xFFFFC000  }
0xa6: {  	[tilespmem:s26], [sflag:$0x3] =	stream.linear.gather [hbm4b:s11+s26], $0x1400, $0x38;
	[tilespmem:$0x1E800] =	vst v63  }
0xa7: {  	_ =	swait.ge [sflag:s16], $0x1400  }
0xa8: {  	[sflag:s16] =	ssyncset.done $0x0  }
0xa9: {  	[sflag:s16] =	ssyncadd.s32 $0xFFFFEC00  }
0xaa: {  	[tilespmem:s17], [sflag:$0x3] =	stream.linear.gather [hbm4b:s12+s26], $0x1400, $0x38;
	[tilespmem:$0x1E800] =	vst v63  }
0xab: {  	_ =	swait.ge [sflag:s16], $0x1400  }
0xac: {  	[sflag:s16] =	ssyncset.done $0x0  }
0xad: {  	[sflag:s16] =	ssyncadd.s32 $0xFFFFEC00  }
0xae: {  	[tilespmem:s19], [sflag:$0x1] =	stream.indirect.gather [hbm4b:s4+s18], $0x80, s26, s18, $0xb8;
	[tilespmem:$0x1E800] =	vst v63  }
0xaf: {  	_ = 	snop  }
0xb0: {  	[tilespmem:s20], [sflag:$0x2] =	stream.indirect.gather [hbm4b:s4+s18], $0x80, s18, s18, $0xb8;
	[tilespmem:$0x1E800] =	vst v63  }
0xb1: {  	_ =	swait.ge [sflag:s21], $0x4000  }
0xb2: {  	[sflag:s21] =	ssyncset.done $0x0  }
0xb3: {  	s29 =	simm.s32 $0x1400;
	[sflag:s21] =	ssyncadd.s32 $0xFFFFC000  }
0xb4: {  	[spmem:s2] =	stream.indirect.scatter.add.f32 [tilespmem:s19], [sflag:$0x3], $0x80, s29, s18, $0xb8;
	[tilespmem:$0x1E800] =	vst v63  }
0xb5: {  	_ =	swait.ge [sflag:s16], $0x4000  }
0xb6: {  	[sflag:s16] =	ssyncset.done $0x0  }
0xb7: {  	s30 =	simm.s32 $0x100;
	[sflag:s16] =	ssyncadd.s32 $0xFFFFC000  }
0xb8: {  	[tilespmem:s19], [sflag:$0x1] =	stream.indirect.gather [hbm4b:s4+s18], $0x80, s30, s18, $0xb8;
	[tilespmem:$0x1E800] =	vst v63  }
0xb9: {  	_ =	swait.ge [sflag:s22], $0x4000  }
0xba: {  	[sflag:s22] =	ssyncset.done $0x0  }
0xbb: {  	s31 =	simm.s32 $0x1480;
	[sflag:s22] =	ssyncadd.s32 $0xFFFFC000  }
0xbc: {  	[spmem:s2] =	stream.indirect.scatter.add.f32 [tilespmem:s20], [sflag:$0x3], $0x80, s31, s18, $0xb8;
	[tilespmem:$0x1E800] =	vst v63  }
0xbd: {  	_ =	swait.ge [sflag:s16], $0x4000  }
0xbe: {  	[sflag:s16] =	ssyncset.done $0x0  }
0xbf: {  	s28 =	simm.s32 $0x180;
	s26 =	simm.s32 $0x400;
	[sflag:s16] =	ssyncadd.s32 $0xFFFFC000  }
.LBB2_7:
0xc0: {  	[tilespmem:s20], [sflag:$0x2] =	stream.indirect.gather [hbm4b:s4+s18], $0x80, s28, s18, $0xb8;
	[tilespmem:$0x1E800] =	vst v63  }
0xc1: {  	s28 =	smov.u32 s26  }
0xc2: {  	p1 =	sne.s32 s26, $0x4800;
	s26 =	sadd.s32 $0x400, s26;
	_ =	swait.ge [sflag:s21], $0x4000  }
0xc3: {  	s28 =	sshra.s32 s28, $0x2;
	[sflag:s21] =	ssyncset.done $0x0  }
0xc4: {  	s29 =	sadd.s32 $0x1400, s28;
	[sflag:s21] =	ssyncadd.s32 $0xFFFFC000  }
0xc5: {  	[spmem:s2] =	stream.indirect.scatter.add.f32 [tilespmem:s19], [sflag:$0x3], $0x80, s29, s18, $0xb8;
	[tilespmem:$0x1E800] =	vst v63  }
0xc6: {  	_ =	swait.ge [sflag:s16], $0x4000  }
0xc7: {  	[sflag:s16] =	ssyncset.done $0x0  }
0xc8: {  	s29 =	sadd.s32 $0x100, s28;
	[sflag:s16] =	ssyncadd.s32 $0xFFFFC000  }
0xc9: {  	[tilespmem:s19], [sflag:$0x1] =	stream.indirect.gather [hbm4b:s4+s18], $0x80, s29, s18, $0xb8;
	[tilespmem:$0x1E800] =	vst v63  }
0xca: {  	_ =	swait.ge [sflag:s22], $0x4000  }
0xcb: {  	[sflag:s22] =	ssyncset.done $0x0  }
.Ltmp5:
0xcc: {  	s29 =	sadd.s32 $0x1480, s28;
	[sflag:s22] =	ssyncadd.s32 $0xFFFFC000;
	(pc) =	sbr.rel @p1 .LBB2_7-.Ltmp5, $4  }
0xcd: {  	[spmem:s2] =	stream.indirect.scatter.add.f32 [tilespmem:s20], [sflag:$0x3], $0x80, s29, s18, $0xb8;
	[tilespmem:$0x1E800] =	vst v63  }
0xce: {  	_ =	swait.ge [sflag:s16], $0x4000  }
0xcf: {  	[sflag:s16] =	ssyncset.done $0x0  }
0xd0: {  	s28 =	sadd.s32 $0x180, s28;
	[sflag:s16] =	ssyncadd.s32 $0xFFFFC000  }
.Ltmp6:
0xd1: {  	_ = 	snop;
	(pc) =	sbr.rel .LBB2_8-.Ltmp6, $1  }
0xd2: {  	_ =	sdelay $0x3  }
.LBB2_10:
0xd3: {  	_ =	sfence.sel $0x180000  }
0xd4: {  	[bflag:$0x0] =	sbarrier.arrive $0xFFFF  }
0xd5: {  	p0 =	sne.s32 s1, $0x0;
	_ =	strace $0x9000004D  }
0xd6: {  	s0 =	sadd.s32 @!p0 $0x100000, s0;
	[bflag:$0x2] =	sbarrier.arrive $0xFFFF  }
0xd7: {  	[sflag:s0] =	ssyncadd.tile.s32 @!p0 $0x1;
	_ =	shalt  }
.Lfunc_end2:
_tile_overlayer_lowered:
.L_overlay_start_2:
0xd8: {  	(tag) =	ssettag $0x2  }
0xd9: {  	s0 =	rddreg [dreg:$0x0];
	s2 =	stileid.u32  }
0xda: {  	s1 =	rddreg [dreg:$0x1];
	p0 =	sne.s32 s2, $0x0  }
0xdb: {  	s3 =	rddreg [dreg:$0x2];
	[bflag:$0x3] =	sbarrier.arrive $0xFFFF;
	s2 =	simm.s32 @!p0 $0x1C03  }
0xdc: {  	[timem:s3], [sflag:s2] =	dma.local @!p0 [hbm:s0], s1  }
0xdd: {  	s0 =	simm.s32 @!p0 $0x3  }
0xde: {  	_ =	swait.ge @!p0 [sflag:s0], s1  }
0xdf: {  	s1 =	ssub.s32 @!p0 $0x0, s1;
	[sflag:s0] =	ssyncset.done @!p0 $0x0  }
0xe0: {  	[sflag:s0] =	ssyncadd.s32 @!p0 s1  }
0xe1: {  	[bflag:$0x3] =	sbarrier.arrive $0xFFFF  }
0xe2: {  	_ =	shalt  }

// kernel: kernel.19.cloned.1.call-start
scs
__scs_entry_jumppad:
0x0: {  	(pc) =	sbr.rel $0x88, $3  }
0x1: {  	(tag) =	ssettag $0x0;
	lr =	simm.s32 $0x1  }
0x2: {  	[smem:$0x3F95] =	sst lr;
	_ =	strace $0xD0000000  }
0x3: {  	_ = 	snop  }
0x4: {  	_ = 	snop  }
0x5: {  	_ = 	snop  }
0x6: {  	_ = 	snop  }
0x7: {  	_ = 	snop  }
__scs_overlays_trampoline_lowered:
0x8: {  	[smem:$0x3FA4] =	sst s0  }
0x9: {  	[smem:$0x3FA5] =	sst s1  }
0xa: {  	[smem:$0x3FA6] =	sst s2  }
0xb: {  	[smem:$0x3FA7] =	sst s3  }
0xc: {  	[smem:$0x3FA8] =	sst s4  }
0xd: {  	[smem:$0x3FA9] =	sst s5  }
0xe: {  	[smem:$0x3FAA] =	sst s6  }
0xf: {  	[smem:$0x3FAB] =	sst s7  }
0x10: {  	[smem:$0x3FAC] =	sst s8  }
0x11: {  	[smem:$0x3FAD] =	sst s9;
	s0 =	simm.s32 @!p0 $0x0  }
0x12: {  	s1 =	sld [smem:$0x3F93];
	s0 =	simm.s32 @p0 $0x1  }
0x13: {  	[smem:$0x3FAE] =	sst s0;
	s0 =	simm.s32 @!p1 $0x0  }
0x14: {  	s2 =	sld [smem:$0x3F92];
	s0 =	simm.s32 @p1 $0x1  }
0x15: {  	[smem:$0x3FAF] =	sst s0;
	s0 =	simm.s32 @!p2 $0x0  }
0x16: {  	s3 =	sld [smem:$0x3FDB];
	s0 =	simm.s32 @p2 $0x1  }
0x17: {  	s4 =	simm.s32 $0x1BF5;
	[smem:$0x3FB1] =	sst s0  }
0x18: {  	s0 =	sld [smem:$0x3F94];
	_ =	swait.ge [sflag:s4], $0x0  }
0x19: {  	s7 =	sld [smem:$0x3F95]  }
0x1a: {  	s8 =	sadd.s32 $0xFFFFE003, lr  }
0x1b: {  	s9 =	sadd.s32 $0xFFFFFEF7, lr;
	s5 =	simm.s32 $0xFFFFFFFF;
	p2 =	slt.u32 s8, $0xFFFFF086  }
0x1c: {  	p1 =	slt.u32 s9, $0xF7A;
	s5 =	simm.s32 @!p2 $0x0  }
0x1d: {  	s5 =	simm.s32 @p1 $0x1;
	p0 =	seq.s32 s7, s2  }
0x1e: {  	s7 =	smul.u32 @!p0 $0xF7A, s2;
	p2 =	seq.s32 @!p0 s5, $0x0  }
0x1f: {  	s9 =	smul.u32 $0xF7A, s1;
	s8 =	simm.s32 @!p0 $0x1BF5;
	p2 =	por !p2, p0  }
0x20: {  	[sflag:s8] =	ssyncset.s32 @!p0 $0xFFFFF086;
	s6 =	sadd.s32 @!p0 s3, s7;
	s7 =	simm.s32 @!p0 $0x108  }
0x21: {  	s3 =	sadd.s32 s3, s9;
	s6 =	sadd.s32 @!p0 $0x88, s6;
	s7 =	simm.s32 @p2 $0x1082  }
0x22: {  	[simem:s7], [sflag:s8] =	dma.local @!p0 [hbm:s6], $0xF7A  }
0x23: {  	s9 =	sor.u32 $0xD0000000, s2;
	s6 =	simm.s32 $0x108;
	_ =	swait.ge @!p0 [sflag:s8], $0x0  }
0x24: {  	s3 =	sadd.s32 $0x88, s3;
	s6 =	simm.s32 @!p1 $0x1082;
	[sflag:s4] =	ssyncset.s32 $0xFFFFF086  }
0x25: {  	[simem:s6], [sflag:s4] =	dma.local [hbm:s3], $0xF7A  }
0x26: {  	[smem:$0x3F95] =	sst s1;
	(tag) =	ssettag s2;
	_ =	strace s9  }
0x27: {  	s1 =	sld [smem:$0x3FA5]  }
0x28: {  	s2 =	sld [smem:$0x3FA6]  }
0x29: {  	s4 =	sld [smem:$0x3FA8]  }
0x2a: {  	p0 =	seq.s32 s5, $0x0;
	s5 =	sld [smem:$0x3FA9]  }
0x2b: {  	s6 =	sld [smem:$0x3FAA]  }
0x2c: {  	s7 =	sld [smem:$0x3FAB]  }
0x2d: {  	s3 =	simm.s32 $0x108;
	s8 =	sld [smem:$0x3FAC]  }
0x2e: {  	s3 =	simm.s32 @!p0 $0x1082;
	s9 =	sld [smem:$0x3FAD]  }
0x2f: {  	lr =	sadd.s32 s0, s3;
	s0 =	sld [smem:$0x3FA4]  }
0x30: {  	s3 =	sld [smem:$0x3FA7]  }
0x31: {  	[smem:$0x3FB0] =	sst s10  }
0x32: {  	s10 =	sld [smem:$0x3FAE];
	_ =	sdelay $0x3  }
0x33: {  	p0 =	seq.s32 s10, $0x1;
	s10 =	sld [smem:$0x3FB0];
	_ =	sdelay $0x3  }
0x34: {  	[smem:$0x3FB0] =	sst s10  }
0x35: {  	s10 =	sld [smem:$0x3FAF];
	_ =	sdelay $0x3  }
0x36: {  	p1 =	seq.s32 s10, $0x1;
	s10 =	sld [smem:$0x3FB0];
	_ =	sdelay $0x3  }
0x37: {  	[smem:$0x3FB0] =	sst s10  }
0x38: {  	s10 =	sld [smem:$0x3FB1]  }
0x39: {  	_ = 	snop;
	(pc) =	sbr.ind lr, $3  }
0x3a: {  	_ = 	snop  }
0x3b: {  	_ = 	snop  }
0x3c: {  	p2 =	seq.s32 s10, $0x1;
	s10 =	sld [smem:$0x3FB0]  }
0x3d: {  	_ =	shalt  }
0x3e: {  	_ =	shalt  }
0x3f: {  	_ =	shalt  }
0x40: {  	_ =	shalt  }
0x41: {  	_ =	shalt  }
0x42: {  	_ =	shalt  }
0x43: {  	_ =	shalt  }
0x44: {  	_ =	shalt  }
0x45: {  	_ =	shalt  }
0x46: {  	_ =	shalt  }
0x47: {  	_ =	shalt  }
0x48: {  	_ =	shalt  }
0x49: {  	_ =	shalt  }
0x4a: {  	_ =	shalt  }
0x4b: {  	_ =	shalt  }
0x4c: {  	_ =	shalt  }
0x4d: {  	_ =	shalt  }
0x4e: {  	_ =	shalt  }
0x4f: {  	_ =	shalt  }
0x50: {  	_ =	shalt  }
0x51: {  	_ =	shalt  }
0x52: {  	_ =	shalt  }
0x53: {  	_ =	shalt  }
0x54: {  	_ =	shalt  }
0x55: {  	_ =	shalt  }
0x56: {  	_ =	shalt  }
0x57: {  	_ =	shalt  }
0x58: {  	_ =	shalt  }
0x59: {  	_ =	shalt  }
0x5a: {  	_ =	shalt  }
0x5b: {  	_ =	shalt  }
0x5c: {  	_ =	shalt  }
0x5d: {  	_ =	shalt  }
0x5e: {  	_ =	shalt  }
0x5f: {  	_ =	shalt  }
0x60: {  	_ =	shalt  }
0x61: {  	_ =	shalt  }
0x62: {  	_ =	shalt  }
0x63: {  	_ =	shalt  }
0x64: {  	_ =	shalt  }
0x65: {  	_ =	shalt  }
0x66: {  	_ =	shalt  }
0x67: {  	_ =	shalt  }
0x68: {  	_ =	shalt  }
0x69: {  	_ =	shalt  }
0x6a: {  	_ =	shalt  }
0x6b: {  	_ =	shalt  }
0x6c: {  	_ =	shalt  }
0x6d: {  	_ =	shalt  }
0x6e: {  	_ =	shalt  }
0x6f: {  	_ =	shalt  }
0x70: {  	_ =	shalt  }
0x71: {  	_ =	shalt  }
0x72: {  	_ =	shalt  }
0x73: {  	_ =	shalt  }
0x74: {  	_ =	shalt  }
0x75: {  	_ =	shalt  }
0x76: {  	_ =	shalt  }
0x77: {  	_ =	shalt  }
0x78: {  	_ =	shalt  }
0x79: {  	_ =	shalt  }
0x7a: {  	_ =	shalt  }
0x7b: {  	_ =	shalt  }
0x7c: {  	_ =	shalt  }
0x7d: {  	_ =	shalt  }
0x7e: {  	_ =	shalt  }
0x7f: {  	_ =	shalt  }
0x80: {  	_ =	shalt  }
0x81: {  	_ =	shalt  }
0x82: {  	_ =	shalt  }
0x83: {  	_ =	shalt  }
0x84: {  	_ =	shalt  }
0x85: {  	_ =	shalt  }
0x86: {  	_ =	shalt  }
0x87: {  	_ =	shalt  }
.Lfunc_end0:
.L_simem_size_0:
called_computation.3_lowered:
.L_overlay_start_0:
0x88: {  	s2 =	sld [smem:$0x3FD9]  }
0x89: {  	s3 =	sld [smem:$0x3FFE];
	_ =	sdelay $0x1  }
0x8a: {  	s1 =	srdreg.scid  }
0x8b: {  	s0 =	sand.u32 $0x1, s1  }
0x8c: {  	s17 =	sshll.u32 s0, $0xA;
	s2 =	sadd.s32 s3, s2  }
0x8d: {  	s2 =	sadd.s32 s2, s17  }
0x8e: {  	[smem:$0x3FBC] =	sst s2  }
0x8f: {  	_ = 	snop  }
0x90: {  	s2 =	sld [smem:$0x3FD0];
	(tm) =	ssettm $0x1  }
0x91: {  	s18 =	sld [smem:$0x3FFB];
	_ =	sdelay $0x3  }
0x92: {  	_ =	strace s18  }
0x93: {  	s3 =	sld [smem:$0x3FFC];
	_ =	sdelay $0x3  }
0x94: {  	_ =	strace s3  }
0x95: {  	s3 =	sld [smem:$0x3FFD];
	_ =	sdelay $0x3  }
0x96: {  	_ =	strace s3  }
0x97: {  	_ =	strace $0x8FFFFFFF  }
0x98: {  	s19 =	sld [smem:$0x3FDB];
	_ =	sdelay $0x1  }
0x99: {  	s4 =	simm.s32 $_scs_section_size  }
0x9a: {  	s5 =	simm.s32 $_size__tile_overlayer_lowered;
	s6 =	simm.s32 $_tile_overlayer_lowered  }
0x9b: {  	s22 =	simm.s32 $0x1BFF;
	s21 =	sshll.u32 s6, $0x1;
	s3 =	sadd.s32 s4, s19  }
0x9c: {  	s7 =	simm.s32 $0x0;
	s20 =	sshll.u32 s5, $0x1;
	s5 =	sadd.s32 s21, s3  }
0x9d: {  	[timem:s7], [sflag:s22] =	dma.local [hbm:s5], s20  }
0x9e: {  	_ =	swait.ge [sflag:s22], s20  }
0x9f: {  	s4 =	ssub.s32 $0x0, s20;
	[sflag:s22] =	ssyncset.done $0x0  }
0xa0: {  	[sflag:s22] =	ssyncadd.s32 s4;
	_ =	sdelay $0x1  }
0xa1: {  	s23 =	simm.s32 $0x1B8B  }
0xa2: {  	_ =	swait.ge [sflag:s23], $0x1  }
0xa3: {  	[sflag:s23] =	ssyncset.done $0x0  }
0xa4: {  	s25 =	simm.s32 $0x1B8E;
	s24 =	sld [smem:$0x3FFE];
	[sflag:s23] =	ssyncadd.s32 $0xFFFFFFFF  }
0xa5: {  	s26 =	simm.s32 $execute0_lowered;
	[smem:$0x3FD2] =	sst s25  }
0xa6: {  	s5 =	sshll.u32 s26, $0x1;
	_ =	strace $0x8000004F;
	[dreg:$0x1] =	wrdreg $0xFFFFFFFF  }
0xa7: {  	s28 =	simm.s32 $_size_execute0_lowered;
	s3 =	sadd.s32 s3, s5;
	[dreg:$0x0] =	wrdreg $0x0  }
0xa8: {  	s5 =	sshll.u32 s28, $0x1;
	[dreg:$0x2] =	wrdreg s3  }
0xa9: {  	[dreg:$0x3] =	wrdreg s5  }
0xaa: {  	[dreg:$0x4] =	wrdreg $0xC0  }
0xab: {  	_ =	task [dreg:s7], $0x5FFFF  }
0xac: {  	[dreg:$0x1] =	wrdreg $0xFFFFFFFF  }
0xad: {  	[dreg:$0x0] =	wrdreg $0x60  }
0xae: {  	[dreg:$0x2] =	wrdreg s24  }
0xaf: {  	[dreg:$0x3] =	wrdreg s2  }
0xb0: {  	[dreg:$0x4] =	wrdreg $0xA8000  }
0xb1: {  	[dreg:$0x5] =	wrdreg $0x9  }
0xb2: {  	_ =	task.clear_ibuf [dreg:s7], $0x6FFFF;
	_ =	strace $0x9000004F  }
0xb3: {  	s29 =	simm.s32 $0x9;
	_ =	strace $0x80000051  }
0xb4: {  	_ =	swait.ge [sflag:s29], $0x1  }
0xb5: {  	[sflag:s29] =	ssyncadd.s32 $0xFFFFFFFF  }
0xb6: {  	_ =	strace $0x90000051  }
0xb7: {  	_ =	sfence  }
0xb8: {  	s30 =	sld [smem:$0x0];
	_ =	sdelay $0x2  }
0xb9: {  	s31 =	sshll.u32 s1, $0xD;
	s1 =	sshrl.u32 s1, $0x2  }
0xba: {  	s3 =	sand.u32 $0x4000, s31;
	s1 =	sadd.s32 s1, s30  }
0xbb: {  	s0 =	sor.u32 s3, s0;
	s1 =	sshll.u32 s1, $0x11  }
0xbc: {  	s0 =	sor.u32 s1, s0  }
0xbd: {  	s0 =	sadd.s32 $0x8F2B, s0  }
0xbe: {  	[sflag:s0] =	ssyncadd.remote.s32 $0x1  }
0xbf: {  	_ =	sfence.sel $0xFFFF  }
0xc0: {  	[dreg:$0x0] =	wrdreg $0xFFFFFFFF;
	(pc) =	sbr.abs _section_cstart, $3  }
0xc1: {  	[dreg:$0x1] =	wrdreg $0xFFFFFFFF  }
0xc2: {  	_ =	task.clear_ibuf [dreg:s7], $0x2FFFF;
	_ =	strace $0x9FFFFFFF  }
0xc3: {  	(tm) =	ssettm $0x7FFFFFFF  }
tec
execute0_lowered:
.L_overlay_start_1:
0x0: {  	(tag) =	ssettag $0x1  }
0x1: {  	s5 =	rddreg [dreg:$0x0]  }
0x2: {  	s12 =	rddreg [dreg:$0x1]  }
0x3: {  	s2 =	rddreg [dreg:$0x2]  }
0x4: {  	s0 =	rddreg [dreg:$0x3];
	s3 =	simm.s32 $0x0  }
0x5: {  	s1 =	stileid.u32;
	s4 =	srdreg.scid;
	s17 =	simm.s32 $0x1400  }
0x6: {  	s18 =	simm.s32 $0x80;
	s19 =	simm.s32 $0x2800;
	s20 =	simm.s32 $0x6800  }
0x7: {  	s21 =	simm.s32 $0x1;
	[smem:$0x7FF] =	sst s3;
	s6 =	smul.u32 $0x14000, s1  }
0x8: {  	s23 =	sand.u32 $0x1, s4;
	s4 =	sadd.s32 $0x86600, s5;
	s9 =	smul.u32 $0x50000, s1  }
0x9: {  	s11 =	sadd.s32 $0x7C600, s5;
	s10 =	smul.u32 $0x5000, s1;
	s28 =	sshll.u32 s1, $0x6  }
0xa: {  	_ =	strace $0x80000050;
	s7 =	smul.u32 $0x140000, s23;
	s22 =	ssub.s32 $0x2, s23  }
0xb: {  	s13 =	smul.u32 $0x3C00, s23;
	p0 =	sne.s32 s23, $0x0;
	s23 =	simm.s32 $0x2700  }
0xc: {  	s8 =	sshrl.u32 s6, $0x3;
	s24 =	sshrl.u32 s22, $0x1;
	s25 =	sshrl.u32 s9, $0x2  }
0xd: {  	s30 =	sshrl.u32 s10, $0x3;
	s8 =	sadd.s32 s8, s5;
	s6 =	sadd.s32 s6, s7  }
0xe: {  	s15 =	ssub.s32 s22, s24;
	s16 =	sadd.s32 s25, s2;
	s26 =	sadd.s32 s13, s10  }
0xf: {  	s10 =	sadd.s32 $0x280, s30;
	s31 =	sadd.s32 $0x500, s30;
	s22 =	simm.s32 $0x2  }
0x10: {  	s24 =	simm.s32 $0x2780;
	s25 =	simm.s32 $0x0;
	s6 =	sshrl.u32 s6, $0x3  }
.Ltmp0:
0x11: {  	s29 =	sshrl.u32 s26, $0x3;
	s9 =	sadd.s32 s11, s10;
	(pc) =	sbr.rel .LBB2_1-.Ltmp0, $4  }
0x12: {  	s10 =	sadd.s32 s12, s10;
	s14 =	sadd.s32 s6, s5;
	s5 =	sadd.s32 $0x4600, s8  }
0x13: {  	s6 =	sor.u32 $0x1C03, s28;
	s7 =	sadd.s32 s11, s29;
	s8 =	sadd.s32 s12, s29  }
0x14: {  	s11 =	sadd.s32 s11, s31;
	s12 =	sadd.s32 s12, s31;
	s13 =	sadd.s32 $0xAE600, s14  }
0x15: {  	s14 =	smax.u32 s15, $0x1;
	s15 =	sshrl.u32 s16, $0x3;
	s16 =	simm.s32 $0x3  }
.LBB2_8:
0x16: {  	[tilespmem:s20], [sflag:$0x2] =	stream.indirect.gather [hbm4b:s4+s18], $0x80, s28, s18, $0xb8;
	[tilespmem:$0x1E800] =	vst v63  }
0x17: {  	_ =	swait.ge [sflag:s21], $0x4000  }
0x18: {  	[sflag:s21] =	ssyncset.done $0x0  }
0x19: {  	[sflag:s21] =	ssyncadd.s32 $0xFFFFC000  }
0x1a: {  	[spmem:s2] =	stream.indirect.scatter.add.f32 [tilespmem:s19], [sflag:$0x3], $0x80, s23, s18, $0xb8;
	[tilespmem:$0x1E800] =	vst v63  }
0x1b: {  	_ =	swait.ge [sflag:s16], $0x4000  }
0x1c: {  	[sflag:s16] =	ssyncset.done $0x0  }
0x1d: {  	[sflag:s16] =	ssyncadd.s32 $0xFFFFC000  }
0x1e: {  	_ =	swait.ge [sflag:s22], $0x4000  }
0x1f: {  	[sflag:s22] =	ssyncset.done $0x0  }
0x20: {  	[sflag:s22] =	ssyncadd.s32 $0xFFFFC000  }
0x21: {  	[spmem:s2] =	stream.indirect.scatter.add.f32 [tilespmem:s20], [sflag:$0x3], $0x80, s24, s18, $0xb8;
	[tilespmem:$0x1E800] =	vst v63  }
0x22: {  	_ =	swait.ge [sflag:s16], $0x4000  }
0x23: {  	[sflag:s16] =	ssyncset.done $0x0  }
0x24: {  	[sflag:s16] =	ssyncadd.s32 $0xFFFFC000  }
.LBB2_9:
0x25: {  	s25 =	sadd.s32 $0x1, s25  }
0x26: {  	p1 =	sne.s32 s25, s14  }
.Ltmp1:
0x27: {  	[bflag:$0x0] =	sbarrier.arrive $0xFFFF;
	(pc) =	sbr.rel @!p1 .LBB2_10-.Ltmp1, $4  }
0x28: {  	[hbm:s13], [sflag:s6] =	dma.local [spmem:s15], $0x2800  }
0x29: {  	_ =	swait.ge [sflag:s16], $0x2800  }
0x2a: {  	[sflag:s16] =	ssyncset.done $0x0  }
0x2b: {  	[sflag:s16] =	ssyncadd.s32 $0xFFFFD800  }
.LBB2_1:
0x2c: {  	[spmem:s15], [sflag:s6] =	dma.local [hbm:s5], $0x2800  }
0x2d: {  	_ =	swait.ge [sflag:s16], $0x2800  }
0x2e: {  	[sflag:s16] =	ssyncset.done $0x0  }
0x2f: {  	[sflag:s16] =	ssyncadd.s32 $0xFFFFD800  }
0x30: {  	[bflag:$0x0] =	sbarrier.arrive $0xFFFF  }
0x31: {  	[tilespmem:s3], [sflag:$0x3] =	stream.linear.gather [hbm4b:s7+s3], $0x1400, $0x38;
	[tilespmem:$0x1E800] =	vst v63  }
0x32: {  	_ =	swait.ge [sflag:s16], $0x1400  }
0x33: {  	[sflag:s16] =	ssyncset.done $0x0  }
0x34: {  	[sflag:s16] =	ssyncadd.s32 $0xFFFFEC00  }
0x35: {  	[tilespmem:s17], [sflag:$0x3] =	stream.linear.gather [hbm4b:s8+s3], $0x1400, $0x38;
	[tilespmem:$0x1E800] =	vst v63  }
0x36: {  	_ =	swait.ge [sflag:s16], $0x1400  }
0x37: {  	[sflag:s16] =	ssyncset.done $0x0  }
0x38: {  	[sflag:s16] =	ssyncadd.s32 $0xFFFFEC00  }
0x39: {  	[tilespmem:s19], [sflag:$0x1] =	stream.indirect.gather [hbm4b:s4+s18], $0x80, s3, s18, $0xb8;
	[tilespmem:$0x1E800] =	vst v63  }
0x3a: {  	_ = 	snop  }
0x3b: {  	[tilespmem:s20], [sflag:$0x2] =	stream.indirect.gather [hbm4b:s4+s18], $0x80, s18, s18, $0xb8;
	[tilespmem:$0x1E800] =	vst v63  }
0x3c: {  	_ =	swait.ge [sflag:s21], $0x4000  }
0x3d: {  	[sflag:s21] =	ssyncset.done $0x0  }
0x3e: {  	s26 =	simm.s32 $0x1400;
	[sflag:s21] =	ssyncadd.s32 $0xFFFFC000  }
0x3f: {  	[spmem:s2] =	stream.indirect.scatter.add.f32 [tilespmem:s19], [sflag:$0x3], $0x80, s26, s18, $0xb8;
	[tilespmem:$0x1E800] =	vst v63  }
0x40: {  	_ =	swait.ge [sflag:s16], $0x4000  }
0x41: {  	[sflag:s16] =	ssyncset.done $0x0  }
0x42: {  	s30 =	simm.s32 $0x100;
	[sflag:s16] =	ssyncadd.s32 $0xFFFFC000  }
0x43: {  	[tilespmem:s19], [sflag:$0x1] =	stream.indirect.gather [hbm4b:s4+s18], $0x80, s30, s18, $0xb8;
	[tilespmem:$0x1E800] =	vst v63  }
0x44: {  	_ =	swait.ge [sflag:s22], $0x4000  }
0x45: {  	[sflag:s22] =	ssyncset.done $0x0  }
0x46: {  	s31 =	simm.s32 $0x1480;
	[sflag:s22] =	ssyncadd.s32 $0xFFFFC000  }
0x47: {  	[spmem:s2] =	stream.indirect.scatter.add.f32 [tilespmem:s20], [sflag:$0x3], $0x80, s31, s18, $0xb8;
	[tilespmem:$0x1E800] =	vst v63  }
0x48: {  	_ =	swait.ge [sflag:s16], $0x4000  }
0x49: {  	[sflag:s16] =	ssyncset.done $0x0  }
0x4a: {  	s28 =	simm.s32 $0x180;
	s26 =	simm.s32 $0x400;
	[sflag:s16] =	ssyncadd.s32 $0xFFFFC000  }
.LBB2_2:
0x4b: {  	[tilespmem:s20], [sflag:$0x2] =	stream.indirect.gather [hbm4b:s4+s18], $0x80, s28, s18, $0xb8;
	[tilespmem:$0x1E800] =	vst v63  }
0x4c: {  	s28 =	smov.u32 s26  }
0x4d: {  	p1 =	sne.s32 s26, $0x4800;
	s26 =	sadd.s32 $0x400, s26;
	_ =	swait.ge [sflag:s21], $0x4000  }
0x4e: {  	s28 =	sshra.s32 s28, $0x2;
	[sflag:s21] =	ssyncset.done $0x0  }
0x4f: {  	s29 =	sadd.s32 $0x1400, s28;
	[sflag:s21] =	ssyncadd.s32 $0xFFFFC000  }
0x50: {  	[spmem:s2] =	stream.indirect.scatter.add.f32 [tilespmem:s19], [sflag:$0x3], $0x80, s29, s18, $0xb8;
	[tilespmem:$0x1E800] =	vst v63  }
0x51: {  	_ =	swait.ge [sflag:s16], $0x4000  }
0x52: {  	[sflag:s16] =	ssyncset.done $0x0  }
0x53: {  	s29 =	sadd.s32 $0x100, s28;
	[sflag:s16] =	ssyncadd.s32 $0xFFFFC000  }
0x54: {  	[tilespmem:s19], [sflag:$0x1] =	stream.indirect.gather [hbm4b:s4+s18], $0x80, s29, s18, $0xb8;
	[tilespmem:$0x1E800] =	vst v63  }
0x55: {  	_ =	swait.ge [sflag:s22], $0x4000  }
0x56: {  	[sflag:s22] =	ssyncset.done $0x0  }
.Ltmp2:
0x57: {  	s29 =	sadd.s32 $0x1480, s28;
	[sflag:s22] =	ssyncadd.s32 $0xFFFFC000;
	(pc) =	sbr.rel @p1 .LBB2_2-.Ltmp2, $4  }
0x58: {  	[spmem:s2] =	stream.indirect.scatter.add.f32 [tilespmem:s20], [sflag:$0x3], $0x80, s29, s18, $0xb8;
	[tilespmem:$0x1E800] =	vst v63  }
0x59: {  	_ =	swait.ge [sflag:s16], $0x4000  }
0x5a: {  	[sflag:s16] =	ssyncset.done $0x0  }
0x5b: {  	s28 =	sadd.s32 $0x180, s28;
	[sflag:s16] =	ssyncadd.s32 $0xFFFFC000  }
0x5c: {  	[tilespmem:s20], [sflag:$0x2] =	stream.indirect.gather [hbm4b:s4+s18], $0x80, s28, s18, $0xb8;
	[tilespmem:$0x1E800] =	vst v63  }
0x5d: {  	_ =	swait.ge [sflag:s21], $0x4000  }
0x5e: {  	[sflag:s21] =	ssyncset.done $0x0  }
0x5f: {  	[sflag:s21] =	ssyncadd.s32 $0xFFFFC000  }
0x60: {  	[spmem:s2] =	stream.indirect.scatter.add.f32 [tilespmem:s19], [sflag:$0x3], $0x80, s23, s18, $0xb8;
	[tilespmem:$0x1E800] =	vst v63  }
0x61: {  	_ =	swait.ge [sflag:s16], $0x4000  }
0x62: {  	[sflag:s16] =	ssyncset.done $0x0  }
0x63: {  	[sflag:s16] =	ssyncadd.s32 $0xFFFFC000  }
0x64: {  	_ =	swait.ge [sflag:s22], $0x4000  }
0x65: {  	[sflag:s22] =	ssyncset.done $0x0  }
.Ltmp3:
0x66: {  	[sflag:s22] =	ssyncadd.s32 $0xFFFFC000;
	(pc) =	sbr.rel @p0 .LBB2_9-.Ltmp3, $4  }
0x67: {  	[spmem:s2] =	stream.indirect.scatter.add.f32 [tilespmem:s20], [sflag:$0x3], $0x80, s24, s18, $0xb8;
	[tilespmem:$0x1E800] =	vst v63  }
0x68: {  	_ =	swait.ge [sflag:s16], $0x4000  }
0x69: {  	[sflag:s16] =	ssyncset.done $0x0  }
0x6a: {  	[sflag:s16] =	ssyncadd.s32 $0xFFFFC000  }
0x6b: {  	s26 =	simm.s32 $0x0  }
0x6c: {  	[tilespmem:s26], [sflag:$0x3] =	stream.linear.gather [hbm4b:s9+s26], $0x1400, $0x38;
	[tilespmem:$0x1E800] =	vst v63  }
0x6d: {  	_ =	swait.ge [sflag:s16], $0x1400  }
0x6e: {  	[sflag:s16] =	ssyncset.done $0x0  }
0x6f: {  	[sflag:s16] =	ssyncadd.s32 $0xFFFFEC00  }
0x70: {  	[tilespmem:s17], [sflag:$0x3] =	stream.linear.gather [hbm4b:s10+s26], $0x1400, $0x38;
	[tilespmem:$0x1E800] =	vst v63  }
0x71: {  	_ =	swait.ge [sflag:s16], $0x1400  }
0x72: {  	[sflag:s16] =	ssyncset.done $0x0  }
0x73: {  	[sflag:s16] =	ssyncadd.s32 $0xFFFFEC00  }
0x74: {  	[tilespmem:s19], [sflag:$0x1] =	stream.indirect.gather [hbm4b:s4+s18], $0x80, s26, s18, $0xb8;
	[tilespmem:$0x1E800] =	vst v63  }
0x75: {  	_ = 	snop  }
0x76: {  	[tilespmem:s20], [sflag:$0x2] =	stream.indirect.gather [hbm4b:s4+s18], $0x80, s18, s18, $0xb8;
	[tilespmem:$0x1E800] =	vst v63  }
0x77: {  	_ =	swait.ge [sflag:s21], $0x4000  }
0x78: {  	[sflag:s21] =	ssyncset.done $0x0  }
0x79: {  	s29 =	simm.s32 $0x1400;
	[sflag:s21] =	ssyncadd.s32 $0xFFFFC000  }
0x7a: {  	[spmem:s2] =	stream.indirect.scatter.add.f32 [tilespmem:s19], [sflag:$0x3], $0x80, s29, s18, $0xb8;
	[tilespmem:$0x1E800] =	vst v63  }
0x7b: {  	_ =	swait.ge [sflag:s16], $0x4000  }
0x7c: {  	[sflag:s16] =	ssyncset.done $0x0  }
0x7d: {  	s30 =	simm.s32 $0x100;
	[sflag:s16] =	ssyncadd.s32 $0xFFFFC000  }
0x7e: {  	[tilespmem:s19], [sflag:$0x1] =	stream.indirect.gather [hbm4b:s4+s18], $0x80, s30, s18, $0xb8;
	[tilespmem:$0x1E800] =	vst v63  }
0x7f: {  	_ =	swait.ge [sflag:s22], $0x4000  }
0x80: {  	[sflag:s22] =	ssyncset.done $0x0  }
0x81: {  	s31 =	simm.s32 $0x1480;
	[sflag:s22] =	ssyncadd.s32 $0xFFFFC000  }
0x82: {  	[spmem:s2] =	stream.indirect.scatter.add.f32 [tilespmem:s20], [sflag:$0x3], $0x80, s31, s18, $0xb8;
	[tilespmem:$0x1E800] =	vst v63  }
0x83: {  	_ =	swait.ge [sflag:s16], $0x4000  }
0x84: {  	[sflag:s16] =	ssyncset.done $0x0  }
0x85: {  	s28 =	simm.s32 $0x180;
	s26 =	simm.s32 $0x400;
	[sflag:s16] =	ssyncadd.s32 $0xFFFFC000  }
.LBB2_5:
0x86: {  	[tilespmem:s20], [sflag:$0x2] =	stream.indirect.gather [hbm4b:s4+s18], $0x80, s28, s18, $0xb8;
	[tilespmem:$0x1E800] =	vst v63  }
0x87: {  	s28 =	smov.u32 s26  }
0x88: {  	p1 =	sne.s32 s26, $0x4800;
	s26 =	sadd.s32 $0x400, s26;
	_ =	swait.ge [sflag:s21], $0x4000  }
0x89: {  	s28 =	sshra.s32 s28, $0x2;
	[sflag:s21] =	ssyncset.done $0x0  }
0x8a: {  	s29 =	sadd.s32 $0x1400, s28;
	[sflag:s21] =	ssyncadd.s32 $0xFFFFC000  }
0x8b: {  	[spmem:s2] =	stream.indirect.scatter.add.f32 [tilespmem:s19], [sflag:$0x3], $0x80, s29, s18, $0xb8;
	[tilespmem:$0x1E800] =	vst v63  }
0x8c: {  	_ =	swait.ge [sflag:s16], $0x4000  }
0x8d: {  	[sflag:s16] =	ssyncset.done $0x0  }
0x8e: {  	s29 =	sadd.s32 $0x100, s28;
	[sflag:s16] =	ssyncadd.s32 $0xFFFFC000  }
0x8f: {  	[tilespmem:s19], [sflag:$0x1] =	stream.indirect.gather [hbm4b:s4+s18], $0x80, s29, s18, $0xb8;
	[tilespmem:$0x1E800] =	vst v63  }
0x90: {  	_ =	swait.ge [sflag:s22], $0x4000  }
0x91: {  	[sflag:s22] =	ssyncset.done $0x0  }
.Ltmp4:
0x92: {  	s29 =	sadd.s32 $0x1480, s28;
	[sflag:s22] =	ssyncadd.s32 $0xFFFFC000;
	(pc) =	sbr.rel @p1 .LBB2_5-.Ltmp4, $4  }
0x93: {  	[spmem:s2] =	stream.indirect.scatter.add.f32 [tilespmem:s20], [sflag:$0x3], $0x80, s29, s18, $0xb8;
	[tilespmem:$0x1E800] =	vst v63  }
0x94: {  	_ =	swait.ge [sflag:s16], $0x4000  }
0x95: {  	[sflag:s16] =	ssyncset.done $0x0  }
0x96: {  	s28 =	sadd.s32 $0x180, s28;
	[sflag:s16] =	ssyncadd.s32 $0xFFFFC000  }
0x97: {  	[tilespmem:s20], [sflag:$0x2] =	stream.indirect.gather [hbm4b:s4+s18], $0x80, s28, s18, $0xb8;
	[tilespmem:$0x1E800] =	vst v63  }
0x98: {  	_ =	swait.ge [sflag:s21], $0x4000  }
0x99: {  	[sflag:s21] =	ssyncset.done $0x0  }
0x9a: {  	[sflag:s21] =	ssyncadd.s32 $0xFFFFC000  }
0x9b: {  	[spmem:s2] =	stream.indirect.scatter.add.f32 [tilespmem:s19], [sflag:$0x3], $0x80, s23, s18, $0xb8;
	[tilespmem:$0x1E800] =	vst v63  }
0x9c: {  	_ =	swait.ge [sflag:s16], $0x4000  }
0x9d: {  	[sflag:s16] =	ssyncset.done $0x0  }
0x9e: {  	[sflag:s16] =	ssyncadd.s32 $0xFFFFC000  }
0x9f: {  	_ =	swait.ge [sflag:s22], $0x4000  }
0xa0: {  	[sflag:s22] =	ssyncset.done $0x0  }
0xa1: {  	[sflag:s22] =	ssyncadd.s32 $0xFFFFC000  }
0xa2: {  	[spmem:s2] =	stream.indirect.scatter.add.f32 [tilespmem:s20], [sflag:$0x3], $0x80, s24, s18, $0xb8;
	[tilespmem:$0x1E800] =	vst v63  }
0xa3: {  	_ =	swait.ge [sflag:s16], $0x4000  }
0xa4: {  	[sflag:s16] =	ssyncset.done $0x0  }
0xa5: {  	s26 =	simm.s32 $0x0;
	[sflag:s16] =	ssyncadd.s32 $0xFFFFC000  }
0xa6: {  	[tilespmem:s26], [sflag:$0x3] =	stream.linear.gather [hbm4b:s11+s26], $0x1400, $0x38;
	[tilespmem:$0x1E800] =	vst v63  }
0xa7: {  	_ =	swait.ge [sflag:s16], $0x1400  }
0xa8: {  	[sflag:s16] =	ssyncset.done $0x0  }
0xa9: {  	[sflag:s16] =	ssyncadd.s32 $0xFFFFEC00  }
0xaa: {  	[tilespmem:s17], [sflag:$0x3] =	stream.linear.gather [hbm4b:s12+s26], $0x1400, $0x38;
	[tilespmem:$0x1E800] =	vst v63  }
0xab: {  	_ =	swait.ge [sflag:s16], $0x1400  }
0xac: {  	[sflag:s16] =	ssyncset.done $0x0  }
0xad: {  	[sflag:s16] =	ssyncadd.s32 $0xFFFFEC00  }
0xae: {  	[tilespmem:s19], [sflag:$0x1] =	stream.indirect.gather [hbm4b:s4+s18], $0x80, s26, s18, $0xb8;
	[tilespmem:$0x1E800] =	vst v63  }
0xaf: {  	_ = 	snop  }
0xb0: {  	[tilespmem:s20], [sflag:$0x2] =	stream.indirect.gather [hbm4b:s4+s18], $0x80, s18, s18, $0xb8;
	[tilespmem:$0x1E800] =	vst v63  }
0xb1: {  	_ =	swait.ge [sflag:s21], $0x4000  }
0xb2: {  	[sflag:s21] =	ssyncset.done $0x0  }
0xb3: {  	s29 =	simm.s32 $0x1400;
	[sflag:s21] =	ssyncadd.s32 $0xFFFFC000  }
0xb4: {  	[spmem:s2] =	stream.indirect.scatter.add.f32 [tilespmem:s19], [sflag:$0x3], $0x80, s29, s18, $0xb8;
	[tilespmem:$0x1E800] =	vst v63  }
0xb5: {  	_ =	swait.ge [sflag:s16], $0x4000  }
0xb6: {  	[sflag:s16] =	ssyncset.done $0x0  }
0xb7: {  	s30 =	simm.s32 $0x100;
	[sflag:s16] =	ssyncadd.s32 $0xFFFFC000  }
0xb8: {  	[tilespmem:s19], [sflag:$0x1] =	stream.indirect.gather [hbm4b:s4+s18], $0x80, s30, s18, $0xb8;
	[tilespmem:$0x1E800] =	vst v63  }
0xb9: {  	_ =	swait.ge [sflag:s22], $0x4000  }
0xba: {  	[sflag:s22] =	ssyncset.done $0x0  }
0xbb: {  	s31 =	simm.s32 $0x1480;
	[sflag:s22] =	ssyncadd.s32 $0xFFFFC000  }
0xbc: {  	[spmem:s2] =	stream.indirect.scatter.add.f32 [tilespmem:s20], [sflag:$0x3], $0x80, s31, s18, $0xb8;
	[tilespmem:$0x1E800] =	vst v63  }
0xbd: {  	_ =	swait.ge [sflag:s16], $0x4000  }
0xbe: {  	[sflag:s16] =	ssyncset.done $0x0  }
0xbf: {  	s28 =	simm.s32 $0x180;
	s26 =	simm.s32 $0x400;
	[sflag:s16] =	ssyncadd.s32 $0xFFFFC000  }
.LBB2_7:
0xc0: {  	[tilespmem:s20], [sflag:$0x2] =	stream.indirect.gather [hbm4b:s4+s18], $0x80, s28, s18, $0xb8;
	[tilespmem:$0x1E800] =	vst v63  }
0xc1: {  	s28 =	smov.u32 s26  }
0xc2: {  	p1 =	sne.s32 s26, $0x4800;
	s26 =	sadd.s32 $0x400, s26;
	_ =	swait.ge [sflag:s21], $0x4000  }
0xc3: {  	s28 =	sshra.s32 s28, $0x2;
	[sflag:s21] =	ssyncset.done $0x0  }
0xc4: {  	s29 =	sadd.s32 $0x1400, s28;
	[sflag:s21] =	ssyncadd.s32 $0xFFFFC000  }
0xc5: {  	[spmem:s2] =	stream.indirect.scatter.add.f32 [tilespmem:s19], [sflag:$0x3], $0x80, s29, s18, $0xb8;
	[tilespmem:$0x1E800] =	vst v63  }
0xc6: {  	_ =	swait.ge [sflag:s16], $0x4000  }
0xc7: {  	[sflag:s16] =	ssyncset.done $0x0  }
0xc8: {  	s29 =	sadd.s32 $0x100, s28;
	[sflag:s16] =	ssyncadd.s32 $0xFFFFC000  }
0xc9: {  	[tilespmem:s19], [sflag:$0x1] =	stream.indirect.gather [hbm4b:s4+s18], $0x80, s29, s18, $0xb8;
	[tilespmem:$0x1E800] =	vst v63  }
0xca: {  	_ =	swait.ge [sflag:s22], $0x4000  }
0xcb: {  	[sflag:s22] =	ssyncset.done $0x0  }
.Ltmp5:
0xcc: {  	s29 =	sadd.s32 $0x1480, s28;
	[sflag:s22] =	ssyncadd.s32 $0xFFFFC000;
	(pc) =	sbr.rel @p1 .LBB2_7-.Ltmp5, $4  }
0xcd: {  	[spmem:s2] =	stream.indirect.scatter.add.f32 [tilespmem:s20], [sflag:$0x3], $0x80, s29, s18, $0xb8;
	[tilespmem:$0x1E800] =	vst v63  }
0xce: {  	_ =	swait.ge [sflag:s16], $0x4000  }
0xcf: {  	[sflag:s16] =	ssyncset.done $0x0  }
0xd0: {  	s28 =	sadd.s32 $0x180, s28;
	[sflag:s16] =	ssyncadd.s32 $0xFFFFC000  }
.Ltmp6:
0xd1: {  	_ = 	snop;
	(pc) =	sbr.rel .LBB2_8-.Ltmp6, $1  }
0xd2: {  	_ =	sdelay $0x3  }
.LBB2_10:
0xd3: {  	_ =	sfence.sel $0x180000  }
0xd4: {  	[bflag:$0x0] =	sbarrier.arrive $0xFFFF  }
0xd5: {  	p0 =	sne.s32 s1, $0x0;
	_ =	strace $0x90000050  }
0xd6: {  	s0 =	sadd.s32 @!p0 $0x100000, s0;
	[bflag:$0x2] =	sbarrier.arrive $0xFFFF  }
0xd7: {  	[sflag:s0] =	ssyncadd.tile.s32 @!p0 $0x1;
	_ =	shalt  }
.Lfunc_end2:
_tile_overlayer_lowered:
.L_overlay_start_2:
0xd8: {  	(tag) =	ssettag $0x2  }
0xd9: {  	s0 =	rddreg [dreg:$0x0];
	s2 =	stileid.u32  }
0xda: {  	s1 =	rddreg [dreg:$0x1];
	p0 =	sne.s32 s2, $0x0  }
0xdb: {  	s3 =	rddreg [dreg:$0x2];
	[bflag:$0x3] =	sbarrier.arrive $0xFFFF;
	s2 =	simm.s32 @!p0 $0x1C03  }
0xdc: {  	[timem:s3], [sflag:s2] =	dma.local @!p0 [hbm:s0], s1  }
0xdd: {  	s0 =	simm.s32 @!p0 $0x3  }
0xde: {  	_ =	swait.ge @!p0 [sflag:s0], s1  }
0xdf: {  	s1 =	ssub.s32 @!p0 $0x0, s1;
	[sflag:s0] =	ssyncset.done @!p0 $0x0  }
0xe0: {  	[sflag:s0] =	ssyncadd.s32 @!p0 s1  }
0xe1: {  	[bflag:$0x3] =	sbarrier.arrive $0xFFFF  }
0xe2: {  	_ =	shalt  }

</sc_bundles>
